<compile_context>
chip_gen: v7x
topology: tpu7x:2x2x1
jax: 0.10.2.dev20260603
libtpu: 0.0.44.dev20260713+nightly
codegen_flags: <defaults>
</compile_context>

<pallas_src>
import functools

import jax
import jax.numpy as jnp
from jax import lax
from jax.experimental import pallas as pl
from jax.experimental.pallas import tpu as pltpu
from jax.experimental.pallas import tpu_sc as plsc

AUG_T = 1024
B, L, D = 16, 4096, 128
HALF = L // 2
CPOS = 256
NCH = HALF // CPOS
NBUF = 3

_mesh = plsc.VectorSubcoreMesh(core_axis_name="c", subcore_axis_name="s")


@functools.partial(
    pl.kernel,
    out_type=jax.ShapeDtypeStruct((B, L, D), jnp.float32),
    mesh=_mesh,
    scratch_types=[
        pltpu.VMEM((NBUF, CPOS, D), jnp.float32),
        pltpu.VMEM((32,), jnp.int32),
        pltpu.SemaphoreType.DMA((NBUF,)),
        pltpu.SemaphoreType.DMA((NBUF,)),
    ],
)
def _sc_aug(x_hbm, lens_hbm, o_hbm, buf, lens_v, in_sem, out_sem):
    wid = lax.axis_index("s") * 2 + lax.axis_index("c")
    row = wid // 2
    base0 = (wid % 2) * HALF

    pltpu.sync_copy(lens_hbm, lens_v.at[pl.ds(0, 16)])
    slen = lens_v[pl.ds(row, 16)][0]
    lim_half = jnp.where(slen > AUG_T, jnp.minimum(slen - base0, HALF), 0)

    zeros16 = jnp.zeros((16,), jnp.float32)

    def start_in(k):
        s = k % NBUF
        return pltpu.async_copy(
            x_hbm.at[row, pl.ds(base0 + k * CPOS, CPOS)], buf.at[s], in_sem.at[s]
        )

    def start_out(k):
        s = k % NBUF
        return pltpu.async_copy(
            buf.at[s], o_hbm.at[row, pl.ds(base0 + k * CPOS, CPOS)], out_sem.at[s]
        )

    def zero_chunk(k):
        s = k % NBUF
        cbase = k * CPOS
        first = (10 - (base0 + cbase) % 10) % 10
        limit = jnp.clip(lim_half - cbase, 0, CPOS)
        ntrip = jnp.maximum(0, (limit - first + 9) // 10)

        def zbody(j, _, first=first, s=s):
            p = first + 10 * j
            for i in range(D // 16):
                buf[s, p, pl.ds(16 * i, 16)] = zeros16
            return 0

        lax.fori_loop(0, ntrip, zbody, 0)

    hin = [None] * NCH
    hout = [None] * NCH
    for k in range(NBUF):
        hin[k] = start_in(k)
    for k in range(NCH):
        if k >= 2 and k + 1 < NCH and k + 1 >= NBUF:
            hout[k - 2].wait()
            hin[k + 1] = start_in(k + 1)
        hin[k].wait()
        zero_chunk(k)
        hout[k] = start_out(k)
    hout[NCH - 3].wait()
    hout[NCH - 2].wait()
    hout[NCH - 1].wait()


def kernel(sequences, seq_lens):
    return _sc_aug(sequences, seq_lens), seq_lens

# --- scband reference (transcript-rebuilt; emitter-appended) ---
"""Pipeline reference for scband-random-augmentation-16801912062153 (READ-ONLY COPY).

The authoritative reference and input builder live on the scoring server;
editing this copy changes nothing except your own understanding.
"""

import jax, jax.numpy as jnp
import numpy as np

AUG_THRESHOLD = 1024  # init kwarg: augment_threshold


def setup_inputs(seed: int = 0) -> dict:
    key = jax.random.key(seed)
    k1, k2 = jax.random.split(key)
    sequences = jax.random.normal(k1, (16, 4096, 128), dtype=jnp.float32)
    seq_lens = jax.random.randint(k2, (16,), 0, 4096, dtype=jnp.int32)
    return {"sequences": sequences, "seq_lens": seq_lens}


def reference(sequences, seq_lens):
    # Faithful translation with deterministic augmentation methods:
    #   short sequences (len <= threshold): identity
    #   long sequences  (len >  threshold): mask_every_10th (zero out every
    #       10th valid position within the true sequence length)
    # Since identity / masking preserve per-row length, pad_sequence returns
    # the same padded shape [B, L, D] and seq_lens are unchanged.
    B, L, D = sequences.shape
    pos = jnp.arange(L)
    valid = pos[None, :] < seq_lens[:, None]
    is_long = (seq_lens > AUG_THRESHOLD)[:, None]
    mask = (pos[None, :] % 10 == 0) & valid & is_long
    new_seqs = jnp.where(mask[:, :, None], 0.0, sequences)
    new_seq_lens = seq_lens
    return new_seqs, new_seq_lens

if __name__ == "__main__":
    import jax
    _d = setup_inputs()
    print(jax.jit(kernel)(*tuple(_d.values())))

</pallas_src>

<mosaic_0001>
#map = affine_map<(d0, d1) -> (0, 0, 0)>
#map1 = affine_map<(d0, d1) -> (0)>
module attributes {stable_mosaic.version = 14 : i64} {
  func.func @_sc_aug(%arg0: i32, %arg1: i32, %arg2: memref<16x4096x128xf32, #tpu.memory_space<hbm>>, %arg3: memref<16xi32, #tpu.memory_space<hbm>>, %arg4: memref<16x4096x128xf32, #tpu.memory_space<hbm>>, %arg5: memref<3x256x128xf32, #tpu.memory_space<vmem>>, %arg6: memref<32xi32, #tpu.memory_space<vmem>>, %arg7: memref<3x!tpu.dma_semaphore, #tpu.memory_space<semaphore_mem>>, %arg8: memref<3x!tpu.dma_semaphore, #tpu.memory_space<semaphore_mem>>) attributes {dimension_semantics = [#tpu.dimension_semantics<core_parallel>, #tpu.dimension_semantics<subcore_parallel>], iteration_bounds = array<i64: 2, 16>, scalar_prefetch = 0 : i64, scratch_operands = 4 : i64, tpu.core_type = #tpu.core_type<sc_vector_subcore>, window_params = [{transform_indices = #map}, {transform_indices = #map1}, {transform_indices = #map}]} {
    %mul3A = arith.constant 2 : i32
    %mul3A_0 = arith.muli %arg1, %mul3A : i32
    %add3A = arith.addi %mul3A_0, %arg0 : i32
    %jit3A = arith.constant 2 : i32
    %div3A = arith.divsi %add3A, %jit3A : i32
    %sign3A = arith.constant 0 : i32
    %sign3A_1 = arith.cmpi sgt, %add3A, %sign3A : i32
    %sign3A_2 = arith.extui %sign3A_1 : i1 to i32
    %sign3A_3 = arith.constant 0 : i32
    %sign3A_4 = arith.cmpi slt, %add3A, %sign3A_3 : i32
    %sign3A_5 = arith.extui %sign3A_4 : i1 to i32
    %sign3A_6 = arith.subi %sign3A_2, %sign3A_5 : i32
    %sign3A_7 = arith.constant 0 : i32
    %sign3A_8 = arith.cmpi sgt, %jit3A, %sign3A_7 : i32
    %sign3A_9 = arith.extui %sign3A_8 : i1 to i32
    %sign3A_10 = arith.constant 0 : i32
    %sign3A_11 = arith.cmpi slt, %jit3A, %sign3A_10 : i32
    %sign3A_12 = arith.extui %sign3A_11 : i1 to i32
    %sign3A_13 = arith.subi %sign3A_9, %sign3A_12 : i32
    %ne3A = arith.cmpi ne, %sign3A_6, %sign3A_13 : i32
    %rem3A = arith.remsi %add3A, %jit3A : i32
    %ne3A_14 = arith.constant 0 : i32
    %ne3A_15 = arith.cmpi ne, %rem3A, %ne3A_14 : i32
    %and3A = arith.andi %ne3A, %ne3A_15 : i1
    %sub3A = arith.constant 1 : i32
    %sub3A_16 = arith.subi %div3A, %sub3A : i32
    %select_n3A = arith.select %and3A, %sub3A_16, %div3A : i32
    %jit3A_17 = arith.constant 2 : i32
    %eq3A = arith.constant 0 : i32
    %eq3A_18 = arith.cmpi eq, %jit3A_17, %eq3A : i32
    %jit3A_19 = arith.constant 1 : i32
    %select_n3A_20 = arith.select %eq3A_18, %jit3A_19, %jit3A_17 : i32
    %rem3A_21 = arith.remsi %add3A, %select_n3A_20 : i32
    %ne3A_22 = arith.constant 0 : i32
    %ne3A_23 = arith.cmpi ne, %rem3A_21, %ne3A_22 : i32
    %lt3A = arith.constant 0 : i32
    %lt3A_24 = arith.cmpi slt, %rem3A_21, %lt3A : i32
    %lt3A_25 = arith.constant 0 : i32
    %lt3A_26 = arith.cmpi slt, %select_n3A_20, %lt3A_25 : i32
    %ne3A_27 = arith.xori %lt3A_24, %lt3A_26 : i1
    %and3A_28 = arith.andi %ne3A_27, %ne3A_23 : i1
    %add3A_29 = arith.addi %rem3A_21, %select_n3A_20 : i32
    %select_n3A_30 = arith.select %and3A_28, %add3A_29, %rem3A_21 : i32
    %mul3A_31 = arith.constant 2048 : i32
    %mul3A_32 = arith.muli %select_n3A_30, %mul3A_31 : i32
    "tpu.region"() ({
      %run_scoped3A = tpu.sem_alloc : memref<!tpu.dma_semaphore, #tpu.memory_space<semaphore_mem>>
      %dma_start3A_1309 = arith.constant 0 : i32
      %dma_start3A_1310 = tpu.memref_slice %arg6[%dma_start3A_1309] : memref<32xi32, #tpu.memory_space<vmem>> -> memref<16xi32, #tpu.memory_space<vmem>>
      %dma_start3A_1311 = arith.constant 0 : i32
      %dma_start3A_1312 = tpu.memref_slice %arg6[%dma_start3A_1311] : memref<32xi32, #tpu.memory_space<vmem>> -> memref<16xi32, #tpu.memory_space<vmem>>
      tpu.enqueue_dma source(%arg3 : memref<16xi32, #tpu.memory_space<hbm>>) target(%dma_start3A_1312 : memref<16xi32, #tpu.memory_space<vmem>>) target_semaphore(%run_scoped3A : memref<!tpu.dma_semaphore, #tpu.memory_space<semaphore_mem>>)
      %dma_wait3A_1313 = arith.constant 0 : i32
      %dma_wait3A_1314 = tpu.memref_slice %arg6[%dma_wait3A_1313] : memref<32xi32, #tpu.memory_space<vmem>> -> memref<16xi32, #tpu.memory_space<vmem>>
      %dma_wait3A_1315 = arith.constant 0 : i32
      %dma_wait3A_1316 = tpu.memref_slice %arg6[%dma_wait3A_1315] : memref<32xi32, #tpu.memory_space<vmem>> -> memref<16xi32, #tpu.memory_space<vmem>>
      tpu.wait_dma2 semaphore(%run_scoped3A : memref<!tpu.dma_semaphore, #tpu.memory_space<semaphore_mem>>) src(%arg3 : memref<16xi32, #tpu.memory_space<hbm>>) dst(%dma_wait3A_1316 : memref<16xi32, #tpu.memory_space<vmem>>)
      tpu.yield
    }) : () -> ()
    %get3A = arith.index_cast %select_n3A : i32 to index
    %get3A_33 = tpu.vector_load %arg6[%get3A] {strides = array<i32>} : memref<32xi32, #tpu.memory_space<vmem>>, vector<16xi32>,
    %get3A_34 = vector.shape_cast %get3A_33 : vector<16xi32> to vector<16xi32>
    %slice3A = vector.extract_strided_slice %get3A_34 {offsets = [0], sizes = [1], strides = [1]} : vector<16xi32> to vector<1xi32>
    %squeeze3A = vector.extract %slice3A[0] : i32 from vector<1xi32>
    %gt3A = arith.constant 1024 : i32
    %gt3A_35 = arith.cmpi sgt, %squeeze3A, %gt3A : i32
    %sub3A_36 = arith.subi %squeeze3A, %mul3A_32 : i32
    %min3A = arith.constant 2048 : i32
    %min3A_37 = arith.minsi %sub3A_36, %min3A : i32
    %jit3A_38 = arith.constant 0 : i32
    %select_n3A_39 = arith.select %gt3A_35, %min3A_37, %jit3A_38 : i32
    %broadcast_in_dim3A = arith.constant 0.000000e+00 : f32
    %broadcast_in_dim3A_40 = vector.broadcast %broadcast_in_dim3A : f32 to vector<16xf32>
    %add3A_41 = arith.constant 0 : i32
    %add3A_42 = arith.addi %mul3A_32, %add3A_41 : i32
    %dma_start3A = arith.constant 0 : i32
    %dma_start3A_43 = arith.constant 0 : i32
    %dma_start3A_44 = arith.constant 0 : i32
    %dma_start3A_45 = arith.constant 0 : i32
    %dma_start3A_46 = tpu.memref_slice %arg5[%dma_start3A, %dma_start3A_44, %dma_start3A_45] : memref<3x256x128xf32, #tpu.memory_space<vmem>> -> memref<1x256x128xf32, #tpu.memory_space<vmem>>
    %dma_start3A_47 = tpu.memref_squeeze %dma_start3A_46 : memref<1x256x128xf32, #tpu.memory_space<vmem>> -> memref<256x128xf32, #tpu.memory_space<vmem>>
    %dma_start3A_48 = arith.constant 0 : i32
    %dma_start3A_49 = tpu.memref_slice %arg2[%select_n3A, %add3A_42, %dma_start3A_48] : memref<16x4096x128xf32, #tpu.memory_space<hbm>> -> memref<1x256x128xf32, #tpu.memory_space<hbm>>
    %dma_start3A_50 = tpu.memref_squeeze %dma_start3A_49 : memref<1x256x128xf32, #tpu.memory_space<hbm>> -> memref<256x128xf32, #tpu.memory_space<hbm>>
    %dma_start3A_51 = tpu.memref_slice %arg7[%dma_start3A_43] : memref<3x!tpu.dma_semaphore, #tpu.memory_space<semaphore_mem>> -> memref<1x!tpu.dma_semaphore, #tpu.memory_space<semaphore_mem>>
    %dma_start3A_52 = tpu.memref_squeeze %dma_start3A_51 : memref<1x!tpu.dma_semaphore, #tpu.memory_space<semaphore_mem>> -> memref<!tpu.dma_semaphore, #tpu.memory_space<semaphore_mem>>
    %dma_start3A_53 = arith.constant 0 : i32
    %dma_start3A_54 = arith.constant 0 : i32
    %dma_start3A_55 = tpu.memref_slice %arg5[%dma_start3A, %dma_start3A_53, %dma_start3A_54] : memref<3x256x128xf32, #tpu.memory_space<vmem>> -> memref<1x256x128xf32, #tpu.memory_space<vmem>>
    %dma_start3A_56 = tpu.memref_squeeze %dma_start3A_55 : memref<1x256x128xf32, #tpu.memory_space<vmem>> -> memref<256x128xf32, #tpu.memory_space<vmem>>
    %dma_start3A_57 = arith.constant 0 : i32
    %dma_start3A_58 = tpu.memref_slice %arg2[%select_n3A, %add3A_42, %dma_start3A_57] : memref<16x4096x128xf32, #tpu.memory_space<hbm>> -> memref<1x256x128xf32, #tpu.memory_space<hbm>>
    %dma_start3A_59 = tpu.memref_squeeze %dma_start3A_58 : memref<1x256x128xf32, #tpu.memory_space<hbm>> -> memref<256x128xf32, #tpu.memory_space<hbm>>
    tpu.enqueue_dma source(%dma_start3A_59 : memref<256x128xf32, #tpu.memory_space<hbm>>) target(%dma_start3A_56 : memref<256x128xf32, #tpu.memory_space<vmem>>) target_semaphore(%dma_start3A_52 : memref<!tpu.dma_semaphore, #tpu.memory_space<semaphore_mem>>)
    %add3A_60 = arith.constant 256 : i32
    %add3A_61 = arith.addi %mul3A_32, %add3A_60 : i32
    %dma_start3A_62 = arith.constant 1 : i32
    %dma_start3A_63 = arith.constant 1 : i32
    %dma_start3A_64 = arith.constant 0 : i32
    %dma_start3A_65 = arith.constant 0 : i32
    %dma_start3A_66 = tpu.memref_slice %arg5[%dma_start3A_62, %dma_start3A_64, %dma_start3A_65] : memref<3x256x128xf32, #tpu.memory_space<vmem>> -> memref<1x256x128xf32, #tpu.memory_space<vmem>>
    %dma_start3A_67 = tpu.memref_squeeze %dma_start3A_66 : memref<1x256x128xf32, #tpu.memory_space<vmem>> -> memref<256x128xf32, #tpu.memory_space<vmem>>
    %dma_start3A_68 = arith.constant 0 : i32
    %dma_start3A_69 = tpu.memref_slice %arg2[%select_n3A, %add3A_61, %dma_start3A_68] : memref<16x4096x128xf32, #tpu.memory_space<hbm>> -> memref<1x256x128xf32, #tpu.memory_space<hbm>>
    %dma_start3A_70 = tpu.memref_squeeze %dma_start3A_69 : memref<1x256x128xf32, #tpu.memory_space<hbm>> -> memref<256x128xf32, #tpu.memory_space<hbm>>
    %dma_start3A_71 = tpu.memref_slice %arg7[%dma_start3A_63] : memref<3x!tpu.dma_semaphore, #tpu.memory_space<semaphore_mem>> -> memref<1x!tpu.dma_semaphore, #tpu.memory_space<semaphore_mem>>
    %dma_start3A_72 = tpu.memref_squeeze %dma_start3A_71 : memref<1x!tpu.dma_semaphore, #tpu.memory_space<semaphore_mem>> -> memref<!tpu.dma_semaphore, #tpu.memory_space<semaphore_mem>>
    %dma_start3A_73 = arith.constant 0 : i32
    %dma_start3A_74 = arith.constant 0 : i32
    %dma_start3A_75 = tpu.memref_slice %arg5[%dma_start3A_62, %dma_start3A_73, %dma_start3A_74] : memref<3x256x128xf32, #tpu.memory_space<vmem>> -> memref<1x256x128xf32, #tpu.memory_space<vmem>>
    %dma_start3A_76 = tpu.memref_squeeze %dma_start3A_75 : memref<1x256x128xf32, #tpu.memory_space<vmem>> -> memref<256x128xf32, #tpu.memory_space<vmem>>
    %dma_start3A_77 = arith.constant 0 : i32
    %dma_start3A_78 = tpu.memref_slice %arg2[%select_n3A, %add3A_61, %dma_start3A_77] : memref<16x4096x128xf32, #tpu.memory_space<hbm>> -> memref<1x256x128xf32, #tpu.memory_space<hbm>>
    %dma_start3A_79 = tpu.memref_squeeze %dma_start3A_78 : memref<1x256x128xf32, #tpu.memory_space<hbm>> -> memref<256x128xf32, #tpu.memory_space<hbm>>
    tpu.enqueue_dma source(%dma_start3A_79 : memref<256x128xf32, #tpu.memory_space<hbm>>) target(%dma_start3A_76 : memref<256x128xf32, #tpu.memory_space<vmem>>) target_semaphore(%dma_start3A_72 : memref<!tpu.dma_semaphore, #tpu.memory_space<semaphore_mem>>)
    %add3A_80 = arith.constant 512 : i32
    %add3A_81 = arith.addi %mul3A_32, %add3A_80 : i32
    %dma_start3A_82 = arith.constant 2 : i32
    %dma_start3A_83 = arith.constant 2 : i32
    %dma_start3A_84 = arith.constant 0 : i32
    %dma_start3A_85 = arith.constant 0 : i32
    %dma_start3A_86 = tpu.memref_slice %arg5[%dma_start3A_82, %dma_start3A_84, %dma_start3A_85] : memref<3x256x128xf32, #tpu.memory_space<vmem>> -> memref<1x256x128xf32, #tpu.memory_space<vmem>>
    %dma_start3A_87 = tpu.memref_squeeze %dma_start3A_86 : memref<1x256x128xf32, #tpu.memory_space<vmem>> -> memref<256x128xf32, #tpu.memory_space<vmem>>
    %dma_start3A_88 = arith.constant 0 : i32
    %dma_start3A_89 = tpu.memref_slice %arg2[%select_n3A, %add3A_81, %dma_start3A_88] : memref<16x4096x128xf32, #tpu.memory_space<hbm>> -> memref<1x256x128xf32, #tpu.memory_space<hbm>>
    %dma_start3A_90 = tpu.memref_squeeze %dma_start3A_89 : memref<1x256x128xf32, #tpu.memory_space<hbm>> -> memref<256x128xf32, #tpu.memory_space<hbm>>
    %dma_start3A_91 = tpu.memref_slice %arg7[%dma_start3A_83] : memref<3x!tpu.dma_semaphore, #tpu.memory_space<semaphore_mem>> -> memref<1x!tpu.dma_semaphore, #tpu.memory_space<semaphore_mem>>
    %dma_start3A_92 = tpu.memref_squeeze %dma_start3A_91 : memref<1x!tpu.dma_semaphore, #tpu.memory_space<semaphore_mem>> -> memref<!tpu.dma_semaphore, #tpu.memory_space<semaphore_mem>>
    %dma_start3A_93 = arith.constant 0 : i32
    %dma_start3A_94 = arith.constant 0 : i32
    %dma_start3A_95 = tpu.memref_slice %arg5[%dma_start3A_82, %dma_start3A_93, %dma_start3A_94] : memref<3x256x128xf32, #tpu.memory_space<vmem>> -> memref<1x256x128xf32, #tpu.memory_space<vmem>>
    %dma_start3A_96 = tpu.memref_squeeze %dma_start3A_95 : memref<1x256x128xf32, #tpu.memory_space<vmem>> -> memref<256x128xf32, #tpu.memory_space<vmem>>
    %dma_start3A_97 = arith.constant 0 : i32
    %dma_start3A_98 = tpu.memref_slice %arg2[%select_n3A, %add3A_81, %dma_start3A_97] : memref<16x4096x128xf32, #tpu.memory_space<hbm>> -> memref<1x256x128xf32, #tpu.memory_space<hbm>>
    %dma_start3A_99 = tpu.memref_squeeze %dma_start3A_98 : memref<1x256x128xf32, #tpu.memory_space<hbm>> -> memref<256x128xf32, #tpu.memory_space<hbm>>
    tpu.enqueue_dma source(%dma_start3A_99 : memref<256x128xf32, #tpu.memory_space<hbm>>) target(%dma_start3A_96 : memref<256x128xf32, #tpu.memory_space<vmem>>) target_semaphore(%dma_start3A_92 : memref<!tpu.dma_semaphore, #tpu.memory_space<semaphore_mem>>)
    %dma_wait3A = arith.constant 0 : i32
    %dma_wait3A_100 = arith.constant 0 : i32
    %dma_wait3A_101 = arith.constant 0 : i32
    %dma_wait3A_102 = arith.constant 0 : i32
    %dma_wait3A_103 = tpu.memref_slice %arg5[%dma_wait3A, %dma_wait3A_101, %dma_wait3A_102] : memref<3x256x128xf32, #tpu.memory_space<vmem>> -> memref<1x256x128xf32, #tpu.memory_space<vmem>>
    %dma_wait3A_104 = tpu.memref_squeeze %dma_wait3A_103 : memref<1x256x128xf32, #tpu.memory_space<vmem>> -> memref<256x128xf32, #tpu.memory_space<vmem>>
    %dma_wait3A_105 = arith.constant 0 : i32
    %dma_wait3A_106 = tpu.memref_slice %arg2[%select_n3A, %add3A_42, %dma_wait3A_105] : memref<16x4096x128xf32, #tpu.memory_space<hbm>> -> memref<1x256x128xf32, #tpu.memory_space<hbm>>
    %dma_wait3A_107 = tpu.memref_squeeze %dma_wait3A_106 : memref<1x256x128xf32, #tpu.memory_space<hbm>> -> memref<256x128xf32, #tpu.memory_space<hbm>>
    %dma_wait3A_108 = tpu.memref_slice %arg7[%dma_wait3A_100] : memref<3x!tpu.dma_semaphore, #tpu.memory_space<semaphore_mem>> -> memref<1x!tpu.dma_semaphore, #tpu.memory_space<semaphore_mem>>
    %dma_wait3A_109 = tpu.memref_squeeze %dma_wait3A_108 : memref<1x!tpu.dma_semaphore, #tpu.memory_space<semaphore_mem>> -> memref<!tpu.dma_semaphore, #tpu.memory_space<semaphore_mem>>
    %dma_wait3A_110 = arith.constant 0 : i32
    %dma_wait3A_111 = arith.constant 0 : i32
    %dma_wait3A_112 = tpu.memref_slice %arg5[%dma_wait3A, %dma_wait3A_110, %dma_wait3A_111] : memref<3x256x128xf32, #tpu.memory_space<vmem>> -> memref<1x256x128xf32, #tpu.memory_space<vmem>>
    %dma_wait3A_113 = tpu.memref_squeeze %dma_wait3A_112 : memref<1x256x128xf32, #tpu.memory_space<vmem>> -> memref<256x128xf32, #tpu.memory_space<vmem>>
    %dma_wait3A_114 = arith.constant 0 : i32
    %dma_wait3A_115 = tpu.memref_slice %arg2[%select_n3A, %add3A_42, %dma_wait3A_114] : memref<16x4096x128xf32, #tpu.memory_space<hbm>> -> memref<1x256x128xf32, #tpu.memory_space<hbm>>
    %dma_wait3A_116 = tpu.memref_squeeze %dma_wait3A_115 : memref<1x256x128xf32, #tpu.memory_space<hbm>> -> memref<256x128xf32, #tpu.memory_space<hbm>>
    tpu.wait_dma2 semaphore(%dma_wait3A_109 : memref<!tpu.dma_semaphore, #tpu.memory_space<semaphore_mem>>) src(%dma_wait3A_116 : memref<256x128xf32, #tpu.memory_space<hbm>>) dst(%dma_wait3A_113 : memref<256x128xf32, #tpu.memory_space<vmem>>)
    %add3A_117 = arith.constant 0 : i32
    %add3A_118 = arith.addi %mul3A_32, %add3A_117 : i32
    %jit3A_119 = arith.constant 10 : i32
    %eq3A_120 = arith.constant 0 : i32
    %eq3A_121 = arith.cmpi eq, %jit3A_119, %eq3A_120 : i32
    %jit3A_122 = arith.constant 1 : i32
    %select_n3A_123 = arith.select %eq3A_121, %jit3A_122, %jit3A_119 : i32
    %rem3A_124 = arith.remsi %add3A_118, %select_n3A_123 : i32
    %ne3A_125 = arith.constant 0 : i32
    %ne3A_126 = arith.cmpi ne, %rem3A_124, %ne3A_125 : i32
    %lt3A_127 = arith.constant 0 : i32
    %lt3A_128 = arith.cmpi slt, %rem3A_124, %lt3A_127 : i32
    %lt3A_129 = arith.constant 0 : i32
    %lt3A_130 = arith.cmpi slt, %select_n3A_123, %lt3A_129 : i32
    %ne3A_131 = arith.xori %lt3A_128, %lt3A_130 : i1
    %and3A_132 = arith.andi %ne3A_131, %ne3A_126 : i1
    %add3A_133 = arith.addi %rem3A_124, %select_n3A_123 : i32
    %select_n3A_134 = arith.select %and3A_132, %add3A_133, %rem3A_124 : i32
    %sub3A_135 = arith.constant 10 : i32
    %sub3A_136 = arith.subi %sub3A_135, %select_n3A_134 : i32
    %jit3A_137 = arith.constant 10 : i32
    %eq3A_138 = arith.constant 0 : i32
    %eq3A_139 = arith.cmpi eq, %jit3A_137, %eq3A_138 : i32
    %jit3A_140 = arith.constant 1 : i32
    %select_n3A_141 = arith.select %eq3A_139, %jit3A_140, %jit3A_137 : i32
    %rem3A_142 = arith.remsi %sub3A_136, %select_n3A_141 : i32
    %ne3A_143 = arith.constant 0 : i32
    %ne3A_144 = arith.cmpi ne, %rem3A_142, %ne3A_143 : i32
    %lt3A_145 = arith.constant 0 : i32
    %lt3A_146 = arith.cmpi slt, %rem3A_142, %lt3A_145 : i32
    %lt3A_147 = arith.constant 0 : i32
    %lt3A_148 = arith.cmpi slt, %select_n3A_141, %lt3A_147 : i32
    %ne3A_149 = arith.xori %lt3A_146, %lt3A_148 : i1
    %and3A_150 = arith.andi %ne3A_149, %ne3A_144 : i1
    %add3A_151 = arith.addi %rem3A_142, %select_n3A_141 : i32
    %select_n3A_152 = arith.select %and3A_150, %add3A_151, %rem3A_142 : i32
    %sub3A_153 = arith.constant 0 : i32
    %sub3A_154 = arith.subi %select_n3A_39, %sub3A_153 : i32
    %jit3A_155 = arith.constant 0 : i32
    %jit3A_156 = arith.constant 256 : i32
    %max3A = arith.maxsi %jit3A_155, %sub3A_154 : i32
    %min3A_157 = arith.minsi %jit3A_156, %max3A : i32
    %sub3A_158 = arith.subi %min3A_157, %select_n3A_152 : i32
    %add3A_159 = arith.constant 9 : i32
    %add3A_160 = arith.addi %sub3A_158, %add3A_159 : i32
    %jit3A_161 = arith.constant 10 : i32
    %div3A_162 = arith.divsi %add3A_160, %jit3A_161 : i32
    %sign3A_163 = arith.constant 0 : i32
    %sign3A_164 = arith.cmpi sgt, %add3A_160, %sign3A_163 : i32
    %sign3A_165 = arith.extui %sign3A_164 : i1 to i32
    %sign3A_166 = arith.constant 0 : i32
    %sign3A_167 = arith.cmpi slt, %add3A_160, %sign3A_166 : i32
    %sign3A_168 = arith.extui %sign3A_167 : i1 to i32
    %sign3A_169 = arith.subi %sign3A_165, %sign3A_168 : i32
    %sign3A_170 = arith.constant 0 : i32
    %sign3A_171 = arith.cmpi sgt, %jit3A_161, %sign3A_170 : i32
    %sign3A_172 = arith.extui %sign3A_171 : i1 to i32
    %sign3A_173 = arith.constant 0 : i32
    %sign3A_174 = arith.cmpi slt, %jit3A_161, %sign3A_173 : i32
    %sign3A_175 = arith.extui %sign3A_174 : i1 to i32
    %sign3A_176 = arith.subi %sign3A_172, %sign3A_175 : i32
    %ne3A_177 = arith.cmpi ne, %sign3A_169, %sign3A_176 : i32
    %rem3A_178 = arith.remsi %add3A_160, %jit3A_161 : i32
    %ne3A_179 = arith.constant 0 : i32
    %ne3A_180 = arith.cmpi ne, %rem3A_178, %ne3A_179 : i32
    %and3A_181 = arith.andi %ne3A_177, %ne3A_180 : i1
    %sub3A_182 = arith.constant 1 : i32
    %sub3A_183 = arith.subi %div3A_162, %sub3A_182 : i32
    %select_n3A_184 = arith.select %and3A_181, %sub3A_183, %div3A_162 : i32
    %max3A_185 = arith.constant 0 : i32
    %max3A_186 = arith.maxsi %max3A_185, %select_n3A_184 : i32
    %while3A = arith.constant 0 : i32
    %while3A_187 = arith.constant 0 : i32
    %while3A_188 = arith.subi %max3A_186, %while3A : i32
    %while3A_189 = arith.addi %while3A, %while3A_188 : i32
    %while3A_190 = arith.constant 1 : i32
    %while3A_191 = arith.divsi %while3A_188, %while3A_190 : i32
    %while3A_192 = arith.muli %while3A_191, %while3A_190 : i32
    %while3A_193 = arith.addi %while3A, %while3A_192 : i32
    %while3A_194 = arith.constant 1 : i32
    %while3A_195 = scf.for %while3A_1309 = %while3A to %while3A_193 step %while3A_194 iter_args(%while3A_1310 = %while3A_187) -> (i32)  : i32 {
      %mul3A_1311 = arith.constant 10 : i32
      %mul3A_1312 = arith.muli %mul3A_1311, %while3A_1309 : i32
      %add3A_1313 = arith.addi %select_n3A_152, %mul3A_1312 : i32
      %swap3A = arith.constant 0 : i32
      %swap3A_1314 = arith.index_cast %swap3A : i32 to index
      %swap3A_1315 = arith.index_cast %add3A_1313 : i32 to index
      %swap3A_1316 = arith.constant 0 : index
      %swap3A_1317 = tpu.vector_load %arg5[%swap3A_1314, %swap3A_1315, %swap3A_1316] {strides = array<i32>} : memref<3x256x128xf32, #tpu.memory_space<vmem>>, vector<1x1x16xf32>,
      %swap3A_1318 = vector.shape_cast %swap3A_1317 : vector<1x1x16xf32> to vector<16xf32>
      %swap3A_1319 = vector.shape_cast %broadcast_in_dim3A_40 : vector<16xf32> to vector<1x1x16xf32>
      tpu.vector_store %arg5[%swap3A_1314, %swap3A_1315, %swap3A_1316], %swap3A_1319 {strides = array<i32>} : memref<3x256x128xf32, #tpu.memory_space<vmem>>, vector<1x1x16xf32>,
      %swap3A_1320 = arith.constant 0 : i32
      %swap3A_1321 = arith.index_cast %swap3A_1320 : i32 to index
      %swap3A_1322 = arith.index_cast %add3A_1313 : i32 to index
      %swap3A_1323 = arith.constant 16 : index
      %swap3A_1324 = tpu.vector_load %arg5[%swap3A_1321, %swap3A_1322, %swap3A_1323] {strides = array<i32>} : memref<3x256x128xf32, #tpu.memory_space<vmem>>, vector<1x1x16xf32>,
      %swap3A_1325 = vector.shape_cast %swap3A_1324 : vector<1x1x16xf32> to vector<16xf32>
      %swap3A_1326 = vector.shape_cast %broadcast_in_dim3A_40 : vector<16xf32> to vector<1x1x16xf32>
      tpu.vector_store %arg5[%swap3A_1321, %swap3A_1322, %swap3A_1323], %swap3A_1326 {strides = array<i32>} : memref<3x256x128xf32, #tpu.memory_space<vmem>>, vector<1x1x16xf32>,
      %swap3A_1327 = arith.constant 0 : i32
      %swap3A_1328 = arith.index_cast %swap3A_1327 : i32 to index
      %swap3A_1329 = arith.index_cast %add3A_1313 : i32 to index
      %swap3A_1330 = arith.constant 32 : index
      %swap3A_1331 = tpu.vector_load %arg5[%swap3A_1328, %swap3A_1329, %swap3A_1330] {strides = array<i32>} : memref<3x256x128xf32, #tpu.memory_space<vmem>>, vector<1x1x16xf32>,
      %swap3A_1332 = vector.shape_cast %swap3A_1331 : vector<1x1x16xf32> to vector<16xf32>
      %swap3A_1333 = vector.shape_cast %broadcast_in_dim3A_40 : vector<16xf32> to vector<1x1x16xf32>
      tpu.vector_store %arg5[%swap3A_1328, %swap3A_1329, %swap3A_1330], %swap3A_1333 {strides = array<i32>} : memref<3x256x128xf32, #tpu.memory_space<vmem>>, vector<1x1x16xf32>,
      %swap3A_1334 = arith.constant 0 : i32
      %swap3A_1335 = arith.index_cast %swap3A_1334 : i32 to index
      %swap3A_1336 = arith.index_cast %add3A_1313 : i32 to index
      %swap3A_1337 = arith.constant 48 : index
      %swap3A_1338 = tpu.vector_load %arg5[%swap3A_1335, %swap3A_1336, %swap3A_1337] {strides = array<i32>} : memref<3x256x128xf32, #tpu.memory_space<vmem>>, vector<1x1x16xf32>,
      %swap3A_1339 = vector.shape_cast %swap3A_1338 : vector<1x1x16xf32> to vector<16xf32>
      %swap3A_1340 = vector.shape_cast %broadcast_in_dim3A_40 : vector<16xf32> to vector<1x1x16xf32>
      tpu.vector_store %arg5[%swap3A_1335, %swap3A_1336, %swap3A_1337], %swap3A_1340 {strides = array<i32>} : memref<3x256x128xf32, #tpu.memory_space<vmem>>, vector<1x1x16xf32>,
      %swap3A_1341 = arith.constant 0 : i32
      %swap3A_1342 = arith.index_cast %swap3A_1341 : i32 to index
      %swap3A_1343 = arith.index_cast %add3A_1313 : i32 to index
      %swap3A_1344 = arith.constant 64 : index
      %swap3A_1345 = tpu.vector_load %arg5[%swap3A_1342, %swap3A_1343, %swap3A_1344] {strides = array<i32>} : memref<3x256x128xf32, #tpu.memory_space<vmem>>, vector<1x1x16xf32>,
      %swap3A_1346 = vector.shape_cast %swap3A_1345 : vector<1x1x16xf32> to vector<16xf32>
      %swap3A_1347 = vector.shape_cast %broadcast_in_dim3A_40 : vector<16xf32> to vector<1x1x16xf32>
      tpu.vector_store %arg5[%swap3A_1342, %swap3A_1343, %swap3A_1344], %swap3A_1347 {strides = array<i32>} : memref<3x256x128xf32, #tpu.memory_space<vmem>>, vector<1x1x16xf32>,
      %swap3A_1348 = arith.constant 0 : i32
      %swap3A_1349 = arith.index_cast %swap3A_1348 : i32 to index
      %swap3A_1350 = arith.index_cast %add3A_1313 : i32 to index
      %swap3A_1351 = arith.constant 80 : index
      %swap3A_1352 = tpu.vector_load %arg5[%swap3A_1349, %swap3A_1350, %swap3A_1351] {strides = array<i32>} : memref<3x256x128xf32, #tpu.memory_space<vmem>>, vector<1x1x16xf32>,
      %swap3A_1353 = vector.shape_cast %swap3A_1352 : vector<1x1x16xf32> to vector<16xf32>
      %swap3A_1354 = vector.shape_cast %broadcast_in_dim3A_40 : vector<16xf32> to vector<1x1x16xf32>
      tpu.vector_store %arg5[%swap3A_1349, %swap3A_1350, %swap3A_1351], %swap3A_1354 {strides = array<i32>} : memref<3x256x128xf32, #tpu.memory_space<vmem>>, vector<1x1x16xf32>,
      %swap3A_1355 = arith.constant 0 : i32
      %swap3A_1356 = arith.index_cast %swap3A_1355 : i32 to index
      %swap3A_1357 = arith.index_cast %add3A_1313 : i32 to index
      %swap3A_1358 = arith.constant 96 : index
      %swap3A_1359 = tpu.vector_load %arg5[%swap3A_1356, %swap3A_1357, %swap3A_1358] {strides = array<i32>} : memref<3x256x128xf32, #tpu.memory_space<vmem>>, vector<1x1x16xf32>,
      %swap3A_1360 = vector.shape_cast %swap3A_1359 : vector<1x1x16xf32> to vector<16xf32>
      %swap3A_1361 = vector.shape_cast %broadcast_in_dim3A_40 : vector<16xf32> to vector<1x1x16xf32>
      tpu.vector_store %arg5[%swap3A_1356, %swap3A_1357, %swap3A_1358], %swap3A_1361 {strides = array<i32>} : memref<3x256x128xf32, #tpu.memory_space<vmem>>, vector<1x1x16xf32>,
      %swap3A_1362 = arith.constant 0 : i32
      %swap3A_1363 = arith.index_cast %swap3A_1362 : i32 to index
      %swap3A_1364 = arith.index_cast %add3A_1313 : i32 to index
      %swap3A_1365 = arith.constant 112 : index
      %swap3A_1366 = tpu.vector_load %arg5[%swap3A_1363, %swap3A_1364, %swap3A_1365] {strides = array<i32>} : memref<3x256x128xf32, #tpu.memory_space<vmem>>, vector<1x1x16xf32>,
      %swap3A_1367 = vector.shape_cast %swap3A_1366 : vector<1x1x16xf32> to vector<16xf32>
      %swap3A_1368 = vector.shape_cast %broadcast_in_dim3A_40 : vector<16xf32> to vector<1x1x16xf32>
      tpu.vector_store %arg5[%swap3A_1363, %swap3A_1364, %swap3A_1365], %swap3A_1368 {strides = array<i32>} : memref<3x256x128xf32, #tpu.memory_space<vmem>>, vector<1x1x16xf32>,
      %while3A_1369 = arith.constant 0 : i32
      scf.yield %while3A_1369 : i32
    }
    %while3A_196 = arith.constant 1 : i32
    %while3A_197 = scf.for %while3A_1309 = %while3A_193 to %while3A_189 step %while3A_196 iter_args(%while3A_1310 = %while3A_195) -> (i32)  : i32 {
      %mul3A_1311 = arith.constant 10 : i32
      %mul3A_1312 = arith.muli %mul3A_1311, %while3A_1309 : i32
      %add3A_1313 = arith.addi %select_n3A_152, %mul3A_1312 : i32
      %swap3A = arith.constant 0 : i32
      %swap3A_1314 = arith.index_cast %swap3A : i32 to index
      %swap3A_1315 = arith.index_cast %add3A_1313 : i32 to index
      %swap3A_1316 = arith.constant 0 : index
      %swap3A_1317 = tpu.vector_load %arg5[%swap3A_1314, %swap3A_1315, %swap3A_1316] {strides = array<i32>} : memref<3x256x128xf32, #tpu.memory_space<vmem>>, vector<1x1x16xf32>,
      %swap3A_1318 = vector.shape_cast %swap3A_1317 : vector<1x1x16xf32> to vector<16xf32>
      %swap3A_1319 = vector.shape_cast %broadcast_in_dim3A_40 : vector<16xf32> to vector<1x1x16xf32>
      tpu.vector_store %arg5[%swap3A_1314, %swap3A_1315, %swap3A_1316], %swap3A_1319 {strides = array<i32>} : memref<3x256x128xf32, #tpu.memory_space<vmem>>, vector<1x1x16xf32>,
      %swap3A_1320 = arith.constant 0 : i32
      %swap3A_1321 = arith.index_cast %swap3A_1320 : i32 to index
      %swap3A_1322 = arith.index_cast %add3A_1313 : i32 to index
      %swap3A_1323 = arith.constant 16 : index
      %swap3A_1324 = tpu.vector_load %arg5[%swap3A_1321, %swap3A_1322, %swap3A_1323] {strides = array<i32>} : memref<3x256x128xf32, #tpu.memory_space<vmem>>, vector<1x1x16xf32>,
      %swap3A_1325 = vector.shape_cast %swap3A_1324 : vector<1x1x16xf32> to vector<16xf32>
      %swap3A_1326 = vector.shape_cast %broadcast_in_dim3A_40 : vector<16xf32> to vector<1x1x16xf32>
      tpu.vector_store %arg5[%swap3A_1321, %swap3A_1322, %swap3A_1323], %swap3A_1326 {strides = array<i32>} : memref<3x256x128xf32, #tpu.memory_space<vmem>>, vector<1x1x16xf32>,
      %swap3A_1327 = arith.constant 0 : i32
      %swap3A_1328 = arith.index_cast %swap3A_1327 : i32 to index
      %swap3A_1329 = arith.index_cast %add3A_1313 : i32 to index
      %swap3A_1330 = arith.constant 32 : index
      %swap3A_1331 = tpu.vector_load %arg5[%swap3A_1328, %swap3A_1329, %swap3A_1330] {strides = array<i32>} : memref<3x256x128xf32, #tpu.memory_space<vmem>>, vector<1x1x16xf32>,
      %swap3A_1332 = vector.shape_cast %swap3A_1331 : vector<1x1x16xf32> to vector<16xf32>
      %swap3A_1333 = vector.shape_cast %broadcast_in_dim3A_40 : vector<16xf32> to vector<1x1x16xf32>
      tpu.vector_store %arg5[%swap3A_1328, %swap3A_1329, %swap3A_1330], %swap3A_1333 {strides = array<i32>} : memref<3x256x128xf32, #tpu.memory_space<vmem>>, vector<1x1x16xf32>,
      %swap3A_1334 = arith.constant 0 : i32
      %swap3A_1335 = arith.index_cast %swap3A_1334 : i32 to index
      %swap3A_1336 = arith.index_cast %add3A_1313 : i32 to index
      %swap3A_1337 = arith.constant 48 : index
      %swap3A_1338 = tpu.vector_load %arg5[%swap3A_1335, %swap3A_1336, %swap3A_1337] {strides = array<i32>} : memref<3x256x128xf32, #tpu.memory_space<vmem>>, vector<1x1x16xf32>,
      %swap3A_1339 = vector.shape_cast %swap3A_1338 : vector<1x1x16xf32> to vector<16xf32>
      %swap3A_1340 = vector.shape_cast %broadcast_in_dim3A_40 : vector<16xf32> to vector<1x1x16xf32>
      tpu.vector_store %arg5[%swap3A_1335, %swap3A_1336, %swap3A_1337], %swap3A_1340 {strides = array<i32>} : memref<3x256x128xf32, #tpu.memory_space<vmem>>, vector<1x1x16xf32>,
      %swap3A_1341 = arith.constant 0 : i32
      %swap3A_1342 = arith.index_cast %swap3A_1341 : i32 to index
      %swap3A_1343 = arith.index_cast %add3A_1313 : i32 to index
      %swap3A_1344 = arith.constant 64 : index
      %swap3A_1345 = tpu.vector_load %arg5[%swap3A_1342, %swap3A_1343, %swap3A_1344] {strides = array<i32>} : memref<3x256x128xf32, #tpu.memory_space<vmem>>, vector<1x1x16xf32>,
      %swap3A_1346 = vector.shape_cast %swap3A_1345 : vector<1x1x16xf32> to vector<16xf32>
      %swap3A_1347 = vector.shape_cast %broadcast_in_dim3A_40 : vector<16xf32> to vector<1x1x16xf32>
      tpu.vector_store %arg5[%swap3A_1342, %swap3A_1343, %swap3A_1344], %swap3A_1347 {strides = array<i32>} : memref<3x256x128xf32, #tpu.memory_space<vmem>>, vector<1x1x16xf32>,
      %swap3A_1348 = arith.constant 0 : i32
      %swap3A_1349 = arith.index_cast %swap3A_1348 : i32 to index
      %swap3A_1350 = arith.index_cast %add3A_1313 : i32 to index
      %swap3A_1351 = arith.constant 80 : index
      %swap3A_1352 = tpu.vector_load %arg5[%swap3A_1349, %swap3A_1350, %swap3A_1351] {strides = array<i32>} : memref<3x256x128xf32, #tpu.memory_space<vmem>>, vector<1x1x16xf32>,
      %swap3A_1353 = vector.shape_cast %swap3A_1352 : vector<1x1x16xf32> to vector<16xf32>
      %swap3A_1354 = vector.shape_cast %broadcast_in_dim3A_40 : vector<16xf32> to vector<1x1x16xf32>
      tpu.vector_store %arg5[%swap3A_1349, %swap3A_1350, %swap3A_1351], %swap3A_1354 {strides = array<i32>} : memref<3x256x128xf32, #tpu.memory_space<vmem>>, vector<1x1x16xf32>,
      %swap3A_1355 = arith.constant 0 : i32
      %swap3A_1356 = arith.index_cast %swap3A_1355 : i32 to index
      %swap3A_1357 = arith.index_cast %add3A_1313 : i32 to index
      %swap3A_1358 = arith.constant 96 : index
      %swap3A_1359 = tpu.vector_load %arg5[%swap3A_1356, %swap3A_1357, %swap3A_1358] {strides = array<i32>} : memref<3x256x128xf32, #tpu.memory_space<vmem>>, vector<1x1x16xf32>,
      %swap3A_1360 = vector.shape_cast %swap3A_1359 : vector<1x1x16xf32> to vector<16xf32>
      %swap3A_1361 = vector.shape_cast %broadcast_in_dim3A_40 : vector<16xf32> to vector<1x1x16xf32>
      tpu.vector_store %arg5[%swap3A_1356, %swap3A_1357, %swap3A_1358], %swap3A_1361 {strides = array<i32>} : memref<3x256x128xf32, #tpu.memory_space<vmem>>, vector<1x1x16xf32>,
      %swap3A_1362 = arith.constant 0 : i32
      %swap3A_1363 = arith.index_cast %swap3A_1362 : i32 to index
      %swap3A_1364 = arith.index_cast %add3A_1313 : i32 to index
      %swap3A_1365 = arith.constant 112 : index
      %swap3A_1366 = tpu.vector_load %arg5[%swap3A_1363, %swap3A_1364, %swap3A_1365] {strides = array<i32>} : memref<3x256x128xf32, #tpu.memory_space<vmem>>, vector<1x1x16xf32>,
      %swap3A_1367 = vector.shape_cast %swap3A_1366 : vector<1x1x16xf32> to vector<16xf32>
      %swap3A_1368 = vector.shape_cast %broadcast_in_dim3A_40 : vector<16xf32> to vector<1x1x16xf32>
      tpu.vector_store %arg5[%swap3A_1363, %swap3A_1364, %swap3A_1365], %swap3A_1368 {strides = array<i32>} : memref<3x256x128xf32, #tpu.memory_space<vmem>>, vector<1x1x16xf32>,
      %while3A_1369 = arith.constant 0 : i32
      scf.yield %while3A_1369 : i32
    }
    %add3A_198 = arith.constant 0 : i32
    %add3A_199 = arith.addi %mul3A_32, %add3A_198 : i32
    %dma_start3A_200 = arith.constant 0 : i32
    %dma_start3A_201 = arith.constant 0 : i32
    %dma_start3A_202 = arith.constant 0 : i32
    %dma_start3A_203 = arith.constant 0 : i32
    %dma_start3A_204 = tpu.memref_slice %arg5[%dma_start3A_200, %dma_start3A_202, %dma_start3A_203] : memref<3x256x128xf32, #tpu.memory_space<vmem>> -> memref<1x256x128xf32, #tpu.memory_space<vmem>>
    %dma_start3A_205 = tpu.memref_squeeze %dma_start3A_204 : memref<1x256x128xf32, #tpu.memory_space<vmem>> -> memref<256x128xf32, #tpu.memory_space<vmem>>
    %dma_start3A_206 = arith.constant 0 : i32
    %dma_start3A_207 = tpu.memref_slice %arg4[%select_n3A, %add3A_199, %dma_start3A_206] : memref<16x4096x128xf32, #tpu.memory_space<hbm>> -> memref<1x256x128xf32, #tpu.memory_space<hbm>>
    %dma_start3A_208 = tpu.memref_squeeze %dma_start3A_207 : memref<1x256x128xf32, #tpu.memory_space<hbm>> -> memref<256x128xf32, #tpu.memory_space<hbm>>
    %dma_start3A_209 = tpu.memref_slice %arg8[%dma_start3A_201] : memref<3x!tpu.dma_semaphore, #tpu.memory_space<semaphore_mem>> -> memref<1x!tpu.dma_semaphore, #tpu.memory_space<semaphore_mem>>
    %dma_start3A_210 = tpu.memref_squeeze %dma_start3A_209 : memref<1x!tpu.dma_semaphore, #tpu.memory_space<semaphore_mem>> -> memref<!tpu.dma_semaphore, #tpu.memory_space<semaphore_mem>>
    %dma_start3A_211 = arith.constant 0 : i32
    %dma_start3A_212 = tpu.memref_slice %arg4[%select_n3A, %add3A_199, %dma_start3A_211] : memref<16x4096x128xf32, #tpu.memory_space<hbm>> -> memref<1x256x128xf32, #tpu.memory_space<hbm>>
    %dma_start3A_213 = tpu.memref_squeeze %dma_start3A_212 : memref<1x256x128xf32, #tpu.memory_space<hbm>> -> memref<256x128xf32, #tpu.memory_space<hbm>>
    %dma_start3A_214 = arith.constant 0 : i32
    %dma_start3A_215 = arith.constant 0 : i32
    %dma_start3A_216 = tpu.memref_slice %arg5[%dma_start3A_200, %dma_start3A_214, %dma_start3A_215] : memref<3x256x128xf32, #tpu.memory_space<vmem>> -> memref<1x256x128xf32, #tpu.memory_space<vmem>>
    %dma_start3A_217 = tpu.memref_squeeze %dma_start3A_216 : memref<1x256x128xf32, #tpu.memory_space<vmem>> -> memref<256x128xf32, #tpu.memory_space<vmem>>
    tpu.enqueue_dma source(%dma_start3A_217 : memref<256x128xf32, #tpu.memory_space<vmem>>) target(%dma_start3A_213 : memref<256x128xf32, #tpu.memory_space<hbm>>) target_semaphore(%dma_start3A_210 : memref<!tpu.dma_semaphore, #tpu.memory_space<semaphore_mem>>)
    %dma_wait3A_218 = arith.constant 1 : i32
    %dma_wait3A_219 = arith.constant 1 : i32
    %dma_wait3A_220 = arith.constant 0 : i32
    %dma_wait3A_221 = arith.constant 0 : i32
    %dma_wait3A_222 = tpu.memref_slice %arg5[%dma_wait3A_218, %dma_wait3A_220, %dma_wait3A_221] : memref<3x256x128xf32, #tpu.memory_space<vmem>> -> memref<1x256x128xf32, #tpu.memory_space<vmem>>
    %dma_wait3A_223 = tpu.memref_squeeze %dma_wait3A_222 : memref<1x256x128xf32, #tpu.memory_space<vmem>> -> memref<256x128xf32, #tpu.memory_space<vmem>>
    %dma_wait3A_224 = arith.constant 0 : i32
    %dma_wait3A_225 = tpu.memref_slice %arg2[%select_n3A, %add3A_61, %dma_wait3A_224] : memref<16x4096x128xf32, #tpu.memory_space<hbm>> -> memref<1x256x128xf32, #tpu.memory_space<hbm>>
    %dma_wait3A_226 = tpu.memref_squeeze %dma_wait3A_225 : memref<1x256x128xf32, #tpu.memory_space<hbm>> -> memref<256x128xf32, #tpu.memory_space<hbm>>
    %dma_wait3A_227 = tpu.memref_slice %arg7[%dma_wait3A_219] : memref<3x!tpu.dma_semaphore, #tpu.memory_space<semaphore_mem>> -> memref<1x!tpu.dma_semaphore, #tpu.memory_space<semaphore_mem>>
    %dma_wait3A_228 = tpu.memref_squeeze %dma_wait3A_227 : memref<1x!tpu.dma_semaphore, #tpu.memory_space<semaphore_mem>> -> memref<!tpu.dma_semaphore, #tpu.memory_space<semaphore_mem>>
    %dma_wait3A_229 = arith.constant 0 : i32
    %dma_wait3A_230 = arith.constant 0 : i32
    %dma_wait3A_231 = tpu.memref_slice %arg5[%dma_wait3A_218, %dma_wait3A_229, %dma_wait3A_230] : memref<3x256x128xf32, #tpu.memory_space<vmem>> -> memref<1x256x128xf32, #tpu.memory_space<vmem>>
    %dma_wait3A_232 = tpu.memref_squeeze %dma_wait3A_231 : memref<1x256x128xf32, #tpu.memory_space<vmem>> -> memref<256x128xf32, #tpu.memory_space<vmem>>
    %dma_wait3A_233 = arith.constant 0 : i32
    %dma_wait3A_234 = tpu.memref_slice %arg2[%select_n3A, %add3A_61, %dma_wait3A_233] : memref<16x4096x128xf32, #tpu.memory_space<hbm>> -> memref<1x256x128xf32, #tpu.memory_space<hbm>>
    %dma_wait3A_235 = tpu.memref_squeeze %dma_wait3A_234 : memref<1x256x128xf32, #tpu.memory_space<hbm>> -> memref<256x128xf32, #tpu.memory_space<hbm>>
    tpu.wait_dma2 semaphore(%dma_wait3A_228 : memref<!tpu.dma_semaphore, #tpu.memory_space<semaphore_mem>>) src(%dma_wait3A_235 : memref<256x128xf32, #tpu.memory_space<hbm>>) dst(%dma_wait3A_232 : memref<256x128xf32, #tpu.memory_space<vmem>>)
    %add3A_236 = arith.constant 256 : i32
    %add3A_237 = arith.addi %mul3A_32, %add3A_236 : i32
    %jit3A_238 = arith.constant 10 : i32
    %eq3A_239 = arith.constant 0 : i32
    %eq3A_240 = arith.cmpi eq, %jit3A_238, %eq3A_239 : i32
    %jit3A_241 = arith.constant 1 : i32
    %select_n3A_242 = arith.select %eq3A_240, %jit3A_241, %jit3A_238 : i32
    %rem3A_243 = arith.remsi %add3A_237, %select_n3A_242 : i32
    %ne3A_244 = arith.constant 0 : i32
    %ne3A_245 = arith.cmpi ne, %rem3A_243, %ne3A_244 : i32
    %lt3A_246 = arith.constant 0 : i32
    %lt3A_247 = arith.cmpi slt, %rem3A_243, %lt3A_246 : i32
    %lt3A_248 = arith.constant 0 : i32
    %lt3A_249 = arith.cmpi slt, %select_n3A_242, %lt3A_248 : i32
    %ne3A_250 = arith.xori %lt3A_247, %lt3A_249 : i1
    %and3A_251 = arith.andi %ne3A_250, %ne3A_245 : i1
    %add3A_252 = arith.addi %rem3A_243, %select_n3A_242 : i32
    %select_n3A_253 = arith.select %and3A_251, %add3A_252, %rem3A_243 : i32
    %sub3A_254 = arith.constant 10 : i32
    %sub3A_255 = arith.subi %sub3A_254, %select_n3A_253 : i32
    %jit3A_256 = arith.constant 10 : i32
    %eq3A_257 = arith.constant 0 : i32
    %eq3A_258 = arith.cmpi eq, %jit3A_256, %eq3A_257 : i32
    %jit3A_259 = arith.constant 1 : i32
    %select_n3A_260 = arith.select %eq3A_258, %jit3A_259, %jit3A_256 : i32
    %rem3A_261 = arith.remsi %sub3A_255, %select_n3A_260 : i32
    %ne3A_262 = arith.constant 0 : i32
    %ne3A_263 = arith.cmpi ne, %rem3A_261, %ne3A_262 : i32
    %lt3A_264 = arith.constant 0 : i32
    %lt3A_265 = arith.cmpi slt, %rem3A_261, %lt3A_264 : i32
    %lt3A_266 = arith.constant 0 : i32
    %lt3A_267 = arith.cmpi slt, %select_n3A_260, %lt3A_266 : i32
    %ne3A_268 = arith.xori %lt3A_265, %lt3A_267 : i1
    %and3A_269 = arith.andi %ne3A_268, %ne3A_263 : i1
    %add3A_270 = arith.addi %rem3A_261, %select_n3A_260 : i32
    %select_n3A_271 = arith.select %and3A_269, %add3A_270, %rem3A_261 : i32
    %sub3A_272 = arith.constant 256 : i32
    %sub3A_273 = arith.subi %select_n3A_39, %sub3A_272 : i32
    %jit3A_274 = arith.constant 0 : i32
    %jit3A_275 = arith.constant 256 : i32
    %max3A_276 = arith.maxsi %jit3A_274, %sub3A_273 : i32
    %min3A_277 = arith.minsi %jit3A_275, %max3A_276 : i32
    %sub3A_278 = arith.subi %min3A_277, %select_n3A_271 : i32
    %add3A_279 = arith.constant 9 : i32
    %add3A_280 = arith.addi %sub3A_278, %add3A_279 : i32
    %jit3A_281 = arith.constant 10 : i32
    %div3A_282 = arith.divsi %add3A_280, %jit3A_281 : i32
    %sign3A_283 = arith.constant 0 : i32
    %sign3A_284 = arith.cmpi sgt, %add3A_280, %sign3A_283 : i32
    %sign3A_285 = arith.extui %sign3A_284 : i1 to i32
    %sign3A_286 = arith.constant 0 : i32
    %sign3A_287 = arith.cmpi slt, %add3A_280, %sign3A_286 : i32
    %sign3A_288 = arith.extui %sign3A_287 : i1 to i32
    %sign3A_289 = arith.subi %sign3A_285, %sign3A_288 : i32
    %sign3A_290 = arith.constant 0 : i32
    %sign3A_291 = arith.cmpi sgt, %jit3A_281, %sign3A_290 : i32
    %sign3A_292 = arith.extui %sign3A_291 : i1 to i32
    %sign3A_293 = arith.constant 0 : i32
    %sign3A_294 = arith.cmpi slt, %jit3A_281, %sign3A_293 : i32
    %sign3A_295 = arith.extui %sign3A_294 : i1 to i32
    %sign3A_296 = arith.subi %sign3A_292, %sign3A_295 : i32
    %ne3A_297 = arith.cmpi ne, %sign3A_289, %sign3A_296 : i32
    %rem3A_298 = arith.remsi %add3A_280, %jit3A_281 : i32
    %ne3A_299 = arith.constant 0 : i32
    %ne3A_300 = arith.cmpi ne, %rem3A_298, %ne3A_299 : i32
    %and3A_301 = arith.andi %ne3A_297, %ne3A_300 : i1
    %sub3A_302 = arith.constant 1 : i32
    %sub3A_303 = arith.subi %div3A_282, %sub3A_302 : i32
    %select_n3A_304 = arith.select %and3A_301, %sub3A_303, %div3A_282 : i32
    %max3A_305 = arith.constant 0 : i32
    %max3A_306 = arith.maxsi %max3A_305, %select_n3A_304 : i32
    %while3A_307 = arith.constant 0 : i32
    %while3A_308 = arith.constant 0 : i32
    %while3A_309 = arith.subi %max3A_306, %while3A_307 : i32
    %while3A_310 = arith.addi %while3A_307, %while3A_309 : i32
    %while3A_311 = arith.constant 1 : i32
    %while3A_312 = arith.divsi %while3A_309, %while3A_311 : i32
    %while3A_313 = arith.muli %while3A_312, %while3A_311 : i32
    %while3A_314 = arith.addi %while3A_307, %while3A_313 : i32
    %while3A_315 = arith.constant 1 : i32
    %while3A_316 = scf.for %while3A_1309 = %while3A_307 to %while3A_314 step %while3A_315 iter_args(%while3A_1310 = %while3A_308) -> (i32)  : i32 {
      %mul3A_1311 = arith.constant 10 : i32
      %mul3A_1312 = arith.muli %mul3A_1311, %while3A_1309 : i32
      %add3A_1313 = arith.addi %select_n3A_271, %mul3A_1312 : i32
      %swap3A = arith.constant 1 : i32
      %swap3A_1314 = arith.index_cast %swap3A : i32 to index
      %swap3A_1315 = arith.index_cast %add3A_1313 : i32 to index
      %swap3A_1316 = arith.constant 0 : index
      %swap3A_1317 = tpu.vector_load %arg5[%swap3A_1314, %swap3A_1315, %swap3A_1316] {strides = array<i32>} : memref<3x256x128xf32, #tpu.memory_space<vmem>>, vector<1x1x16xf32>,
      %swap3A_1318 = vector.shape_cast %swap3A_1317 : vector<1x1x16xf32> to vector<16xf32>
      %swap3A_1319 = vector.shape_cast %broadcast_in_dim3A_40 : vector<16xf32> to vector<1x1x16xf32>
      tpu.vector_store %arg5[%swap3A_1314, %swap3A_1315, %swap3A_1316], %swap3A_1319 {strides = array<i32>} : memref<3x256x128xf32, #tpu.memory_space<vmem>>, vector<1x1x16xf32>,
      %swap3A_1320 = arith.constant 1 : i32
      %swap3A_1321 = arith.index_cast %swap3A_1320 : i32 to index
      %swap3A_1322 = arith.index_cast %add3A_1313 : i32 to index
      %swap3A_1323 = arith.constant 16 : index
      %swap3A_1324 = tpu.vector_load %arg5[%swap3A_1321, %swap3A_1322, %swap3A_1323] {strides = array<i32>} : memref<3x256x128xf32, #tpu.memory_space<vmem>>, vector<1x1x16xf32>,
      %swap3A_1325 = vector.shape_cast %swap3A_1324 : vector<1x1x16xf32> to vector<16xf32>
      %swap3A_1326 = vector.shape_cast %broadcast_in_dim3A_40 : vector<16xf32> to vector<1x1x16xf32>
      tpu.vector_store %arg5[%swap3A_1321, %swap3A_1322, %swap3A_1323], %swap3A_1326 {strides = array<i32>} : memref<3x256x128xf32, #tpu.memory_space<vmem>>, vector<1x1x16xf32>,
      %swap3A_1327 = arith.constant 1 : i32
      %swap3A_1328 = arith.index_cast %swap3A_1327 : i32 to index
      %swap3A_1329 = arith.index_cast %add3A_1313 : i32 to index
      %swap3A_1330 = arith.constant 32 : index
      %swap3A_1331 = tpu.vector_load %arg5[%swap3A_1328, %swap3A_1329, %swap3A_1330] {strides = array<i32>} : memref<3x256x128xf32, #tpu.memory_space<vmem>>, vector<1x1x16xf32>,
      %swap3A_1332 = vector.shape_cast %swap3A_1331 : vector<1x1x16xf32> to vector<16xf32>
      %swap3A_1333 = vector.shape_cast %broadcast_in_dim3A_40 : vector<16xf32> to vector<1x1x16xf32>
      tpu.vector_store %arg5[%swap3A_1328, %swap3A_1329, %swap3A_1330], %swap3A_1333 {strides = array<i32>} : memref<3x256x128xf32, #tpu.memory_space<vmem>>, vector<1x1x16xf32>,
      %swap3A_1334 = arith.constant 1 : i32
      %swap3A_1335 = arith.index_cast %swap3A_1334 : i32 to index
      %swap3A_1336 = arith.index_cast %add3A_1313 : i32 to index
      %swap3A_1337 = arith.constant 48 : index
      %swap3A_1338 = tpu.vector_load %arg5[%swap3A_1335, %swap3A_1336, %swap3A_1337] {strides = array<i32>} : memref<3x256x128xf32, #tpu.memory_space<vmem>>, vector<1x1x16xf32>,
      %swap3A_1339 = vector.shape_cast %swap3A_1338 : vector<1x1x16xf32> to vector<16xf32>
      %swap3A_1340 = vector.shape_cast %broadcast_in_dim3A_40 : vector<16xf32> to vector<1x1x16xf32>
      tpu.vector_store %arg5[%swap3A_1335, %swap3A_1336, %swap3A_1337], %swap3A_1340 {strides = array<i32>} : memref<3x256x128xf32, #tpu.memory_space<vmem>>, vector<1x1x16xf32>,
      %swap3A_1341 = arith.constant 1 : i32
      %swap3A_1342 = arith.index_cast %swap3A_1341 : i32 to index
      %swap3A_1343 = arith.index_cast %add3A_1313 : i32 to index
      %swap3A_1344 = arith.constant 64 : index
      %swap3A_1345 = tpu.vector_load %arg5[%swap3A_1342, %swap3A_1343, %swap3A_1344] {strides = array<i32>} : memref<3x256x128xf32, #tpu.memory_space<vmem>>, vector<1x1x16xf32>,
      %swap3A_1346 = vector.shape_cast %swap3A_1345 : vector<1x1x16xf32> to vector<16xf32>
      %swap3A_1347 = vector.shape_cast %broadcast_in_dim3A_40 : vector<16xf32> to vector<1x1x16xf32>
      tpu.vector_store %arg5[%swap3A_1342, %swap3A_1343, %swap3A_1344], %swap3A_1347 {strides = array<i32>} : memref<3x256x128xf32, #tpu.memory_space<vmem>>, vector<1x1x16xf32>,
      %swap3A_1348 = arith.constant 1 : i32
      %swap3A_1349 = arith.index_cast %swap3A_1348 : i32 to index
      %swap3A_1350 = arith.index_cast %add3A_1313 : i32 to index
      %swap3A_1351 = arith.constant 80 : index
      %swap3A_1352 = tpu.vector_load %arg5[%swap3A_1349, %swap3A_1350, %swap3A_1351] {strides = array<i32>} : memref<3x256x128xf32, #tpu.memory_space<vmem>>, vector<1x1x16xf32>,
      %swap3A_1353 = vector.shape_cast %swap3A_1352 : vector<1x1x16xf32> to vector<16xf32>
      %swap3A_1354 = vector.shape_cast %broadcast_in_dim3A_40 : vector<16xf32> to vector<1x1x16xf32>
      tpu.vector_store %arg5[%swap3A_1349, %swap3A_1350, %swap3A_1351], %swap3A_1354 {strides = array<i32>} : memref<3x256x128xf32, #tpu.memory_space<vmem>>, vector<1x1x16xf32>,
      %swap3A_1355 = arith.constant 1 : i32
      %swap3A_1356 = arith.index_cast %swap3A_1355 : i32 to index
      %swap3A_1357 = arith.index_cast %add3A_1313 : i32 to index
      %swap3A_1358 = arith.constant 96 : index
      %swap3A_1359 = tpu.vector_load %arg5[%swap3A_1356, %swap3A_1357, %swap3A_1358] {strides = array<i32>} : memref<3x256x128xf32, #tpu.memory_space<vmem>>, vector<1x1x16xf32>,
      %swap3A_1360 = vector.shape_cast %swap3A_1359 : vector<1x1x16xf32> to vector<16xf32>
      %swap3A_1361 = vector.shape_cast %broadcast_in_dim3A_40 : vector<16xf32> to vector<1x1x16xf32>
      tpu.vector_store %arg5[%swap3A_1356, %swap3A_1357, %swap3A_1358], %swap3A_1361 {strides = array<i32>} : memref<3x256x128xf32, #tpu.memory_space<vmem>>, vector<1x1x16xf32>,
      %swap3A_1362 = arith.constant 1 : i32
      %swap3A_1363 = arith.index_cast %swap3A_1362 : i32 to index
      %swap3A_1364 = arith.index_cast %add3A_1313 : i32 to index
      %swap3A_1365 = arith.constant 112 : index
      %swap3A_1366 = tpu.vector_load %arg5[%swap3A_1363, %swap3A_1364, %swap3A_1365] {strides = array<i32>} : memref<3x256x128xf32, #tpu.memory_space<vmem>>, vector<1x1x16xf32>,
      %swap3A_1367 = vector.shape_cast %swap3A_1366 : vector<1x1x16xf32> to vector<16xf32>
      %swap3A_1368 = vector.shape_cast %broadcast_in_dim3A_40 : vector<16xf32> to vector<1x1x16xf32>
      tpu.vector_store %arg5[%swap3A_1363, %swap3A_1364, %swap3A_1365], %swap3A_1368 {strides = array<i32>} : memref<3x256x128xf32, #tpu.memory_space<vmem>>, vector<1x1x16xf32>,
      %while3A_1369 = arith.constant 0 : i32
      scf.yield %while3A_1369 : i32
    }
    %while3A_317 = arith.constant 1 : i32
    %while3A_318 = scf.for %while3A_1309 = %while3A_314 to %while3A_310 step %while3A_317 iter_args(%while3A_1310 = %while3A_316) -> (i32)  : i32 {
      %mul3A_1311 = arith.constant 10 : i32
      %mul3A_1312 = arith.muli %mul3A_1311, %while3A_1309 : i32
      %add3A_1313 = arith.addi %select_n3A_271, %mul3A_1312 : i32
      %swap3A = arith.constant 1 : i32
      %swap3A_1314 = arith.index_cast %swap3A : i32 to index
      %swap3A_1315 = arith.index_cast %add3A_1313 : i32 to index
      %swap3A_1316 = arith.constant 0 : index
      %swap3A_1317 = tpu.vector_load %arg5[%swap3A_1314, %swap3A_1315, %swap3A_1316] {strides = array<i32>} : memref<3x256x128xf32, #tpu.memory_space<vmem>>, vector<1x1x16xf32>,
      %swap3A_1318 = vector.shape_cast %swap3A_1317 : vector<1x1x16xf32> to vector<16xf32>
      %swap3A_1319 = vector.shape_cast %broadcast_in_dim3A_40 : vector<16xf32> to vector<1x1x16xf32>
      tpu.vector_store %arg5[%swap3A_1314, %swap3A_1315, %swap3A_1316], %swap3A_1319 {strides = array<i32>} : memref<3x256x128xf32, #tpu.memory_space<vmem>>, vector<1x1x16xf32>,
      %swap3A_1320 = arith.constant 1 : i32
      %swap3A_1321 = arith.index_cast %swap3A_1320 : i32 to index
      %swap3A_1322 = arith.index_cast %add3A_1313 : i32 to index
      %swap3A_1323 = arith.constant 16 : index
      %swap3A_1324 = tpu.vector_load %arg5[%swap3A_1321, %swap3A_1322, %swap3A_1323] {strides = array<i32>} : memref<3x256x128xf32, #tpu.memory_space<vmem>>, vector<1x1x16xf32>,
      %swap3A_1325 = vector.shape_cast %swap3A_1324 : vector<1x1x16xf32> to vector<16xf32>
      %swap3A_1326 = vector.shape_cast %broadcast_in_dim3A_40 : vector<16xf32> to vector<1x1x16xf32>
      tpu.vector_store %arg5[%swap3A_1321, %swap3A_1322, %swap3A_1323], %swap3A_1326 {strides = array<i32>} : memref<3x256x128xf32, #tpu.memory_space<vmem>>, vector<1x1x16xf32>,
      %swap3A_1327 = arith.constant 1 : i32
      %swap3A_1328 = arith.index_cast %swap3A_1327 : i32 to index
      %swap3A_1329 = arith.index_cast %add3A_1313 : i32 to index
      %swap3A_1330 = arith.constant 32 : index
      %swap3A_1331 = tpu.vector_load %arg5[%swap3A_1328, %swap3A_1329, %swap3A_1330] {strides = array<i32>} : memref<3x256x128xf32, #tpu.memory_space<vmem>>, vector<1x1x16xf32>,
      %swap3A_1332 = vector.shape_cast %swap3A_1331 : vector<1x1x16xf32> to vector<16xf32>
      %swap3A_1333 = vector.shape_cast %broadcast_in_dim3A_40 : vector<16xf32> to vector<1x1x16xf32>
      tpu.vector_store %arg5[%swap3A_1328, %swap3A_1329, %swap3A_1330], %swap3A_1333 {strides = array<i32>} : memref<3x256x128xf32, #tpu.memory_space<vmem>>, vector<1x1x16xf32>,
      %swap3A_1334 = arith.constant 1 : i32
      %swap3A_1335 = arith.index_cast %swap3A_1334 : i32 to index
      %swap3A_1336 = arith.index_cast %add3A_1313 : i32 to index
      %swap3A_1337 = arith.constant 48 : index
      %swap3A_1338 = tpu.vector_load %arg5[%swap3A_1335, %swap3A_1336, %swap3A_1337] {strides = array<i32>} : memref<3x256x128xf32, #tpu.memory_space<vmem>>, vector<1x1x16xf32>,
      %swap3A_1339 = vector.shape_cast %swap3A_1338 : vector<1x1x16xf32> to vector<16xf32>
      %swap3A_1340 = vector.shape_cast %broadcast_in_dim3A_40 : vector<16xf32> to vector<1x1x16xf32>
      tpu.vector_store %arg5[%swap3A_1335, %swap3A_1336, %swap3A_1337], %swap3A_1340 {strides = array<i32>} : memref<3x256x128xf32, #tpu.memory_space<vmem>>, vector<1x1x16xf32>,
      %swap3A_1341 = arith.constant 1 : i32
      %swap3A_1342 = arith.index_cast %swap3A_1341 : i32 to index
      %swap3A_1343 = arith.index_cast %add3A_1313 : i32 to index
      %swap3A_1344 = arith.constant 64 : index
      %swap3A_1345 = tpu.vector_load %arg5[%swap3A_1342, %swap3A_1343, %swap3A_1344] {strides = array<i32>} : memref<3x256x128xf32, #tpu.memory_space<vmem>>, vector<1x1x16xf32>,
      %swap3A_1346 = vector.shape_cast %swap3A_1345 : vector<1x1x16xf32> to vector<16xf32>
      %swap3A_1347 = vector.shape_cast %broadcast_in_dim3A_40 : vector<16xf32> to vector<1x1x16xf32>
      tpu.vector_store %arg5[%swap3A_1342, %swap3A_1343, %swap3A_1344], %swap3A_1347 {strides = array<i32>} : memref<3x256x128xf32, #tpu.memory_space<vmem>>, vector<1x1x16xf32>,
      %swap3A_1348 = arith.constant 1 : i32
      %swap3A_1349 = arith.index_cast %swap3A_1348 : i32 to index
      %swap3A_1350 = arith.index_cast %add3A_1313 : i32 to index
      %swap3A_1351 = arith.constant 80 : index
      %swap3A_1352 = tpu.vector_load %arg5[%swap3A_1349, %swap3A_1350, %swap3A_1351] {strides = array<i32>} : memref<3x256x128xf32, #tpu.memory_space<vmem>>, vector<1x1x16xf32>,
      %swap3A_1353 = vector.shape_cast %swap3A_1352 : vector<1x1x16xf32> to vector<16xf32>
      %swap3A_1354 = vector.shape_cast %broadcast_in_dim3A_40 : vector<16xf32> to vector<1x1x16xf32>
      tpu.vector_store %arg5[%swap3A_1349, %swap3A_1350, %swap3A_1351], %swap3A_1354 {strides = array<i32>} : memref<3x256x128xf32, #tpu.memory_space<vmem>>, vector<1x1x16xf32>,
      %swap3A_1355 = arith.constant 1 : i32
      %swap3A_1356 = arith.index_cast %swap3A_1355 : i32 to index
      %swap3A_1357 = arith.index_cast %add3A_1313 : i32 to index
      %swap3A_1358 = arith.constant 96 : index
      %swap3A_1359 = tpu.vector_load %arg5[%swap3A_1356, %swap3A_1357, %swap3A_1358] {strides = array<i32>} : memref<3x256x128xf32, #tpu.memory_space<vmem>>, vector<1x1x16xf32>,
      %swap3A_1360 = vector.shape_cast %swap3A_1359 : vector<1x1x16xf32> to vector<16xf32>
      %swap3A_1361 = vector.shape_cast %broadcast_in_dim3A_40 : vector<16xf32> to vector<1x1x16xf32>
      tpu.vector_store %arg5[%swap3A_1356, %swap3A_1357, %swap3A_1358], %swap3A_1361 {strides = array<i32>} : memref<3x256x128xf32, #tpu.memory_space<vmem>>, vector<1x1x16xf32>,
      %swap3A_1362 = arith.constant 1 : i32
      %swap3A_1363 = arith.index_cast %swap3A_1362 : i32 to index
      %swap3A_1364 = arith.index_cast %add3A_1313 : i32 to index
      %swap3A_1365 = arith.constant 112 : index
      %swap3A_1366 = tpu.vector_load %arg5[%swap3A_1363, %swap3A_1364, %swap3A_1365] {strides = array<i32>} : memref<3x256x128xf32, #tpu.memory_space<vmem>>, vector<1x1x16xf32>,
      %swap3A_1367 = vector.shape_cast %swap3A_1366 : vector<1x1x16xf32> to vector<16xf32>
      %swap3A_1368 = vector.shape_cast %broadcast_in_dim3A_40 : vector<16xf32> to vector<1x1x16xf32>
      tpu.vector_store %arg5[%swap3A_1363, %swap3A_1364, %swap3A_1365], %swap3A_1368 {strides = array<i32>} : memref<3x256x128xf32, #tpu.memory_space<vmem>>, vector<1x1x16xf32>,
      %while3A_1369 = arith.constant 0 : i32
      scf.yield %while3A_1369 : i32
    }
    %add3A_319 = arith.constant 256 : i32
    %add3A_320 = arith.addi %mul3A_32, %add3A_319 : i32
    %dma_start3A_321 = arith.constant 1 : i32
    %dma_start3A_322 = arith.constant 1 : i32
    %dma_start3A_323 = arith.constant 0 : i32
    %dma_start3A_324 = arith.constant 0 : i32
    %dma_start3A_325 = tpu.memref_slice %arg5[%dma_start3A_321, %dma_start3A_323, %dma_start3A_324] : memref<3x256x128xf32, #tpu.memory_space<vmem>> -> memref<1x256x128xf32, #tpu.memory_space<vmem>>
    %dma_start3A_326 = tpu.memref_squeeze %dma_start3A_325 : memref<1x256x128xf32, #tpu.memory_space<vmem>> -> memref<256x128xf32, #tpu.memory_space<vmem>>
    %dma_start3A_327 = arith.constant 0 : i32
    %dma_start3A_328 = tpu.memref_slice %arg4[%select_n3A, %add3A_320, %dma_start3A_327] : memref<16x4096x128xf32, #tpu.memory_space<hbm>> -> memref<1x256x128xf32, #tpu.memory_space<hbm>>
    %dma_start3A_329 = tpu.memref_squeeze %dma_start3A_328 : memref<1x256x128xf32, #tpu.memory_space<hbm>> -> memref<256x128xf32, #tpu.memory_space<hbm>>
    %dma_start3A_330 = tpu.memref_slice %arg8[%dma_start3A_322] : memref<3x!tpu.dma_semaphore, #tpu.memory_space<semaphore_mem>> -> memref<1x!tpu.dma_semaphore, #tpu.memory_space<semaphore_mem>>
    %dma_start3A_331 = tpu.memref_squeeze %dma_start3A_330 : memref<1x!tpu.dma_semaphore, #tpu.memory_space<semaphore_mem>> -> memref<!tpu.dma_semaphore, #tpu.memory_space<semaphore_mem>>
    %dma_start3A_332 = arith.constant 0 : i32
    %dma_start3A_333 = tpu.memref_slice %arg4[%select_n3A, %add3A_320, %dma_start3A_332] : memref<16x4096x128xf32, #tpu.memory_space<hbm>> -> memref<1x256x128xf32, #tpu.memory_space<hbm>>
    %dma_start3A_334 = tpu.memref_squeeze %dma_start3A_333 : memref<1x256x128xf32, #tpu.memory_space<hbm>> -> memref<256x128xf32, #tpu.memory_space<hbm>>
    %dma_start3A_335 = arith.constant 0 : i32
    %dma_start3A_336 = arith.constant 0 : i32
    %dma_start3A_337 = tpu.memref_slice %arg5[%dma_start3A_321, %dma_start3A_335, %dma_start3A_336] : memref<3x256x128xf32, #tpu.memory_space<vmem>> -> memref<1x256x128xf32, #tpu.memory_space<vmem>>
    %dma_start3A_338 = tpu.memref_squeeze %dma_start3A_337 : memref<1x256x128xf32, #tpu.memory_space<vmem>> -> memref<256x128xf32, #tpu.memory_space<vmem>>
    tpu.enqueue_dma source(%dma_start3A_338 : memref<256x128xf32, #tpu.memory_space<vmem>>) target(%dma_start3A_334 : memref<256x128xf32, #tpu.memory_space<hbm>>) target_semaphore(%dma_start3A_331 : memref<!tpu.dma_semaphore, #tpu.memory_space<semaphore_mem>>)
    %dma_wait3A_339 = arith.constant 0 : i32
    %dma_wait3A_340 = arith.constant 0 : i32
    %dma_wait3A_341 = arith.constant 0 : i32
    %dma_wait3A_342 = arith.constant 0 : i32
    %dma_wait3A_343 = tpu.memref_slice %arg5[%dma_wait3A_339, %dma_wait3A_341, %dma_wait3A_342] : memref<3x256x128xf32, #tpu.memory_space<vmem>> -> memref<1x256x128xf32, #tpu.memory_space<vmem>>
    %dma_wait3A_344 = tpu.memref_squeeze %dma_wait3A_343 : memref<1x256x128xf32, #tpu.memory_space<vmem>> -> memref<256x128xf32, #tpu.memory_space<vmem>>
    %dma_wait3A_345 = arith.constant 0 : i32
    %dma_wait3A_346 = tpu.memref_slice %arg4[%select_n3A, %add3A_199, %dma_wait3A_345] : memref<16x4096x128xf32, #tpu.memory_space<hbm>> -> memref<1x256x128xf32, #tpu.memory_space<hbm>>
    %dma_wait3A_347 = tpu.memref_squeeze %dma_wait3A_346 : memref<1x256x128xf32, #tpu.memory_space<hbm>> -> memref<256x128xf32, #tpu.memory_space<hbm>>
    %dma_wait3A_348 = tpu.memref_slice %arg8[%dma_wait3A_340] : memref<3x!tpu.dma_semaphore, #tpu.memory_space<semaphore_mem>> -> memref<1x!tpu.dma_semaphore, #tpu.memory_space<semaphore_mem>>
    %dma_wait3A_349 = tpu.memref_squeeze %dma_wait3A_348 : memref<1x!tpu.dma_semaphore, #tpu.memory_space<semaphore_mem>> -> memref<!tpu.dma_semaphore, #tpu.memory_space<semaphore_mem>>
    %dma_wait3A_350 = arith.constant 0 : i32
    %dma_wait3A_351 = tpu.memref_slice %arg4[%select_n3A, %add3A_199, %dma_wait3A_350] : memref<16x4096x128xf32, #tpu.memory_space<hbm>> -> memref<1x256x128xf32, #tpu.memory_space<hbm>>
    %dma_wait3A_352 = tpu.memref_squeeze %dma_wait3A_351 : memref<1x256x128xf32, #tpu.memory_space<hbm>> -> memref<256x128xf32, #tpu.memory_space<hbm>>
    %dma_wait3A_353 = arith.constant 0 : i32
    %dma_wait3A_354 = arith.constant 0 : i32
    %dma_wait3A_355 = tpu.memref_slice %arg5[%dma_wait3A_339, %dma_wait3A_353, %dma_wait3A_354] : memref<3x256x128xf32, #tpu.memory_space<vmem>> -> memref<1x256x128xf32, #tpu.memory_space<vmem>>
    %dma_wait3A_356 = tpu.memref_squeeze %dma_wait3A_355 : memref<1x256x128xf32, #tpu.memory_space<vmem>> -> memref<256x128xf32, #tpu.memory_space<vmem>>
    tpu.wait_dma2 semaphore(%dma_wait3A_349 : memref<!tpu.dma_semaphore, #tpu.memory_space<semaphore_mem>>) src(%dma_wait3A_356 : memref<256x128xf32, #tpu.memory_space<vmem>>) dst(%dma_wait3A_352 : memref<256x128xf32, #tpu.memory_space<hbm>>)
    %add3A_357 = arith.constant 768 : i32
    %add3A_358 = arith.addi %mul3A_32, %add3A_357 : i32
    %dma_start3A_359 = arith.constant 0 : i32
    %dma_start3A_360 = arith.constant 0 : i32
    %dma_start3A_361 = arith.constant 0 : i32
    %dma_start3A_362 = arith.constant 0 : i32
    %dma_start3A_363 = tpu.memref_slice %arg5[%dma_start3A_359, %dma_start3A_361, %dma_start3A_362] : memref<3x256x128xf32, #tpu.memory_space<vmem>> -> memref<1x256x128xf32, #tpu.memory_space<vmem>>
    %dma_start3A_364 = tpu.memref_squeeze %dma_start3A_363 : memref<1x256x128xf32, #tpu.memory_space<vmem>> -> memref<256x128xf32, #tpu.memory_space<vmem>>
    %dma_start3A_365 = arith.constant 0 : i32
    %dma_start3A_366 = tpu.memref_slice %arg2[%select_n3A, %add3A_358, %dma_start3A_365] : memref<16x4096x128xf32, #tpu.memory_space<hbm>> -> memref<1x256x128xf32, #tpu.memory_space<hbm>>
    %dma_start3A_367 = tpu.memref_squeeze %dma_start3A_366 : memref<1x256x128xf32, #tpu.memory_space<hbm>> -> memref<256x128xf32, #tpu.memory_space<hbm>>
    %dma_start3A_368 = tpu.memref_slice %arg7[%dma_start3A_360] : memref<3x!tpu.dma_semaphore, #tpu.memory_space<semaphore_mem>> -> memref<1x!tpu.dma_semaphore, #tpu.memory_space<semaphore_mem>>
    %dma_start3A_369 = tpu.memref_squeeze %dma_start3A_368 : memref<1x!tpu.dma_semaphore, #tpu.memory_space<semaphore_mem>> -> memref<!tpu.dma_semaphore, #tpu.memory_space<semaphore_mem>>
    %dma_start3A_370 = arith.constant 0 : i32
    %dma_start3A_371 = arith.constant 0 : i32
    %dma_start3A_372 = tpu.memref_slice %arg5[%dma_start3A_359, %dma_start3A_370, %dma_start3A_371] : memref<3x256x128xf32, #tpu.memory_space<vmem>> -> memref<1x256x128xf32, #tpu.memory_space<vmem>>
    %dma_start3A_373 = tpu.memref_squeeze %dma_start3A_372 : memref<1x256x128xf32, #tpu.memory_space<vmem>> -> memref<256x128xf32, #tpu.memory_space<vmem>>
    %dma_start3A_374 = arith.constant 0 : i32
    %dma_start3A_375 = tpu.memref_slice %arg2[%select_n3A, %add3A_358, %dma_start3A_374] : memref<16x4096x128xf32, #tpu.memory_space<hbm>> -> memref<1x256x128xf32, #tpu.memory_space<hbm>>
    %dma_start3A_376 = tpu.memref_squeeze %dma_start3A_375 : memref<1x256x128xf32, #tpu.memory_space<hbm>> -> memref<256x128xf32, #tpu.memory_space<hbm>>
    tpu.enqueue_dma source(%dma_start3A_376 : memref<256x128xf32, #tpu.memory_space<hbm>>) target(%dma_start3A_373 : memref<256x128xf32, #tpu.memory_space<vmem>>) target_semaphore(%dma_start3A_369 : memref<!tpu.dma_semaphore, #tpu.memory_space<semaphore_mem>>)
    %dma_wait3A_377 = arith.constant 2 : i32
    %dma_wait3A_378 = arith.constant 2 : i32
    %dma_wait3A_379 = arith.constant 0 : i32
    %dma_wait3A_380 = arith.constant 0 : i32
    %dma_wait3A_381 = tpu.memref_slice %arg5[%dma_wait3A_377, %dma_wait3A_379, %dma_wait3A_380] : memref<3x256x128xf32, #tpu.memory_space<vmem>> -> memref<1x256x128xf32, #tpu.memory_space<vmem>>
    %dma_wait3A_382 = tpu.memref_squeeze %dma_wait3A_381 : memref<1x256x128xf32, #tpu.memory_space<vmem>> -> memref<256x128xf32, #tpu.memory_space<vmem>>
    %dma_wait3A_383 = arith.constant 0 : i32
    %dma_wait3A_384 = tpu.memref_slice %arg2[%select_n3A, %add3A_81, %dma_wait3A_383] : memref<16x4096x128xf32, #tpu.memory_space<hbm>> -> memref<1x256x128xf32, #tpu.memory_space<hbm>>
    %dma_wait3A_385 = tpu.memref_squeeze %dma_wait3A_384 : memref<1x256x128xf32, #tpu.memory_space<hbm>> -> memref<256x128xf32, #tpu.memory_space<hbm>>
    %dma_wait3A_386 = tpu.memref_slice %arg7[%dma_wait3A_378] : memref<3x!tpu.dma_semaphore, #tpu.memory_space<semaphore_mem>> -> memref<1x!tpu.dma_semaphore, #tpu.memory_space<semaphore_mem>>
    %dma_wait3A_387 = tpu.memref_squeeze %dma_wait3A_386 : memref<1x!tpu.dma_semaphore, #tpu.memory_space<semaphore_mem>> -> memref<!tpu.dma_semaphore, #tpu.memory_space<semaphore_mem>>
    %dma_wait3A_388 = arith.constant 0 : i32
    %dma_wait3A_389 = arith.constant 0 : i32
    %dma_wait3A_390 = tpu.memref_slice %arg5[%dma_wait3A_377, %dma_wait3A_388, %dma_wait3A_389] : memref<3x256x128xf32, #tpu.memory_space<vmem>> -> memref<1x256x128xf32, #tpu.memory_space<vmem>>
    %dma_wait3A_391 = tpu.memref_squeeze %dma_wait3A_390 : memref<1x256x128xf32, #tpu.memory_space<vmem>> -> memref<256x128xf32, #tpu.memory_space<vmem>>
    %dma_wait3A_392 = arith.constant 0 : i32
    %dma_wait3A_393 = tpu.memref_slice %arg2[%select_n3A, %add3A_81, %dma_wait3A_392] : memref<16x4096x128xf32, #tpu.memory_space<hbm>> -> memref<1x256x128xf32, #tpu.memory_space<hbm>>
    %dma_wait3A_394 = tpu.memref_squeeze %dma_wait3A_393 : memref<1x256x128xf32, #tpu.memory_space<hbm>> -> memref<256x128xf32, #tpu.memory_space<hbm>>
    tpu.wait_dma2 semaphore(%dma_wait3A_387 : memref<!tpu.dma_semaphore, #tpu.memory_space<semaphore_mem>>) src(%dma_wait3A_394 : memref<256x128xf32, #tpu.memory_space<hbm>>) dst(%dma_wait3A_391 : memref<256x128xf32, #tpu.memory_space<vmem>>)
    %add3A_395 = arith.constant 512 : i32
    %add3A_396 = arith.addi %mul3A_32, %add3A_395 : i32
    %jit3A_397 = arith.constant 10 : i32
    %eq3A_398 = arith.constant 0 : i32
    %eq3A_399 = arith.cmpi eq, %jit3A_397, %eq3A_398 : i32
    %jit3A_400 = arith.constant 1 : i32
    %select_n3A_401 = arith.select %eq3A_399, %jit3A_400, %jit3A_397 : i32
    %rem3A_402 = arith.remsi %add3A_396, %select_n3A_401 : i32
    %ne3A_403 = arith.constant 0 : i32
    %ne3A_404 = arith.cmpi ne, %rem3A_402, %ne3A_403 : i32
    %lt3A_405 = arith.constant 0 : i32
    %lt3A_406 = arith.cmpi slt, %rem3A_402, %lt3A_405 : i32
    %lt3A_407 = arith.constant 0 : i32
    %lt3A_408 = arith.cmpi slt, %select_n3A_401, %lt3A_407 : i32
    %ne3A_409 = arith.xori %lt3A_406, %lt3A_408 : i1
    %and3A_410 = arith.andi %ne3A_409, %ne3A_404 : i1
    %add3A_411 = arith.addi %rem3A_402, %select_n3A_401 : i32
    %select_n3A_412 = arith.select %and3A_410, %add3A_411, %rem3A_402 : i32
    %sub3A_413 = arith.constant 10 : i32
    %sub3A_414 = arith.subi %sub3A_413, %select_n3A_412 : i32
    %jit3A_415 = arith.constant 10 : i32
    %eq3A_416 = arith.constant 0 : i32
    %eq3A_417 = arith.cmpi eq, %jit3A_415, %eq3A_416 : i32
    %jit3A_418 = arith.constant 1 : i32
    %select_n3A_419 = arith.select %eq3A_417, %jit3A_418, %jit3A_415 : i32
    %rem3A_420 = arith.remsi %sub3A_414, %select_n3A_419 : i32
    %ne3A_421 = arith.constant 0 : i32
    %ne3A_422 = arith.cmpi ne, %rem3A_420, %ne3A_421 : i32
    %lt3A_423 = arith.constant 0 : i32
    %lt3A_424 = arith.cmpi slt, %rem3A_420, %lt3A_423 : i32
    %lt3A_425 = arith.constant 0 : i32
    %lt3A_426 = arith.cmpi slt, %select_n3A_419, %lt3A_425 : i32
    %ne3A_427 = arith.xori %lt3A_424, %lt3A_426 : i1
    %and3A_428 = arith.andi %ne3A_427, %ne3A_422 : i1
    %add3A_429 = arith.addi %rem3A_420, %select_n3A_419 : i32
    %select_n3A_430 = arith.select %and3A_428, %add3A_429, %rem3A_420 : i32
    %sub3A_431 = arith.constant 512 : i32
    %sub3A_432 = arith.subi %select_n3A_39, %sub3A_431 : i32
    %jit3A_433 = arith.constant 0 : i32
    %jit3A_434 = arith.constant 256 : i32
    %max3A_435 = arith.maxsi %jit3A_433, %sub3A_432 : i32
    %min3A_436 = arith.minsi %jit3A_434, %max3A_435 : i32
    %sub3A_437 = arith.subi %min3A_436, %select_n3A_430 : i32
    %add3A_438 = arith.constant 9 : i32
    %add3A_439 = arith.addi %sub3A_437, %add3A_438 : i32
    %jit3A_440 = arith.constant 10 : i32
    %div3A_441 = arith.divsi %add3A_439, %jit3A_440 : i32
    %sign3A_442 = arith.constant 0 : i32
    %sign3A_443 = arith.cmpi sgt, %add3A_439, %sign3A_442 : i32
    %sign3A_444 = arith.extui %sign3A_443 : i1 to i32
    %sign3A_445 = arith.constant 0 : i32
    %sign3A_446 = arith.cmpi slt, %add3A_439, %sign3A_445 : i32
    %sign3A_447 = arith.extui %sign3A_446 : i1 to i32
    %sign3A_448 = arith.subi %sign3A_444, %sign3A_447 : i32
    %sign3A_449 = arith.constant 0 : i32
    %sign3A_450 = arith.cmpi sgt, %jit3A_440, %sign3A_449 : i32
    %sign3A_451 = arith.extui %sign3A_450 : i1 to i32
    %sign3A_452 = arith.constant 0 : i32
    %sign3A_453 = arith.cmpi slt, %jit3A_440, %sign3A_452 : i32
    %sign3A_454 = arith.extui %sign3A_453 : i1 to i32
    %sign3A_455 = arith.subi %sign3A_451, %sign3A_454 : i32
    %ne3A_456 = arith.cmpi ne, %sign3A_448, %sign3A_455 : i32
    %rem3A_457 = arith.remsi %add3A_439, %jit3A_440 : i32
    %ne3A_458 = arith.constant 0 : i32
    %ne3A_459 = arith.cmpi ne, %rem3A_457, %ne3A_458 : i32
    %and3A_460 = arith.andi %ne3A_456, %ne3A_459 : i1
    %sub3A_461 = arith.constant 1 : i32
    %sub3A_462 = arith.subi %div3A_441, %sub3A_461 : i32
    %select_n3A_463 = arith.select %and3A_460, %sub3A_462, %div3A_441 : i32
    %max3A_464 = arith.constant 0 : i32
    %max3A_465 = arith.maxsi %max3A_464, %select_n3A_463 : i32
    %while3A_466 = arith.constant 0 : i32
    %while3A_467 = arith.constant 0 : i32
    %while3A_468 = arith.subi %max3A_465, %while3A_466 : i32
    %while3A_469 = arith.addi %while3A_466, %while3A_468 : i32
    %while3A_470 = arith.constant 1 : i32
    %while3A_471 = arith.divsi %while3A_468, %while3A_470 : i32
    %while3A_472 = arith.muli %while3A_471, %while3A_470 : i32
    %while3A_473 = arith.addi %while3A_466, %while3A_472 : i32
    %while3A_474 = arith.constant 1 : i32
    %while3A_475 = scf.for %while3A_1309 = %while3A_466 to %while3A_473 step %while3A_474 iter_args(%while3A_1310 = %while3A_467) -> (i32)  : i32 {
      %mul3A_1311 = arith.constant 10 : i32
      %mul3A_1312 = arith.muli %mul3A_1311, %while3A_1309 : i32
      %add3A_1313 = arith.addi %select_n3A_430, %mul3A_1312 : i32
      %swap3A = arith.constant 2 : i32
      %swap3A_1314 = arith.index_cast %swap3A : i32 to index
      %swap3A_1315 = arith.index_cast %add3A_1313 : i32 to index
      %swap3A_1316 = arith.constant 0 : index
      %swap3A_1317 = tpu.vector_load %arg5[%swap3A_1314, %swap3A_1315, %swap3A_1316] {strides = array<i32>} : memref<3x256x128xf32, #tpu.memory_space<vmem>>, vector<1x1x16xf32>,
      %swap3A_1318 = vector.shape_cast %swap3A_1317 : vector<1x1x16xf32> to vector<16xf32>
      %swap3A_1319 = vector.shape_cast %broadcast_in_dim3A_40 : vector<16xf32> to vector<1x1x16xf32>
      tpu.vector_store %arg5[%swap3A_1314, %swap3A_1315, %swap3A_1316], %swap3A_1319 {strides = array<i32>} : memref<3x256x128xf32, #tpu.memory_space<vmem>>, vector<1x1x16xf32>,
      %swap3A_1320 = arith.constant 2 : i32
      %swap3A_1321 = arith.index_cast %swap3A_1320 : i32 to index
      %swap3A_1322 = arith.index_cast %add3A_1313 : i32 to index
      %swap3A_1323 = arith.constant 16 : index
      %swap3A_1324 = tpu.vector_load %arg5[%swap3A_1321, %swap3A_1322, %swap3A_1323] {strides = array<i32>} : memref<3x256x128xf32, #tpu.memory_space<vmem>>, vector<1x1x16xf32>,
      %swap3A_1325 = vector.shape_cast %swap3A_1324 : vector<1x1x16xf32> to vector<16xf32>
      %swap3A_1326 = vector.shape_cast %broadcast_in_dim3A_40 : vector<16xf32> to vector<1x1x16xf32>
      tpu.vector_store %arg5[%swap3A_1321, %swap3A_1322, %swap3A_1323], %swap3A_1326 {strides = array<i32>} : memref<3x256x128xf32, #tpu.memory_space<vmem>>, vector<1x1x16xf32>,
      %swap3A_1327 = arith.constant 2 : i32
      %swap3A_1328 = arith.index_cast %swap3A_1327 : i32 to index
      %swap3A_1329 = arith.index_cast %add3A_1313 : i32 to index
      %swap3A_1330 = arith.constant 32 : index
      %swap3A_1331 = tpu.vector_load %arg5[%swap3A_1328, %swap3A_1329, %swap3A_1330] {strides = array<i32>} : memref<3x256x128xf32, #tpu.memory_space<vmem>>, vector<1x1x16xf32>,
      %swap3A_1332 = vector.shape_cast %swap3A_1331 : vector<1x1x16xf32> to vector<16xf32>
      %swap3A_1333 = vector.shape_cast %broadcast_in_dim3A_40 : vector<16xf32> to vector<1x1x16xf32>
      tpu.vector_store %arg5[%swap3A_1328, %swap3A_1329, %swap3A_1330], %swap3A_1333 {strides = array<i32>} : memref<3x256x128xf32, #tpu.memory_space<vmem>>, vector<1x1x16xf32>,
      %swap3A_1334 = arith.constant 2 : i32
      %swap3A_1335 = arith.index_cast %swap3A_1334 : i32 to index
      %swap3A_1336 = arith.index_cast %add3A_1313 : i32 to index
      %swap3A_1337 = arith.constant 48 : index
      %swap3A_1338 = tpu.vector_load %arg5[%swap3A_1335, %swap3A_1336, %swap3A_1337] {strides = array<i32>} : memref<3x256x128xf32, #tpu.memory_space<vmem>>, vector<1x1x16xf32>,
      %swap3A_1339 = vector.shape_cast %swap3A_1338 : vector<1x1x16xf32> to vector<16xf32>
      %swap3A_1340 = vector.shape_cast %broadcast_in_dim3A_40 : vector<16xf32> to vector<1x1x16xf32>
      tpu.vector_store %arg5[%swap3A_1335, %swap3A_1336, %swap3A_1337], %swap3A_1340 {strides = array<i32>} : memref<3x256x128xf32, #tpu.memory_space<vmem>>, vector<1x1x16xf32>,
      %swap3A_1341 = arith.constant 2 : i32
      %swap3A_1342 = arith.index_cast %swap3A_1341 : i32 to index
      %swap3A_1343 = arith.index_cast %add3A_1313 : i32 to index
      %swap3A_1344 = arith.constant 64 : index
      %swap3A_1345 = tpu.vector_load %arg5[%swap3A_1342, %swap3A_1343, %swap3A_1344] {strides = array<i32>} : memref<3x256x128xf32, #tpu.memory_space<vmem>>, vector<1x1x16xf32>,
      %swap3A_1346 = vector.shape_cast %swap3A_1345 : vector<1x1x16xf32> to vector<16xf32>
      %swap3A_1347 = vector.shape_cast %broadcast_in_dim3A_40 : vector<16xf32> to vector<1x1x16xf32>
      tpu.vector_store %arg5[%swap3A_1342, %swap3A_1343, %swap3A_1344], %swap3A_1347 {strides = array<i32>} : memref<3x256x128xf32, #tpu.memory_space<vmem>>, vector<1x1x16xf32>,
      %swap3A_1348 = arith.constant 2 : i32
      %swap3A_1349 = arith.index_cast %swap3A_1348 : i32 to index
      %swap3A_1350 = arith.index_cast %add3A_1313 : i32 to index
      %swap3A_1351 = arith.constant 80 : index
      %swap3A_1352 = tpu.vector_load %arg5[%swap3A_1349, %swap3A_1350, %swap3A_1351] {strides = array<i32>} : memref<3x256x128xf32, #tpu.memory_space<vmem>>, vector<1x1x16xf32>,
      %swap3A_1353 = vector.shape_cast %swap3A_1352 : vector<1x1x16xf32> to vector<16xf32>
      %swap3A_1354 = vector.shape_cast %broadcast_in_dim3A_40 : vector<16xf32> to vector<1x1x16xf32>
      tpu.vector_store %arg5[%swap3A_1349, %swap3A_1350, %swap3A_1351], %swap3A_1354 {strides = array<i32>} : memref<3x256x128xf32, #tpu.memory_space<vmem>>, vector<1x1x16xf32>,
      %swap3A_1355 = arith.constant 2 : i32
      %swap3A_1356 = arith.index_cast %swap3A_1355 : i32 to index
      %swap3A_1357 = arith.index_cast %add3A_1313 : i32 to index
      %swap3A_1358 = arith.constant 96 : index
      %swap3A_1359 = tpu.vector_load %arg5[%swap3A_1356, %swap3A_1357, %swap3A_1358] {strides = array<i32>} : memref<3x256x128xf32, #tpu.memory_space<vmem>>, vector<1x1x16xf32>,
      %swap3A_1360 = vector.shape_cast %swap3A_1359 : vector<1x1x16xf32> to vector<16xf32>
      %swap3A_1361 = vector.shape_cast %broadcast_in_dim3A_40 : vector<16xf32> to vector<1x1x16xf32>
      tpu.vector_store %arg5[%swap3A_1356, %swap3A_1357, %swap3A_1358], %swap3A_1361 {strides = array<i32>} : memref<3x256x128xf32, #tpu.memory_space<vmem>>, vector<1x1x16xf32>,
      %swap3A_1362 = arith.constant 2 : i32
      %swap3A_1363 = arith.index_cast %swap3A_1362 : i32 to index
      %swap3A_1364 = arith.index_cast %add3A_1313 : i32 to index
      %swap3A_1365 = arith.constant 112 : index
      %swap3A_1366 = tpu.vector_load %arg5[%swap3A_1363, %swap3A_1364, %swap3A_1365] {strides = array<i32>} : memref<3x256x128xf32, #tpu.memory_space<vmem>>, vector<1x1x16xf32>,
      %swap3A_1367 = vector.shape_cast %swap3A_1366 : vector<1x1x16xf32> to vector<16xf32>
      %swap3A_1368 = vector.shape_cast %broadcast_in_dim3A_40 : vector<16xf32> to vector<1x1x16xf32>
      tpu.vector_store %arg5[%swap3A_1363, %swap3A_1364, %swap3A_1365], %swap3A_1368 {strides = array<i32>} : memref<3x256x128xf32, #tpu.memory_space<vmem>>, vector<1x1x16xf32>,
      %while3A_1369 = arith.constant 0 : i32
      scf.yield %while3A_1369 : i32
    }
    %while3A_476 = arith.constant 1 : i32
    %while3A_477 = scf.for %while3A_1309 = %while3A_473 to %while3A_469 step %while3A_476 iter_args(%while3A_1310 = %while3A_475) -> (i32)  : i32 {
      %mul3A_1311 = arith.constant 10 : i32
      %mul3A_1312 = arith.muli %mul3A_1311, %while3A_1309 : i32
      %add3A_1313 = arith.addi %select_n3A_430, %mul3A_1312 : i32
      %swap3A = arith.constant 2 : i32
      %swap3A_1314 = arith.index_cast %swap3A : i32 to index
      %swap3A_1315 = arith.index_cast %add3A_1313 : i32 to index
      %swap3A_1316 = arith.constant 0 : index
      %swap3A_1317 = tpu.vector_load %arg5[%swap3A_1314, %swap3A_1315, %swap3A_1316] {strides = array<i32>} : memref<3x256x128xf32, #tpu.memory_space<vmem>>, vector<1x1x16xf32>,
      %swap3A_1318 = vector.shape_cast %swap3A_1317 : vector<1x1x16xf32> to vector<16xf32>
      %swap3A_1319 = vector.shape_cast %broadcast_in_dim3A_40 : vector<16xf32> to vector<1x1x16xf32>
      tpu.vector_store %arg5[%swap3A_1314, %swap3A_1315, %swap3A_1316], %swap3A_1319 {strides = array<i32>} : memref<3x256x128xf32, #tpu.memory_space<vmem>>, vector<1x1x16xf32>,
      %swap3A_1320 = arith.constant 2 : i32
      %swap3A_1321 = arith.index_cast %swap3A_1320 : i32 to index
      %swap3A_1322 = arith.index_cast %add3A_1313 : i32 to index
      %swap3A_1323 = arith.constant 16 : index
      %swap3A_1324 = tpu.vector_load %arg5[%swap3A_1321, %swap3A_1322, %swap3A_1323] {strides = array<i32>} : memref<3x256x128xf32, #tpu.memory_space<vmem>>, vector<1x1x16xf32>,
      %swap3A_1325 = vector.shape_cast %swap3A_1324 : vector<1x1x16xf32> to vector<16xf32>
      %swap3A_1326 = vector.shape_cast %broadcast_in_dim3A_40 : vector<16xf32> to vector<1x1x16xf32>
      tpu.vector_store %arg5[%swap3A_1321, %swap3A_1322, %swap3A_1323], %swap3A_1326 {strides = array<i32>} : memref<3x256x128xf32, #tpu.memory_space<vmem>>, vector<1x1x16xf32>,
      %swap3A_1327 = arith.constant 2 : i32
      %swap3A_1328 = arith.index_cast %swap3A_1327 : i32 to index
      %swap3A_1329 = arith.index_cast %add3A_1313 : i32 to index
      %swap3A_1330 = arith.constant 32 : index
      %swap3A_1331 = tpu.vector_load %arg5[%swap3A_1328, %swap3A_1329, %swap3A_1330] {strides = array<i32>} : memref<3x256x128xf32, #tpu.memory_space<vmem>>, vector<1x1x16xf32>,
      %swap3A_1332 = vector.shape_cast %swap3A_1331 : vector<1x1x16xf32> to vector<16xf32>
      %swap3A_1333 = vector.shape_cast %broadcast_in_dim3A_40 : vector<16xf32> to vector<1x1x16xf32>
      tpu.vector_store %arg5[%swap3A_1328, %swap3A_1329, %swap3A_1330], %swap3A_1333 {strides = array<i32>} : memref<3x256x128xf32, #tpu.memory_space<vmem>>, vector<1x1x16xf32>,
      %swap3A_1334 = arith.constant 2 : i32
      %swap3A_1335 = arith.index_cast %swap3A_1334 : i32 to index
      %swap3A_1336 = arith.index_cast %add3A_1313 : i32 to index
      %swap3A_1337 = arith.constant 48 : index
      %swap3A_1338 = tpu.vector_load %arg5[%swap3A_1335, %swap3A_1336, %swap3A_1337] {strides = array<i32>} : memref<3x256x128xf32, #tpu.memory_space<vmem>>, vector<1x1x16xf32>,
      %swap3A_1339 = vector.shape_cast %swap3A_1338 : vector<1x1x16xf32> to vector<16xf32>
      %swap3A_1340 = vector.shape_cast %broadcast_in_dim3A_40 : vector<16xf32> to vector<1x1x16xf32>
      tpu.vector_store %arg5[%swap3A_1335, %swap3A_1336, %swap3A_1337], %swap3A_1340 {strides = array<i32>} : memref<3x256x128xf32, #tpu.memory_space<vmem>>, vector<1x1x16xf32>,
      %swap3A_1341 = arith.constant 2 : i32
      %swap3A_1342 = arith.index_cast %swap3A_1341 : i32 to index
      %swap3A_1343 = arith.index_cast %add3A_1313 : i32 to index
      %swap3A_1344 = arith.constant 64 : index
      %swap3A_1345 = tpu.vector_load %arg5[%swap3A_1342, %swap3A_1343, %swap3A_1344] {strides = array<i32>} : memref<3x256x128xf32, #tpu.memory_space<vmem>>, vector<1x1x16xf32>,
      %swap3A_1346 = vector.shape_cast %swap3A_1345 : vector<1x1x16xf32> to vector<16xf32>
      %swap3A_1347 = vector.shape_cast %broadcast_in_dim3A_40 : vector<16xf32> to vector<1x1x16xf32>
      tpu.vector_store %arg5[%swap3A_1342, %swap3A_1343, %swap3A_1344], %swap3A_1347 {strides = array<i32>} : memref<3x256x128xf32, #tpu.memory_space<vmem>>, vector<1x1x16xf32>,
      %swap3A_1348 = arith.constant 2 : i32
      %swap3A_1349 = arith.index_cast %swap3A_1348 : i32 to index
      %swap3A_1350 = arith.index_cast %add3A_1313 : i32 to index
      %swap3A_1351 = arith.constant 80 : index
      %swap3A_1352 = tpu.vector_load %arg5[%swap3A_1349, %swap3A_1350, %swap3A_1351] {strides = array<i32>} : memref<3x256x128xf32, #tpu.memory_space<vmem>>, vector<1x1x16xf32>,
      %swap3A_1353 = vector.shape_cast %swap3A_1352 : vector<1x1x16xf32> to vector<16xf32>
      %swap3A_1354 = vector.shape_cast %broadcast_in_dim3A_40 : vector<16xf32> to vector<1x1x16xf32>
      tpu.vector_store %arg5[%swap3A_1349, %swap3A_1350, %swap3A_1351], %swap3A_1354 {strides = array<i32>} : memref<3x256x128xf32, #tpu.memory_space<vmem>>, vector<1x1x16xf32>,
      %swap3A_1355 = arith.constant 2 : i32
      %swap3A_1356 = arith.index_cast %swap3A_1355 : i32 to index
      %swap3A_1357 = arith.index_cast %add3A_1313 : i32 to index
      %swap3A_1358 = arith.constant 96 : index
      %swap3A_1359 = tpu.vector_load %arg5[%swap3A_1356, %swap3A_1357, %swap3A_1358] {strides = array<i32>} : memref<3x256x128xf32, #tpu.memory_space<vmem>>, vector<1x1x16xf32>,
      %swap3A_1360 = vector.shape_cast %swap3A_1359 : vector<1x1x16xf32> to vector<16xf32>
      %swap3A_1361 = vector.shape_cast %broadcast_in_dim3A_40 : vector<16xf32> to vector<1x1x16xf32>
      tpu.vector_store %arg5[%swap3A_1356, %swap3A_1357, %swap3A_1358], %swap3A_1361 {strides = array<i32>} : memref<3x256x128xf32, #tpu.memory_space<vmem>>, vector<1x1x16xf32>,
      %swap3A_1362 = arith.constant 2 : i32
      %swap3A_1363 = arith.index_cast %swap3A_1362 : i32 to index
      %swap3A_1364 = arith.index_cast %add3A_1313 : i32 to index
      %swap3A_1365 = arith.constant 112 : index
      %swap3A_1366 = tpu.vector_load %arg5[%swap3A_1363, %swap3A_1364, %swap3A_1365] {strides = array<i32>} : memref<3x256x128xf32, #tpu.memory_space<vmem>>, vector<1x1x16xf32>,
      %swap3A_1367 = vector.shape_cast %swap3A_1366 : vector<1x1x16xf32> to vector<16xf32>
      %swap3A_1368 = vector.shape_cast %broadcast_in_dim3A_40 : vector<16xf32> to vector<1x1x16xf32>
      tpu.vector_store %arg5[%swap3A_1363, %swap3A_1364, %swap3A_1365], %swap3A_1368 {strides = array<i32>} : memref<3x256x128xf32, #tpu.memory_space<vmem>>, vector<1x1x16xf32>,
      %while3A_1369 = arith.constant 0 : i32
      scf.yield %while3A_1369 : i32
    }
    %add3A_478 = arith.constant 512 : i32
    %add3A_479 = arith.addi %mul3A_32, %add3A_478 : i32
    %dma_start3A_480 = arith.constant 2 : i32
    %dma_start3A_481 = arith.constant 2 : i32
    %dma_start3A_482 = arith.constant 0 : i32
    %dma_start3A_483 = arith.constant 0 : i32
    %dma_start3A_484 = tpu.memref_slice %arg5[%dma_start3A_480, %dma_start3A_482, %dma_start3A_483] : memref<3x256x128xf32, #tpu.memory_space<vmem>> -> memref<1x256x128xf32, #tpu.memory_space<vmem>>
    %dma_start3A_485 = tpu.memref_squeeze %dma_start3A_484 : memref<1x256x128xf32, #tpu.memory_space<vmem>> -> memref<256x128xf32, #tpu.memory_space<vmem>>
    %dma_start3A_486 = arith.constant 0 : i32
    %dma_start3A_487 = tpu.memref_slice %arg4[%select_n3A, %add3A_479, %dma_start3A_486] : memref<16x4096x128xf32, #tpu.memory_space<hbm>> -> memref<1x256x128xf32, #tpu.memory_space<hbm>>
    %dma_start3A_488 = tpu.memref_squeeze %dma_start3A_487 : memref<1x256x128xf32, #tpu.memory_space<hbm>> -> memref<256x128xf32, #tpu.memory_space<hbm>>
    %dma_start3A_489 = tpu.memref_slice %arg8[%dma_start3A_481] : memref<3x!tpu.dma_semaphore, #tpu.memory_space<semaphore_mem>> -> memref<1x!tpu.dma_semaphore, #tpu.memory_space<semaphore_mem>>
    %dma_start3A_490 = tpu.memref_squeeze %dma_start3A_489 : memref<1x!tpu.dma_semaphore, #tpu.memory_space<semaphore_mem>> -> memref<!tpu.dma_semaphore, #tpu.memory_space<semaphore_mem>>
    %dma_start3A_491 = arith.constant 0 : i32
    %dma_start3A_492 = tpu.memref_slice %arg4[%select_n3A, %add3A_479, %dma_start3A_491] : memref<16x4096x128xf32, #tpu.memory_space<hbm>> -> memref<1x256x128xf32, #tpu.memory_space<hbm>>
    %dma_start3A_493 = tpu.memref_squeeze %dma_start3A_492 : memref<1x256x128xf32, #tpu.memory_space<hbm>> -> memref<256x128xf32, #tpu.memory_space<hbm>>
    %dma_start3A_494 = arith.constant 0 : i32
    %dma_start3A_495 = arith.constant 0 : i32
    %dma_start3A_496 = tpu.memref_slice %arg5[%dma_start3A_480, %dma_start3A_494, %dma_start3A_495] : memref<3x256x128xf32, #tpu.memory_space<vmem>> -> memref<1x256x128xf32, #tpu.memory_space<vmem>>
    %dma_start3A_497 = tpu.memref_squeeze %dma_start3A_496 : memref<1x256x128xf32, #tpu.memory_space<vmem>> -> memref<256x128xf32, #tpu.memory_space<vmem>>
    tpu.enqueue_dma source(%dma_start3A_497 : memref<256x128xf32, #tpu.memory_space<vmem>>) target(%dma_start3A_493 : memref<256x128xf32, #tpu.memory_space<hbm>>) target_semaphore(%dma_start3A_490 : memref<!tpu.dma_semaphore, #tpu.memory_space<semaphore_mem>>)
    %dma_wait3A_498 = arith.constant 1 : i32
    %dma_wait3A_499 = arith.constant 1 : i32
    %dma_wait3A_500 = arith.constant 0 : i32
    %dma_wait3A_501 = arith.constant 0 : i32
    %dma_wait3A_502 = tpu.memref_slice %arg5[%dma_wait3A_498, %dma_wait3A_500, %dma_wait3A_501] : memref<3x256x128xf32, #tpu.memory_space<vmem>> -> memref<1x256x128xf32, #tpu.memory_space<vmem>>
    %dma_wait3A_503 = tpu.memref_squeeze %dma_wait3A_502 : memref<1x256x128xf32, #tpu.memory_space<vmem>> -> memref<256x128xf32, #tpu.memory_space<vmem>>
    %dma_wait3A_504 = arith.constant 0 : i32
    %dma_wait3A_505 = tpu.memref_slice %arg4[%select_n3A, %add3A_320, %dma_wait3A_504] : memref<16x4096x128xf32, #tpu.memory_space<hbm>> -> memref<1x256x128xf32, #tpu.memory_space<hbm>>
    %dma_wait3A_506 = tpu.memref_squeeze %dma_wait3A_505 : memref<1x256x128xf32, #tpu.memory_space<hbm>> -> memref<256x128xf32, #tpu.memory_space<hbm>>
    %dma_wait3A_507 = tpu.memref_slice %arg8[%dma_wait3A_499] : memref<3x!tpu.dma_semaphore, #tpu.memory_space<semaphore_mem>> -> memref<1x!tpu.dma_semaphore, #tpu.memory_space<semaphore_mem>>
    %dma_wait3A_508 = tpu.memref_squeeze %dma_wait3A_507 : memref<1x!tpu.dma_semaphore, #tpu.memory_space<semaphore_mem>> -> memref<!tpu.dma_semaphore, #tpu.memory_space<semaphore_mem>>
    %dma_wait3A_509 = arith.constant 0 : i32
    %dma_wait3A_510 = tpu.memref_slice %arg4[%select_n3A, %add3A_320, %dma_wait3A_509] : memref<16x4096x128xf32, #tpu.memory_space<hbm>> -> memref<1x256x128xf32, #tpu.memory_space<hbm>>
    %dma_wait3A_511 = tpu.memref_squeeze %dma_wait3A_510 : memref<1x256x128xf32, #tpu.memory_space<hbm>> -> memref<256x128xf32, #tpu.memory_space<hbm>>
    %dma_wait3A_512 = arith.constant 0 : i32
    %dma_wait3A_513 = arith.constant 0 : i32
    %dma_wait3A_514 = tpu.memref_slice %arg5[%dma_wait3A_498, %dma_wait3A_512, %dma_wait3A_513] : memref<3x256x128xf32, #tpu.memory_space<vmem>> -> memref<1x256x128xf32, #tpu.memory_space<vmem>>
    %dma_wait3A_515 = tpu.memref_squeeze %dma_wait3A_514 : memref<1x256x128xf32, #tpu.memory_space<vmem>> -> memref<256x128xf32, #tpu.memory_space<vmem>>
    tpu.wait_dma2 semaphore(%dma_wait3A_508 : memref<!tpu.dma_semaphore, #tpu.memory_space<semaphore_mem>>) src(%dma_wait3A_515 : memref<256x128xf32, #tpu.memory_space<vmem>>) dst(%dma_wait3A_511 : memref<256x128xf32, #tpu.memory_space<hbm>>)
    %add3A_516 = arith.constant 1024 : i32
    %add3A_517 = arith.addi %mul3A_32, %add3A_516 : i32
    %dma_start3A_518 = arith.constant 1 : i32
    %dma_start3A_519 = arith.constant 1 : i32
    %dma_start3A_520 = arith.constant 0 : i32
    %dma_start3A_521 = arith.constant 0 : i32
    %dma_start3A_522 = tpu.memref_slice %arg5[%dma_start3A_518, %dma_start3A_520, %dma_start3A_521] : memref<3x256x128xf32, #tpu.memory_space<vmem>> -> memref<1x256x128xf32, #tpu.memory_space<vmem>>
    %dma_start3A_523 = tpu.memref_squeeze %dma_start3A_522 : memref<1x256x128xf32, #tpu.memory_space<vmem>> -> memref<256x128xf32, #tpu.memory_space<vmem>>
    %dma_start3A_524 = arith.constant 0 : i32
    %dma_start3A_525 = tpu.memref_slice %arg2[%select_n3A, %add3A_517, %dma_start3A_524] : memref<16x4096x128xf32, #tpu.memory_space<hbm>> -> memref<1x256x128xf32, #tpu.memory_space<hbm>>
    %dma_start3A_526 = tpu.memref_squeeze %dma_start3A_525 : memref<1x256x128xf32, #tpu.memory_space<hbm>> -> memref<256x128xf32, #tpu.memory_space<hbm>>
    %dma_start3A_527 = tpu.memref_slice %arg7[%dma_start3A_519] : memref<3x!tpu.dma_semaphore, #tpu.memory_space<semaphore_mem>> -> memref<1x!tpu.dma_semaphore, #tpu.memory_space<semaphore_mem>>
    %dma_start3A_528 = tpu.memref_squeeze %dma_start3A_527 : memref<1x!tpu.dma_semaphore, #tpu.memory_space<semaphore_mem>> -> memref<!tpu.dma_semaphore, #tpu.memory_space<semaphore_mem>>
    %dma_start3A_529 = arith.constant 0 : i32
    %dma_start3A_530 = arith.constant 0 : i32
    %dma_start3A_531 = tpu.memref_slice %arg5[%dma_start3A_518, %dma_start3A_529, %dma_start3A_530] : memref<3x256x128xf32, #tpu.memory_space<vmem>> -> memref<1x256x128xf32, #tpu.memory_space<vmem>>
    %dma_start3A_532 = tpu.memref_squeeze %dma_start3A_531 : memref<1x256x128xf32, #tpu.memory_space<vmem>> -> memref<256x128xf32, #tpu.memory_space<vmem>>
    %dma_start3A_533 = arith.constant 0 : i32
    %dma_start3A_534 = tpu.memref_slice %arg2[%select_n3A, %add3A_517, %dma_start3A_533] : memref<16x4096x128xf32, #tpu.memory_space<hbm>> -> memref<1x256x128xf32, #tpu.memory_space<hbm>>
    %dma_start3A_535 = tpu.memref_squeeze %dma_start3A_534 : memref<1x256x128xf32, #tpu.memory_space<hbm>> -> memref<256x128xf32, #tpu.memory_space<hbm>>
    tpu.enqueue_dma source(%dma_start3A_535 : memref<256x128xf32, #tpu.memory_space<hbm>>) target(%dma_start3A_532 : memref<256x128xf32, #tpu.memory_space<vmem>>) target_semaphore(%dma_start3A_528 : memref<!tpu.dma_semaphore, #tpu.memory_space<semaphore_mem>>)
    %dma_wait3A_536 = arith.constant 0 : i32
    %dma_wait3A_537 = arith.constant 0 : i32
    %dma_wait3A_538 = arith.constant 0 : i32
    %dma_wait3A_539 = arith.constant 0 : i32
    %dma_wait3A_540 = tpu.memref_slice %arg5[%dma_wait3A_536, %dma_wait3A_538, %dma_wait3A_539] : memref<3x256x128xf32, #tpu.memory_space<vmem>> -> memref<1x256x128xf32, #tpu.memory_space<vmem>>
    %dma_wait3A_541 = tpu.memref_squeeze %dma_wait3A_540 : memref<1x256x128xf32, #tpu.memory_space<vmem>> -> memref<256x128xf32, #tpu.memory_space<vmem>>
    %dma_wait3A_542 = arith.constant 0 : i32
    %dma_wait3A_543 = tpu.memref_slice %arg2[%select_n3A, %add3A_358, %dma_wait3A_542] : memref<16x4096x128xf32, #tpu.memory_space<hbm>> -> memref<1x256x128xf32, #tpu.memory_space<hbm>>
    %dma_wait3A_544 = tpu.memref_squeeze %dma_wait3A_543 : memref<1x256x128xf32, #tpu.memory_space<hbm>> -> memref<256x128xf32, #tpu.memory_space<hbm>>
    %dma_wait3A_545 = tpu.memref_slice %arg7[%dma_wait3A_537] : memref<3x!tpu.dma_semaphore, #tpu.memory_space<semaphore_mem>> -> memref<1x!tpu.dma_semaphore, #tpu.memory_space<semaphore_mem>>
    %dma_wait3A_546 = tpu.memref_squeeze %dma_wait3A_545 : memref<1x!tpu.dma_semaphore, #tpu.memory_space<semaphore_mem>> -> memref<!tpu.dma_semaphore, #tpu.memory_space<semaphore_mem>>
    %dma_wait3A_547 = arith.constant 0 : i32
    %dma_wait3A_548 = arith.constant 0 : i32
    %dma_wait3A_549 = tpu.memref_slice %arg5[%dma_wait3A_536, %dma_wait3A_547, %dma_wait3A_548] : memref<3x256x128xf32, #tpu.memory_space<vmem>> -> memref<1x256x128xf32, #tpu.memory_space<vmem>>
    %dma_wait3A_550 = tpu.memref_squeeze %dma_wait3A_549 : memref<1x256x128xf32, #tpu.memory_space<vmem>> -> memref<256x128xf32, #tpu.memory_space<vmem>>
    %dma_wait3A_551 = arith.constant 0 : i32
    %dma_wait3A_552 = tpu.memref_slice %arg2[%select_n3A, %add3A_358, %dma_wait3A_551] : memref<16x4096x128xf32, #tpu.memory_space<hbm>> -> memref<1x256x128xf32, #tpu.memory_space<hbm>>
    %dma_wait3A_553 = tpu.memref_squeeze %dma_wait3A_552 : memref<1x256x128xf32, #tpu.memory_space<hbm>> -> memref<256x128xf32, #tpu.memory_space<hbm>>
    tpu.wait_dma2 semaphore(%dma_wait3A_546 : memref<!tpu.dma_semaphore, #tpu.memory_space<semaphore_mem>>) src(%dma_wait3A_553 : memref<256x128xf32, #tpu.memory_space<hbm>>) dst(%dma_wait3A_550 : memref<256x128xf32, #tpu.memory_space<vmem>>)
    %add3A_554 = arith.constant 768 : i32
    %add3A_555 = arith.addi %mul3A_32, %add3A_554 : i32
    %jit3A_556 = arith.constant 10 : i32
    %eq3A_557 = arith.constant 0 : i32
    %eq3A_558 = arith.cmpi eq, %jit3A_556, %eq3A_557 : i32
    %jit3A_559 = arith.constant 1 : i32
    %select_n3A_560 = arith.select %eq3A_558, %jit3A_559, %jit3A_556 : i32
    %rem3A_561 = arith.remsi %add3A_555, %select_n3A_560 : i32
    %ne3A_562 = arith.constant 0 : i32
    %ne3A_563 = arith.cmpi ne, %rem3A_561, %ne3A_562 : i32
    %lt3A_564 = arith.constant 0 : i32
    %lt3A_565 = arith.cmpi slt, %rem3A_561, %lt3A_564 : i32
    %lt3A_566 = arith.constant 0 : i32
    %lt3A_567 = arith.cmpi slt, %select_n3A_560, %lt3A_566 : i32
    %ne3A_568 = arith.xori %lt3A_565, %lt3A_567 : i1
    %and3A_569 = arith.andi %ne3A_568, %ne3A_563 : i1
    %add3A_570 = arith.addi %rem3A_561, %select_n3A_560 : i32
    %select_n3A_571 = arith.select %and3A_569, %add3A_570, %rem3A_561 : i32
    %sub3A_572 = arith.constant 10 : i32
    %sub3A_573 = arith.subi %sub3A_572, %select_n3A_571 : i32
    %jit3A_574 = arith.constant 10 : i32
    %eq3A_575 = arith.constant 0 : i32
    %eq3A_576 = arith.cmpi eq, %jit3A_574, %eq3A_575 : i32
    %jit3A_577 = arith.constant 1 : i32
    %select_n3A_578 = arith.select %eq3A_576, %jit3A_577, %jit3A_574 : i32
    %rem3A_579 = arith.remsi %sub3A_573, %select_n3A_578 : i32
    %ne3A_580 = arith.constant 0 : i32
    %ne3A_581 = arith.cmpi ne, %rem3A_579, %ne3A_580 : i32
    %lt3A_582 = arith.constant 0 : i32
    %lt3A_583 = arith.cmpi slt, %rem3A_579, %lt3A_582 : i32
    %lt3A_584 = arith.constant 0 : i32
    %lt3A_585 = arith.cmpi slt, %select_n3A_578, %lt3A_584 : i32
    %ne3A_586 = arith.xori %lt3A_583, %lt3A_585 : i1
    %and3A_587 = arith.andi %ne3A_586, %ne3A_581 : i1
    %add3A_588 = arith.addi %rem3A_579, %select_n3A_578 : i32
    %select_n3A_589 = arith.select %and3A_587, %add3A_588, %rem3A_579 : i32
    %sub3A_590 = arith.constant 768 : i32
    %sub3A_591 = arith.subi %select_n3A_39, %sub3A_590 : i32
    %jit3A_592 = arith.constant 0 : i32
    %jit3A_593 = arith.constant 256 : i32
    %max3A_594 = arith.maxsi %jit3A_592, %sub3A_591 : i32
    %min3A_595 = arith.minsi %jit3A_593, %max3A_594 : i32
    %sub3A_596 = arith.subi %min3A_595, %select_n3A_589 : i32
    %add3A_597 = arith.constant 9 : i32
    %add3A_598 = arith.addi %sub3A_596, %add3A_597 : i32
    %jit3A_599 = arith.constant 10 : i32
    %div3A_600 = arith.divsi %add3A_598, %jit3A_599 : i32
    %sign3A_601 = arith.constant 0 : i32
    %sign3A_602 = arith.cmpi sgt, %add3A_598, %sign3A_601 : i32
    %sign3A_603 = arith.extui %sign3A_602 : i1 to i32
    %sign3A_604 = arith.constant 0 : i32
    %sign3A_605 = arith.cmpi slt, %add3A_598, %sign3A_604 : i32
    %sign3A_606 = arith.extui %sign3A_605 : i1 to i32
    %sign3A_607 = arith.subi %sign3A_603, %sign3A_606 : i32
    %sign3A_608 = arith.constant 0 : i32
    %sign3A_609 = arith.cmpi sgt, %jit3A_599, %sign3A_608 : i32
    %sign3A_610 = arith.extui %sign3A_609 : i1 to i32
    %sign3A_611 = arith.constant 0 : i32
    %sign3A_612 = arith.cmpi slt, %jit3A_599, %sign3A_611 : i32
    %sign3A_613 = arith.extui %sign3A_612 : i1 to i32
    %sign3A_614 = arith.subi %sign3A_610, %sign3A_613 : i32
    %ne3A_615 = arith.cmpi ne, %sign3A_607, %sign3A_614 : i32
    %rem3A_616 = arith.remsi %add3A_598, %jit3A_599 : i32
    %ne3A_617 = arith.constant 0 : i32
    %ne3A_618 = arith.cmpi ne, %rem3A_616, %ne3A_617 : i32
    %and3A_619 = arith.andi %ne3A_615, %ne3A_618 : i1
    %sub3A_620 = arith.constant 1 : i32
    %sub3A_621 = arith.subi %div3A_600, %sub3A_620 : i32
    %select_n3A_622 = arith.select %and3A_619, %sub3A_621, %div3A_600 : i32
    %max3A_623 = arith.constant 0 : i32
    %max3A_624 = arith.maxsi %max3A_623, %select_n3A_622 : i32
    %while3A_625 = arith.constant 0 : i32
    %while3A_626 = arith.constant 0 : i32
    %while3A_627 = arith.subi %max3A_624, %while3A_625 : i32
    %while3A_628 = arith.addi %while3A_625, %while3A_627 : i32
    %while3A_629 = arith.constant 1 : i32
    %while3A_630 = arith.divsi %while3A_627, %while3A_629 : i32
    %while3A_631 = arith.muli %while3A_630, %while3A_629 : i32
    %while3A_632 = arith.addi %while3A_625, %while3A_631 : i32
    %while3A_633 = arith.constant 1 : i32
    %while3A_634 = scf.for %while3A_1309 = %while3A_625 to %while3A_632 step %while3A_633 iter_args(%while3A_1310 = %while3A_626) -> (i32)  : i32 {
      %mul3A_1311 = arith.constant 10 : i32
      %mul3A_1312 = arith.muli %mul3A_1311, %while3A_1309 : i32
      %add3A_1313 = arith.addi %select_n3A_589, %mul3A_1312 : i32
      %swap3A = arith.constant 0 : i32
      %swap3A_1314 = arith.index_cast %swap3A : i32 to index
      %swap3A_1315 = arith.index_cast %add3A_1313 : i32 to index
      %swap3A_1316 = arith.constant 0 : index
      %swap3A_1317 = tpu.vector_load %arg5[%swap3A_1314, %swap3A_1315, %swap3A_1316] {strides = array<i32>} : memref<3x256x128xf32, #tpu.memory_space<vmem>>, vector<1x1x16xf32>,
      %swap3A_1318 = vector.shape_cast %swap3A_1317 : vector<1x1x16xf32> to vector<16xf32>
      %swap3A_1319 = vector.shape_cast %broadcast_in_dim3A_40 : vector<16xf32> to vector<1x1x16xf32>
      tpu.vector_store %arg5[%swap3A_1314, %swap3A_1315, %swap3A_1316], %swap3A_1319 {strides = array<i32>} : memref<3x256x128xf32, #tpu.memory_space<vmem>>, vector<1x1x16xf32>,
      %swap3A_1320 = arith.constant 0 : i32
      %swap3A_1321 = arith.index_cast %swap3A_1320 : i32 to index
      %swap3A_1322 = arith.index_cast %add3A_1313 : i32 to index
      %swap3A_1323 = arith.constant 16 : index
      %swap3A_1324 = tpu.vector_load %arg5[%swap3A_1321, %swap3A_1322, %swap3A_1323] {strides = array<i32>} : memref<3x256x128xf32, #tpu.memory_space<vmem>>, vector<1x1x16xf32>,
      %swap3A_1325 = vector.shape_cast %swap3A_1324 : vector<1x1x16xf32> to vector<16xf32>
      %swap3A_1326 = vector.shape_cast %broadcast_in_dim3A_40 : vector<16xf32> to vector<1x1x16xf32>
      tpu.vector_store %arg5[%swap3A_1321, %swap3A_1322, %swap3A_1323], %swap3A_1326 {strides = array<i32>} : memref<3x256x128xf32, #tpu.memory_space<vmem>>, vector<1x1x16xf32>,
      %swap3A_1327 = arith.constant 0 : i32
      %swap3A_1328 = arith.index_cast %swap3A_1327 : i32 to index
      %swap3A_1329 = arith.index_cast %add3A_1313 : i32 to index
      %swap3A_1330 = arith.constant 32 : index
      %swap3A_1331 = tpu.vector_load %arg5[%swap3A_1328, %swap3A_1329, %swap3A_1330] {strides = array<i32>} : memref<3x256x128xf32, #tpu.memory_space<vmem>>, vector<1x1x16xf32>,
      %swap3A_1332 = vector.shape_cast %swap3A_1331 : vector<1x1x16xf32> to vector<16xf32>
      %swap3A_1333 = vector.shape_cast %broadcast_in_dim3A_40 : vector<16xf32> to vector<1x1x16xf32>
      tpu.vector_store %arg5[%swap3A_1328, %swap3A_1329, %swap3A_1330], %swap3A_1333 {strides = array<i32>} : memref<3x256x128xf32, #tpu.memory_space<vmem>>, vector<1x1x16xf32>,
      %swap3A_1334 = arith.constant 0 : i32
      %swap3A_1335 = arith.index_cast %swap3A_1334 : i32 to index
      %swap3A_1336 = arith.index_cast %add3A_1313 : i32 to index
      %swap3A_1337 = arith.constant 48 : index
      %swap3A_1338 = tpu.vector_load %arg5[%swap3A_1335, %swap3A_1336, %swap3A_1337] {strides = array<i32>} : memref<3x256x128xf32, #tpu.memory_space<vmem>>, vector<1x1x16xf32>,
      %swap3A_1339 = vector.shape_cast %swap3A_1338 : vector<1x1x16xf32> to vector<16xf32>
      %swap3A_1340 = vector.shape_cast %broadcast_in_dim3A_40 : vector<16xf32> to vector<1x1x16xf32>
      tpu.vector_store %arg5[%swap3A_1335, %swap3A_1336, %swap3A_1337], %swap3A_1340 {strides = array<i32>} : memref<3x256x128xf32, #tpu.memory_space<vmem>>, vector<1x1x16xf32>,
      %swap3A_1341 = arith.constant 0 : i32
      %swap3A_1342 = arith.index_cast %swap3A_1341 : i32 to index
      %swap3A_1343 = arith.index_cast %add3A_1313 : i32 to index
      %swap3A_1344 = arith.constant 64 : index
      %swap3A_1345 = tpu.vector_load %arg5[%swap3A_1342, %swap3A_1343, %swap3A_1344] {strides = array<i32>} : memref<3x256x128xf32, #tpu.memory_space<vmem>>, vector<1x1x16xf32>,
      %swap3A_1346 = vector.shape_cast %swap3A_1345 : vector<1x1x16xf32> to vector<16xf32>
      %swap3A_1347 = vector.shape_cast %broadcast_in_dim3A_40 : vector<16xf32> to vector<1x1x16xf32>
      tpu.vector_store %arg5[%swap3A_1342, %swap3A_1343, %swap3A_1344], %swap3A_1347 {strides = array<i32>} : memref<3x256x128xf32, #tpu.memory_space<vmem>>, vector<1x1x16xf32>,
      %swap3A_1348 = arith.constant 0 : i32
      %swap3A_1349 = arith.index_cast %swap3A_1348 : i32 to index
      %swap3A_1350 = arith.index_cast %add3A_1313 : i32 to index
      %swap3A_1351 = arith.constant 80 : index
      %swap3A_1352 = tpu.vector_load %arg5[%swap3A_1349, %swap3A_1350, %swap3A_1351] {strides = array<i32>} : memref<3x256x128xf32, #tpu.memory_space<vmem>>, vector<1x1x16xf32>,
      %swap3A_1353 = vector.shape_cast %swap3A_1352 : vector<1x1x16xf32> to vector<16xf32>
      %swap3A_1354 = vector.shape_cast %broadcast_in_dim3A_40 : vector<16xf32> to vector<1x1x16xf32>
      tpu.vector_store %arg5[%swap3A_1349, %swap3A_1350, %swap3A_1351], %swap3A_1354 {strides = array<i32>} : memref<3x256x128xf32, #tpu.memory_space<vmem>>, vector<1x1x16xf32>,
      %swap3A_1355 = arith.constant 0 : i32
      %swap3A_1356 = arith.index_cast %swap3A_1355 : i32 to index
      %swap3A_1357 = arith.index_cast %add3A_1313 : i32 to index
      %swap3A_1358 = arith.constant 96 : index
      %swap3A_1359 = tpu.vector_load %arg5[%swap3A_1356, %swap3A_1357, %swap3A_1358] {strides = array<i32>} : memref<3x256x128xf32, #tpu.memory_space<vmem>>, vector<1x1x16xf32>,
      %swap3A_1360 = vector.shape_cast %swap3A_1359 : vector<1x1x16xf32> to vector<16xf32>
      %swap3A_1361 = vector.shape_cast %broadcast_in_dim3A_40 : vector<16xf32> to vector<1x1x16xf32>
      tpu.vector_store %arg5[%swap3A_1356, %swap3A_1357, %swap3A_1358], %swap3A_1361 {strides = array<i32>} : memref<3x256x128xf32, #tpu.memory_space<vmem>>, vector<1x1x16xf32>,
      %swap3A_1362 = arith.constant 0 : i32
      %swap3A_1363 = arith.index_cast %swap3A_1362 : i32 to index
      %swap3A_1364 = arith.index_cast %add3A_1313 : i32 to index
      %swap3A_1365 = arith.constant 112 : index
      %swap3A_1366 = tpu.vector_load %arg5[%swap3A_1363, %swap3A_1364, %swap3A_1365] {strides = array<i32>} : memref<3x256x128xf32, #tpu.memory_space<vmem>>, vector<1x1x16xf32>,
      %swap3A_1367 = vector.shape_cast %swap3A_1366 : vector<1x1x16xf32> to vector<16xf32>
      %swap3A_1368 = vector.shape_cast %broadcast_in_dim3A_40 : vector<16xf32> to vector<1x1x16xf32>
      tpu.vector_store %arg5[%swap3A_1363, %swap3A_1364, %swap3A_1365], %swap3A_1368 {strides = array<i32>} : memref<3x256x128xf32, #tpu.memory_space<vmem>>, vector<1x1x16xf32>,
      %while3A_1369 = arith.constant 0 : i32
      scf.yield %while3A_1369 : i32
    }
    %while3A_635 = arith.constant 1 : i32
    %while3A_636 = scf.for %while3A_1309 = %while3A_632 to %while3A_628 step %while3A_635 iter_args(%while3A_1310 = %while3A_634) -> (i32)  : i32 {
      %mul3A_1311 = arith.constant 10 : i32
      %mul3A_1312 = arith.muli %mul3A_1311, %while3A_1309 : i32
      %add3A_1313 = arith.addi %select_n3A_589, %mul3A_1312 : i32
      %swap3A = arith.constant 0 : i32
      %swap3A_1314 = arith.index_cast %swap3A : i32 to index
      %swap3A_1315 = arith.index_cast %add3A_1313 : i32 to index
      %swap3A_1316 = arith.constant 0 : index
      %swap3A_1317 = tpu.vector_load %arg5[%swap3A_1314, %swap3A_1315, %swap3A_1316] {strides = array<i32>} : memref<3x256x128xf32, #tpu.memory_space<vmem>>, vector<1x1x16xf32>,
      %swap3A_1318 = vector.shape_cast %swap3A_1317 : vector<1x1x16xf32> to vector<16xf32>
      %swap3A_1319 = vector.shape_cast %broadcast_in_dim3A_40 : vector<16xf32> to vector<1x1x16xf32>
      tpu.vector_store %arg5[%swap3A_1314, %swap3A_1315, %swap3A_1316], %swap3A_1319 {strides = array<i32>} : memref<3x256x128xf32, #tpu.memory_space<vmem>>, vector<1x1x16xf32>,
      %swap3A_1320 = arith.constant 0 : i32
      %swap3A_1321 = arith.index_cast %swap3A_1320 : i32 to index
      %swap3A_1322 = arith.index_cast %add3A_1313 : i32 to index
      %swap3A_1323 = arith.constant 16 : index
      %swap3A_1324 = tpu.vector_load %arg5[%swap3A_1321, %swap3A_1322, %swap3A_1323] {strides = array<i32>} : memref<3x256x128xf32, #tpu.memory_space<vmem>>, vector<1x1x16xf32>,
      %swap3A_1325 = vector.shape_cast %swap3A_1324 : vector<1x1x16xf32> to vector<16xf32>
      %swap3A_1326 = vector.shape_cast %broadcast_in_dim3A_40 : vector<16xf32> to vector<1x1x16xf32>
      tpu.vector_store %arg5[%swap3A_1321, %swap3A_1322, %swap3A_1323], %swap3A_1326 {strides = array<i32>} : memref<3x256x128xf32, #tpu.memory_space<vmem>>, vector<1x1x16xf32>,
      %swap3A_1327 = arith.constant 0 : i32
      %swap3A_1328 = arith.index_cast %swap3A_1327 : i32 to index
      %swap3A_1329 = arith.index_cast %add3A_1313 : i32 to index
      %swap3A_1330 = arith.constant 32 : index
      %swap3A_1331 = tpu.vector_load %arg5[%swap3A_1328, %swap3A_1329, %swap3A_1330] {strides = array<i32>} : memref<3x256x128xf32, #tpu.memory_space<vmem>>, vector<1x1x16xf32>,
      %swap3A_1332 = vector.shape_cast %swap3A_1331 : vector<1x1x16xf32> to vector<16xf32>
      %swap3A_1333 = vector.shape_cast %broadcast_in_dim3A_40 : vector<16xf32> to vector<1x1x16xf32>
      tpu.vector_store %arg5[%swap3A_1328, %swap3A_1329, %swap3A_1330], %swap3A_1333 {strides = array<i32>} : memref<3x256x128xf32, #tpu.memory_space<vmem>>, vector<1x1x16xf32>,
      %swap3A_1334 = arith.constant 0 : i32
      %swap3A_1335 = arith.index_cast %swap3A_1334 : i32 to index
      %swap3A_1336 = arith.index_cast %add3A_1313 : i32 to index
      %swap3A_1337 = arith.constant 48 : index
      %swap3A_1338 = tpu.vector_load %arg5[%swap3A_1335, %swap3A_1336, %swap3A_1337] {strides = array<i32>} : memref<3x256x128xf32, #tpu.memory_space<vmem>>, vector<1x1x16xf32>,
      %swap3A_1339 = vector.shape_cast %swap3A_1338 : vector<1x1x16xf32> to vector<16xf32>
      %swap3A_1340 = vector.shape_cast %broadcast_in_dim3A_40 : vector<16xf32> to vector<1x1x16xf32>
      tpu.vector_store %arg5[%swap3A_1335, %swap3A_1336, %swap3A_1337], %swap3A_1340 {strides = array<i32>} : memref<3x256x128xf32, #tpu.memory_space<vmem>>, vector<1x1x16xf32>,
      %swap3A_1341 = arith.constant 0 : i32
      %swap3A_1342 = arith.index_cast %swap3A_1341 : i32 to index
      %swap3A_1343 = arith.index_cast %add3A_1313 : i32 to index
      %swap3A_1344 = arith.constant 64 : index
      %swap3A_1345 = tpu.vector_load %arg5[%swap3A_1342, %swap3A_1343, %swap3A_1344] {strides = array<i32>} : memref<3x256x128xf32, #tpu.memory_space<vmem>>, vector<1x1x16xf32>,
      %swap3A_1346 = vector.shape_cast %swap3A_1345 : vector<1x1x16xf32> to vector<16xf32>
      %swap3A_1347 = vector.shape_cast %broadcast_in_dim3A_40 : vector<16xf32> to vector<1x1x16xf32>
      tpu.vector_store %arg5[%swap3A_1342, %swap3A_1343, %swap3A_1344], %swap3A_1347 {strides = array<i32>} : memref<3x256x128xf32, #tpu.memory_space<vmem>>, vector<1x1x16xf32>,
      %swap3A_1348 = arith.constant 0 : i32
      %swap3A_1349 = arith.index_cast %swap3A_1348 : i32 to index
      %swap3A_1350 = arith.index_cast %add3A_1313 : i32 to index
      %swap3A_1351 = arith.constant 80 : index
      %swap3A_1352 = tpu.vector_load %arg5[%swap3A_1349, %swap3A_1350, %swap3A_1351] {strides = array<i32>} : memref<3x256x128xf32, #tpu.memory_space<vmem>>, vector<1x1x16xf32>,
      %swap3A_1353 = vector.shape_cast %swap3A_1352 : vector<1x1x16xf32> to vector<16xf32>
      %swap3A_1354 = vector.shape_cast %broadcast_in_dim3A_40 : vector<16xf32> to vector<1x1x16xf32>
      tpu.vector_store %arg5[%swap3A_1349, %swap3A_1350, %swap3A_1351], %swap3A_1354 {strides = array<i32>} : memref<3x256x128xf32, #tpu.memory_space<vmem>>, vector<1x1x16xf32>,
      %swap3A_1355 = arith.constant 0 : i32
      %swap3A_1356 = arith.index_cast %swap3A_1355 : i32 to index
      %swap3A_1357 = arith.index_cast %add3A_1313 : i32 to index
      %swap3A_1358 = arith.constant 96 : index
      %swap3A_1359 = tpu.vector_load %arg5[%swap3A_1356, %swap3A_1357, %swap3A_1358] {strides = array<i32>} : memref<3x256x128xf32, #tpu.memory_space<vmem>>, vector<1x1x16xf32>,
      %swap3A_1360 = vector.shape_cast %swap3A_1359 : vector<1x1x16xf32> to vector<16xf32>
      %swap3A_1361 = vector.shape_cast %broadcast_in_dim3A_40 : vector<16xf32> to vector<1x1x16xf32>
      tpu.vector_store %arg5[%swap3A_1356, %swap3A_1357, %swap3A_1358], %swap3A_1361 {strides = array<i32>} : memref<3x256x128xf32, #tpu.memory_space<vmem>>, vector<1x1x16xf32>,
      %swap3A_1362 = arith.constant 0 : i32
      %swap3A_1363 = arith.index_cast %swap3A_1362 : i32 to index
      %swap3A_1364 = arith.index_cast %add3A_1313 : i32 to index
      %swap3A_1365 = arith.constant 112 : index
      %swap3A_1366 = tpu.vector_load %arg5[%swap3A_1363, %swap3A_1364, %swap3A_1365] {strides = array<i32>} : memref<3x256x128xf32, #tpu.memory_space<vmem>>, vector<1x1x16xf32>,
      %swap3A_1367 = vector.shape_cast %swap3A_1366 : vector<1x1x16xf32> to vector<16xf32>
      %swap3A_1368 = vector.shape_cast %broadcast_in_dim3A_40 : vector<16xf32> to vector<1x1x16xf32>
      tpu.vector_store %arg5[%swap3A_1363, %swap3A_1364, %swap3A_1365], %swap3A_1368 {strides = array<i32>} : memref<3x256x128xf32, #tpu.memory_space<vmem>>, vector<1x1x16xf32>,
      %while3A_1369 = arith.constant 0 : i32
      scf.yield %while3A_1369 : i32
    }
    %add3A_637 = arith.constant 768 : i32
    %add3A_638 = arith.addi %mul3A_32, %add3A_637 : i32
    %dma_start3A_639 = arith.constant 0 : i32
    %dma_start3A_640 = arith.constant 0 : i32
    %dma_start3A_641 = arith.constant 0 : i32
    %dma_start3A_642 = arith.constant 0 : i32
    %dma_start3A_643 = tpu.memref_slice %arg5[%dma_start3A_639, %dma_start3A_641, %dma_start3A_642] : memref<3x256x128xf32, #tpu.memory_space<vmem>> -> memref<1x256x128xf32, #tpu.memory_space<vmem>>
    %dma_start3A_644 = tpu.memref_squeeze %dma_start3A_643 : memref<1x256x128xf32, #tpu.memory_space<vmem>> -> memref<256x128xf32, #tpu.memory_space<vmem>>
    %dma_start3A_645 = arith.constant 0 : i32
    %dma_start3A_646 = tpu.memref_slice %arg4[%select_n3A, %add3A_638, %dma_start3A_645] : memref<16x4096x128xf32, #tpu.memory_space<hbm>> -> memref<1x256x128xf32, #tpu.memory_space<hbm>>
    %dma_start3A_647 = tpu.memref_squeeze %dma_start3A_646 : memref<1x256x128xf32, #tpu.memory_space<hbm>> -> memref<256x128xf32, #tpu.memory_space<hbm>>
    %dma_start3A_648 = tpu.memref_slice %arg8[%dma_start3A_640] : memref<3x!tpu.dma_semaphore, #tpu.memory_space<semaphore_mem>> -> memref<1x!tpu.dma_semaphore, #tpu.memory_space<semaphore_mem>>
    %dma_start3A_649 = tpu.memref_squeeze %dma_start3A_648 : memref<1x!tpu.dma_semaphore, #tpu.memory_space<semaphore_mem>> -> memref<!tpu.dma_semaphore, #tpu.memory_space<semaphore_mem>>
    %dma_start3A_650 = arith.constant 0 : i32
    %dma_start3A_651 = tpu.memref_slice %arg4[%select_n3A, %add3A_638, %dma_start3A_650] : memref<16x4096x128xf32, #tpu.memory_space<hbm>> -> memref<1x256x128xf32, #tpu.memory_space<hbm>>
    %dma_start3A_652 = tpu.memref_squeeze %dma_start3A_651 : memref<1x256x128xf32, #tpu.memory_space<hbm>> -> memref<256x128xf32, #tpu.memory_space<hbm>>
    %dma_start3A_653 = arith.constant 0 : i32
    %dma_start3A_654 = arith.constant 0 : i32
    %dma_start3A_655 = tpu.memref_slice %arg5[%dma_start3A_639, %dma_start3A_653, %dma_start3A_654] : memref<3x256x128xf32, #tpu.memory_space<vmem>> -> memref<1x256x128xf32, #tpu.memory_space<vmem>>
    %dma_start3A_656 = tpu.memref_squeeze %dma_start3A_655 : memref<1x256x128xf32, #tpu.memory_space<vmem>> -> memref<256x128xf32, #tpu.memory_space<vmem>>
    tpu.enqueue_dma source(%dma_start3A_656 : memref<256x128xf32, #tpu.memory_space<vmem>>) target(%dma_start3A_652 : memref<256x128xf32, #tpu.memory_space<hbm>>) target_semaphore(%dma_start3A_649 : memref<!tpu.dma_semaphore, #tpu.memory_space<semaphore_mem>>)
    %dma_wait3A_657 = arith.constant 2 : i32
    %dma_wait3A_658 = arith.constant 2 : i32
    %dma_wait3A_659 = arith.constant 0 : i32
    %dma_wait3A_660 = arith.constant 0 : i32
    %dma_wait3A_661 = tpu.memref_slice %arg5[%dma_wait3A_657, %dma_wait3A_659, %dma_wait3A_660] : memref<3x256x128xf32, #tpu.memory_space<vmem>> -> memref<1x256x128xf32, #tpu.memory_space<vmem>>
    %dma_wait3A_662 = tpu.memref_squeeze %dma_wait3A_661 : memref<1x256x128xf32, #tpu.memory_space<vmem>> -> memref<256x128xf32, #tpu.memory_space<vmem>>
    %dma_wait3A_663 = arith.constant 0 : i32
    %dma_wait3A_664 = tpu.memref_slice %arg4[%select_n3A, %add3A_479, %dma_wait3A_663] : memref<16x4096x128xf32, #tpu.memory_space<hbm>> -> memref<1x256x128xf32, #tpu.memory_space<hbm>>
    %dma_wait3A_665 = tpu.memref_squeeze %dma_wait3A_664 : memref<1x256x128xf32, #tpu.memory_space<hbm>> -> memref<256x128xf32, #tpu.memory_space<hbm>>
    %dma_wait3A_666 = tpu.memref_slice %arg8[%dma_wait3A_658] : memref<3x!tpu.dma_semaphore, #tpu.memory_space<semaphore_mem>> -> memref<1x!tpu.dma_semaphore, #tpu.memory_space<semaphore_mem>>
    %dma_wait3A_667 = tpu.memref_squeeze %dma_wait3A_666 : memref<1x!tpu.dma_semaphore, #tpu.memory_space<semaphore_mem>> -> memref<!tpu.dma_semaphore, #tpu.memory_space<semaphore_mem>>
    %dma_wait3A_668 = arith.constant 0 : i32
    %dma_wait3A_669 = tpu.memref_slice %arg4[%select_n3A, %add3A_479, %dma_wait3A_668] : memref<16x4096x128xf32, #tpu.memory_space<hbm>> -> memref<1x256x128xf32, #tpu.memory_space<hbm>>
    %dma_wait3A_670 = tpu.memref_squeeze %dma_wait3A_669 : memref<1x256x128xf32, #tpu.memory_space<hbm>> -> memref<256x128xf32, #tpu.memory_space<hbm>>
    %dma_wait3A_671 = arith.constant 0 : i32
    %dma_wait3A_672 = arith.constant 0 : i32
    %dma_wait3A_673 = tpu.memref_slice %arg5[%dma_wait3A_657, %dma_wait3A_671, %dma_wait3A_672] : memref<3x256x128xf32, #tpu.memory_space<vmem>> -> memref<1x256x128xf32, #tpu.memory_space<vmem>>
    %dma_wait3A_674 = tpu.memref_squeeze %dma_wait3A_673 : memref<1x256x128xf32, #tpu.memory_space<vmem>> -> memref<256x128xf32, #tpu.memory_space<vmem>>
    tpu.wait_dma2 semaphore(%dma_wait3A_667 : memref<!tpu.dma_semaphore, #tpu.memory_space<semaphore_mem>>) src(%dma_wait3A_674 : memref<256x128xf32, #tpu.memory_space<vmem>>) dst(%dma_wait3A_670 : memref<256x128xf32, #tpu.memory_space<hbm>>)
    %add3A_675 = arith.constant 1280 : i32
    %add3A_676 = arith.addi %mul3A_32, %add3A_675 : i32
    %dma_start3A_677 = arith.constant 2 : i32
    %dma_start3A_678 = arith.constant 2 : i32
    %dma_start3A_679 = arith.constant 0 : i32
    %dma_start3A_680 = arith.constant 0 : i32
    %dma_start3A_681 = tpu.memref_slice %arg5[%dma_start3A_677, %dma_start3A_679, %dma_start3A_680] : memref<3x256x128xf32, #tpu.memory_space<vmem>> -> memref<1x256x128xf32, #tpu.memory_space<vmem>>
    %dma_start3A_682 = tpu.memref_squeeze %dma_start3A_681 : memref<1x256x128xf32, #tpu.memory_space<vmem>> -> memref<256x128xf32, #tpu.memory_space<vmem>>
    %dma_start3A_683 = arith.constant 0 : i32
    %dma_start3A_684 = tpu.memref_slice %arg2[%select_n3A, %add3A_676, %dma_start3A_683] : memref<16x4096x128xf32, #tpu.memory_space<hbm>> -> memref<1x256x128xf32, #tpu.memory_space<hbm>>
    %dma_start3A_685 = tpu.memref_squeeze %dma_start3A_684 : memref<1x256x128xf32, #tpu.memory_space<hbm>> -> memref<256x128xf32, #tpu.memory_space<hbm>>
    %dma_start3A_686 = tpu.memref_slice %arg7[%dma_start3A_678] : memref<3x!tpu.dma_semaphore, #tpu.memory_space<semaphore_mem>> -> memref<1x!tpu.dma_semaphore, #tpu.memory_space<semaphore_mem>>
    %dma_start3A_687 = tpu.memref_squeeze %dma_start3A_686 : memref<1x!tpu.dma_semaphore, #tpu.memory_space<semaphore_mem>> -> memref<!tpu.dma_semaphore, #tpu.memory_space<semaphore_mem>>
    %dma_start3A_688 = arith.constant 0 : i32
    %dma_start3A_689 = arith.constant 0 : i32
    %dma_start3A_690 = tpu.memref_slice %arg5[%dma_start3A_677, %dma_start3A_688, %dma_start3A_689] : memref<3x256x128xf32, #tpu.memory_space<vmem>> -> memref<1x256x128xf32, #tpu.memory_space<vmem>>
    %dma_start3A_691 = tpu.memref_squeeze %dma_start3A_690 : memref<1x256x128xf32, #tpu.memory_space<vmem>> -> memref<256x128xf32, #tpu.memory_space<vmem>>
    %dma_start3A_692 = arith.constant 0 : i32
    %dma_start3A_693 = tpu.memref_slice %arg2[%select_n3A, %add3A_676, %dma_start3A_692] : memref<16x4096x128xf32, #tpu.memory_space<hbm>> -> memref<1x256x128xf32, #tpu.memory_space<hbm>>
    %dma_start3A_694 = tpu.memref_squeeze %dma_start3A_693 : memref<1x256x128xf32, #tpu.memory_space<hbm>> -> memref<256x128xf32, #tpu.memory_space<hbm>>
    tpu.enqueue_dma source(%dma_start3A_694 : memref<256x128xf32, #tpu.memory_space<hbm>>) target(%dma_start3A_691 : memref<256x128xf32, #tpu.memory_space<vmem>>) target_semaphore(%dma_start3A_687 : memref<!tpu.dma_semaphore, #tpu.memory_space<semaphore_mem>>)
    %dma_wait3A_695 = arith.constant 1 : i32
    %dma_wait3A_696 = arith.constant 1 : i32
    %dma_wait3A_697 = arith.constant 0 : i32
    %dma_wait3A_698 = arith.constant 0 : i32
    %dma_wait3A_699 = tpu.memref_slice %arg5[%dma_wait3A_695, %dma_wait3A_697, %dma_wait3A_698] : memref<3x256x128xf32, #tpu.memory_space<vmem>> -> memref<1x256x128xf32, #tpu.memory_space<vmem>>
    %dma_wait3A_700 = tpu.memref_squeeze %dma_wait3A_699 : memref<1x256x128xf32, #tpu.memory_space<vmem>> -> memref<256x128xf32, #tpu.memory_space<vmem>>
    %dma_wait3A_701 = arith.constant 0 : i32
    %dma_wait3A_702 = tpu.memref_slice %arg2[%select_n3A, %add3A_517, %dma_wait3A_701] : memref<16x4096x128xf32, #tpu.memory_space<hbm>> -> memref<1x256x128xf32, #tpu.memory_space<hbm>>
    %dma_wait3A_703 = tpu.memref_squeeze %dma_wait3A_702 : memref<1x256x128xf32, #tpu.memory_space<hbm>> -> memref<256x128xf32, #tpu.memory_space<hbm>>
    %dma_wait3A_704 = tpu.memref_slice %arg7[%dma_wait3A_696] : memref<3x!tpu.dma_semaphore, #tpu.memory_space<semaphore_mem>> -> memref<1x!tpu.dma_semaphore, #tpu.memory_space<semaphore_mem>>
    %dma_wait3A_705 = tpu.memref_squeeze %dma_wait3A_704 : memref<1x!tpu.dma_semaphore, #tpu.memory_space<semaphore_mem>> -> memref<!tpu.dma_semaphore, #tpu.memory_space<semaphore_mem>>
    %dma_wait3A_706 = arith.constant 0 : i32
    %dma_wait3A_707 = arith.constant 0 : i32
    %dma_wait3A_708 = tpu.memref_slice %arg5[%dma_wait3A_695, %dma_wait3A_706, %dma_wait3A_707] : memref<3x256x128xf32, #tpu.memory_space<vmem>> -> memref<1x256x128xf32, #tpu.memory_space<vmem>>
    %dma_wait3A_709 = tpu.memref_squeeze %dma_wait3A_708 : memref<1x256x128xf32, #tpu.memory_space<vmem>> -> memref<256x128xf32, #tpu.memory_space<vmem>>
    %dma_wait3A_710 = arith.constant 0 : i32
    %dma_wait3A_711 = tpu.memref_slice %arg2[%select_n3A, %add3A_517, %dma_wait3A_710] : memref<16x4096x128xf32, #tpu.memory_space<hbm>> -> memref<1x256x128xf32, #tpu.memory_space<hbm>>
    %dma_wait3A_712 = tpu.memref_squeeze %dma_wait3A_711 : memref<1x256x128xf32, #tpu.memory_space<hbm>> -> memref<256x128xf32, #tpu.memory_space<hbm>>
    tpu.wait_dma2 semaphore(%dma_wait3A_705 : memref<!tpu.dma_semaphore, #tpu.memory_space<semaphore_mem>>) src(%dma_wait3A_712 : memref<256x128xf32, #tpu.memory_space<hbm>>) dst(%dma_wait3A_709 : memref<256x128xf32, #tpu.memory_space<vmem>>)
    %add3A_713 = arith.constant 1024 : i32
    %add3A_714 = arith.addi %mul3A_32, %add3A_713 : i32
    %jit3A_715 = arith.constant 10 : i32
    %eq3A_716 = arith.constant 0 : i32
    %eq3A_717 = arith.cmpi eq, %jit3A_715, %eq3A_716 : i32
    %jit3A_718 = arith.constant 1 : i32
    %select_n3A_719 = arith.select %eq3A_717, %jit3A_718, %jit3A_715 : i32
    %rem3A_720 = arith.remsi %add3A_714, %select_n3A_719 : i32
    %ne3A_721 = arith.constant 0 : i32
    %ne3A_722 = arith.cmpi ne, %rem3A_720, %ne3A_721 : i32
    %lt3A_723 = arith.constant 0 : i32
    %lt3A_724 = arith.cmpi slt, %rem3A_720, %lt3A_723 : i32
    %lt3A_725 = arith.constant 0 : i32
    %lt3A_726 = arith.cmpi slt, %select_n3A_719, %lt3A_725 : i32
    %ne3A_727 = arith.xori %lt3A_724, %lt3A_726 : i1
    %and3A_728 = arith.andi %ne3A_727, %ne3A_722 : i1
    %add3A_729 = arith.addi %rem3A_720, %select_n3A_719 : i32
    %select_n3A_730 = arith.select %and3A_728, %add3A_729, %rem3A_720 : i32
    %sub3A_731 = arith.constant 10 : i32
    %sub3A_732 = arith.subi %sub3A_731, %select_n3A_730 : i32
    %jit3A_733 = arith.constant 10 : i32
    %eq3A_734 = arith.constant 0 : i32
    %eq3A_735 = arith.cmpi eq, %jit3A_733, %eq3A_734 : i32
    %jit3A_736 = arith.constant 1 : i32
    %select_n3A_737 = arith.select %eq3A_735, %jit3A_736, %jit3A_733 : i32
    %rem3A_738 = arith.remsi %sub3A_732, %select_n3A_737 : i32
    %ne3A_739 = arith.constant 0 : i32
    %ne3A_740 = arith.cmpi ne, %rem3A_738, %ne3A_739 : i32
    %lt3A_741 = arith.constant 0 : i32
    %lt3A_742 = arith.cmpi slt, %rem3A_738, %lt3A_741 : i32
    %lt3A_743 = arith.constant 0 : i32
    %lt3A_744 = arith.cmpi slt, %select_n3A_737, %lt3A_743 : i32
    %ne3A_745 = arith.xori %lt3A_742, %lt3A_744 : i1
    %and3A_746 = arith.andi %ne3A_745, %ne3A_740 : i1
    %add3A_747 = arith.addi %rem3A_738, %select_n3A_737 : i32
    %select_n3A_748 = arith.select %and3A_746, %add3A_747, %rem3A_738 : i32
    %sub3A_749 = arith.constant 1024 : i32
    %sub3A_750 = arith.subi %select_n3A_39, %sub3A_749 : i32
    %jit3A_751 = arith.constant 0 : i32
    %jit3A_752 = arith.constant 256 : i32
    %max3A_753 = arith.maxsi %jit3A_751, %sub3A_750 : i32
    %min3A_754 = arith.minsi %jit3A_752, %max3A_753 : i32
    %sub3A_755 = arith.subi %min3A_754, %select_n3A_748 : i32
    %add3A_756 = arith.constant 9 : i32
    %add3A_757 = arith.addi %sub3A_755, %add3A_756 : i32
    %jit3A_758 = arith.constant 10 : i32
    %div3A_759 = arith.divsi %add3A_757, %jit3A_758 : i32
    %sign3A_760 = arith.constant 0 : i32
    %sign3A_761 = arith.cmpi sgt, %add3A_757, %sign3A_760 : i32
    %sign3A_762 = arith.extui %sign3A_761 : i1 to i32
    %sign3A_763 = arith.constant 0 : i32
    %sign3A_764 = arith.cmpi slt, %add3A_757, %sign3A_763 : i32
    %sign3A_765 = arith.extui %sign3A_764 : i1 to i32
    %sign3A_766 = arith.subi %sign3A_762, %sign3A_765 : i32
    %sign3A_767 = arith.constant 0 : i32
    %sign3A_768 = arith.cmpi sgt, %jit3A_758, %sign3A_767 : i32
    %sign3A_769 = arith.extui %sign3A_768 : i1 to i32
    %sign3A_770 = arith.constant 0 : i32
    %sign3A_771 = arith.cmpi slt, %jit3A_758, %sign3A_770 : i32
    %sign3A_772 = arith.extui %sign3A_771 : i1 to i32
    %sign3A_773 = arith.subi %sign3A_769, %sign3A_772 : i32
    %ne3A_774 = arith.cmpi ne, %sign3A_766, %sign3A_773 : i32
    %rem3A_775 = arith.remsi %add3A_757, %jit3A_758 : i32
    %ne3A_776 = arith.constant 0 : i32
    %ne3A_777 = arith.cmpi ne, %rem3A_775, %ne3A_776 : i32
    %and3A_778 = arith.andi %ne3A_774, %ne3A_777 : i1
    %sub3A_779 = arith.constant 1 : i32
    %sub3A_780 = arith.subi %div3A_759, %sub3A_779 : i32
    %select_n3A_781 = arith.select %and3A_778, %sub3A_780, %div3A_759 : i32
    %max3A_782 = arith.constant 0 : i32
    %max3A_783 = arith.maxsi %max3A_782, %select_n3A_781 : i32
    %while3A_784 = arith.constant 0 : i32
    %while3A_785 = arith.constant 0 : i32
    %while3A_786 = arith.subi %max3A_783, %while3A_784 : i32
    %while3A_787 = arith.addi %while3A_784, %while3A_786 : i32
    %while3A_788 = arith.constant 1 : i32
    %while3A_789 = arith.divsi %while3A_786, %while3A_788 : i32
    %while3A_790 = arith.muli %while3A_789, %while3A_788 : i32
    %while3A_791 = arith.addi %while3A_784, %while3A_790 : i32
    %while3A_792 = arith.constant 1 : i32
    %while3A_793 = scf.for %while3A_1309 = %while3A_784 to %while3A_791 step %while3A_792 iter_args(%while3A_1310 = %while3A_785) -> (i32)  : i32 {
      %mul3A_1311 = arith.constant 10 : i32
      %mul3A_1312 = arith.muli %mul3A_1311, %while3A_1309 : i32
      %add3A_1313 = arith.addi %select_n3A_748, %mul3A_1312 : i32
      %swap3A = arith.constant 1 : i32
      %swap3A_1314 = arith.index_cast %swap3A : i32 to index
      %swap3A_1315 = arith.index_cast %add3A_1313 : i32 to index
      %swap3A_1316 = arith.constant 0 : index
      %swap3A_1317 = tpu.vector_load %arg5[%swap3A_1314, %swap3A_1315, %swap3A_1316] {strides = array<i32>} : memref<3x256x128xf32, #tpu.memory_space<vmem>>, vector<1x1x16xf32>,
      %swap3A_1318 = vector.shape_cast %swap3A_1317 : vector<1x1x16xf32> to vector<16xf32>
      %swap3A_1319 = vector.shape_cast %broadcast_in_dim3A_40 : vector<16xf32> to vector<1x1x16xf32>
      tpu.vector_store %arg5[%swap3A_1314, %swap3A_1315, %swap3A_1316], %swap3A_1319 {strides = array<i32>} : memref<3x256x128xf32, #tpu.memory_space<vmem>>, vector<1x1x16xf32>,
      %swap3A_1320 = arith.constant 1 : i32
      %swap3A_1321 = arith.index_cast %swap3A_1320 : i32 to index
      %swap3A_1322 = arith.index_cast %add3A_1313 : i32 to index
      %swap3A_1323 = arith.constant 16 : index
      %swap3A_1324 = tpu.vector_load %arg5[%swap3A_1321, %swap3A_1322, %swap3A_1323] {strides = array<i32>} : memref<3x256x128xf32, #tpu.memory_space<vmem>>, vector<1x1x16xf32>,
      %swap3A_1325 = vector.shape_cast %swap3A_1324 : vector<1x1x16xf32> to vector<16xf32>
      %swap3A_1326 = vector.shape_cast %broadcast_in_dim3A_40 : vector<16xf32> to vector<1x1x16xf32>
      tpu.vector_store %arg5[%swap3A_1321, %swap3A_1322, %swap3A_1323], %swap3A_1326 {strides = array<i32>} : memref<3x256x128xf32, #tpu.memory_space<vmem>>, vector<1x1x16xf32>,
      %swap3A_1327 = arith.constant 1 : i32
      %swap3A_1328 = arith.index_cast %swap3A_1327 : i32 to index
      %swap3A_1329 = arith.index_cast %add3A_1313 : i32 to index
      %swap3A_1330 = arith.constant 32 : index
      %swap3A_1331 = tpu.vector_load %arg5[%swap3A_1328, %swap3A_1329, %swap3A_1330] {strides = array<i32>} : memref<3x256x128xf32, #tpu.memory_space<vmem>>, vector<1x1x16xf32>,
      %swap3A_1332 = vector.shape_cast %swap3A_1331 : vector<1x1x16xf32> to vector<16xf32>
      %swap3A_1333 = vector.shape_cast %broadcast_in_dim3A_40 : vector<16xf32> to vector<1x1x16xf32>
      tpu.vector_store %arg5[%swap3A_1328, %swap3A_1329, %swap3A_1330], %swap3A_1333 {strides = array<i32>} : memref<3x256x128xf32, #tpu.memory_space<vmem>>, vector<1x1x16xf32>,
      %swap3A_1334 = arith.constant 1 : i32
      %swap3A_1335 = arith.index_cast %swap3A_1334 : i32 to index
      %swap3A_1336 = arith.index_cast %add3A_1313 : i32 to index
      %swap3A_1337 = arith.constant 48 : index
      %swap3A_1338 = tpu.vector_load %arg5[%swap3A_1335, %swap3A_1336, %swap3A_1337] {strides = array<i32>} : memref<3x256x128xf32, #tpu.memory_space<vmem>>, vector<1x1x16xf32>,
      %swap3A_1339 = vector.shape_cast %swap3A_1338 : vector<1x1x16xf32> to vector<16xf32>
      %swap3A_1340 = vector.shape_cast %broadcast_in_dim3A_40 : vector<16xf32> to vector<1x1x16xf32>
      tpu.vector_store %arg5[%swap3A_1335, %swap3A_1336, %swap3A_1337], %swap3A_1340 {strides = array<i32>} : memref<3x256x128xf32, #tpu.memory_space<vmem>>, vector<1x1x16xf32>,
      %swap3A_1341 = arith.constant 1 : i32
      %swap3A_1342 = arith.index_cast %swap3A_1341 : i32 to index
      %swap3A_1343 = arith.index_cast %add3A_1313 : i32 to index
      %swap3A_1344 = arith.constant 64 : index
      %swap3A_1345 = tpu.vector_load %arg5[%swap3A_1342, %swap3A_1343, %swap3A_1344] {strides = array<i32>} : memref<3x256x128xf32, #tpu.memory_space<vmem>>, vector<1x1x16xf32>,
      %swap3A_1346 = vector.shape_cast %swap3A_1345 : vector<1x1x16xf32> to vector<16xf32>
      %swap3A_1347 = vector.shape_cast %broadcast_in_dim3A_40 : vector<16xf32> to vector<1x1x16xf32>
      tpu.vector_store %arg5[%swap3A_1342, %swap3A_1343, %swap3A_1344], %swap3A_1347 {strides = array<i32>} : memref<3x256x128xf32, #tpu.memory_space<vmem>>, vector<1x1x16xf32>,
      %swap3A_1348 = arith.constant 1 : i32
      %swap3A_1349 = arith.index_cast %swap3A_1348 : i32 to index
      %swap3A_1350 = arith.index_cast %add3A_1313 : i32 to index
      %swap3A_1351 = arith.constant 80 : index
      %swap3A_1352 = tpu.vector_load %arg5[%swap3A_1349, %swap3A_1350, %swap3A_1351] {strides = array<i32>} : memref<3x256x128xf32, #tpu.memory_space<vmem>>, vector<1x1x16xf32>,
      %swap3A_1353 = vector.shape_cast %swap3A_1352 : vector<1x1x16xf32> to vector<16xf32>
      %swap3A_1354 = vector.shape_cast %broadcast_in_dim3A_40 : vector<16xf32> to vector<1x1x16xf32>
      tpu.vector_store %arg5[%swap3A_1349, %swap3A_1350, %swap3A_1351], %swap3A_1354 {strides = array<i32>} : memref<3x256x128xf32, #tpu.memory_space<vmem>>, vector<1x1x16xf32>,
      %swap3A_1355 = arith.constant 1 : i32
      %swap3A_1356 = arith.index_cast %swap3A_1355 : i32 to index
      %swap3A_1357 = arith.index_cast %add3A_1313 : i32 to index
      %swap3A_1358 = arith.constant 96 : index
      %swap3A_1359 = tpu.vector_load %arg5[%swap3A_1356, %swap3A_1357, %swap3A_1358] {strides = array<i32>} : memref<3x256x128xf32, #tpu.memory_space<vmem>>, vector<1x1x16xf32>,
      %swap3A_1360 = vector.shape_cast %swap3A_1359 : vector<1x1x16xf32> to vector<16xf32>
      %swap3A_1361 = vector.shape_cast %broadcast_in_dim3A_40 : vector<16xf32> to vector<1x1x16xf32>
      tpu.vector_store %arg5[%swap3A_1356, %swap3A_1357, %swap3A_1358], %swap3A_1361 {strides = array<i32>} : memref<3x256x128xf32, #tpu.memory_space<vmem>>, vector<1x1x16xf32>,
      %swap3A_1362 = arith.constant 1 : i32
      %swap3A_1363 = arith.index_cast %swap3A_1362 : i32 to index
      %swap3A_1364 = arith.index_cast %add3A_1313 : i32 to index
      %swap3A_1365 = arith.constant 112 : index
      %swap3A_1366 = tpu.vector_load %arg5[%swap3A_1363, %swap3A_1364, %swap3A_1365] {strides = array<i32>} : memref<3x256x128xf32, #tpu.memory_space<vmem>>, vector<1x1x16xf32>,
      %swap3A_1367 = vector.shape_cast %swap3A_1366 : vector<1x1x16xf32> to vector<16xf32>
      %swap3A_1368 = vector.shape_cast %broadcast_in_dim3A_40 : vector<16xf32> to vector<1x1x16xf32>
      tpu.vector_store %arg5[%swap3A_1363, %swap3A_1364, %swap3A_1365], %swap3A_1368 {strides = array<i32>} : memref<3x256x128xf32, #tpu.memory_space<vmem>>, vector<1x1x16xf32>,
      %while3A_1369 = arith.constant 0 : i32
      scf.yield %while3A_1369 : i32
    }
    %while3A_794 = arith.constant 1 : i32
    %while3A_795 = scf.for %while3A_1309 = %while3A_791 to %while3A_787 step %while3A_794 iter_args(%while3A_1310 = %while3A_793) -> (i32)  : i32 {
      %mul3A_1311 = arith.constant 10 : i32
      %mul3A_1312 = arith.muli %mul3A_1311, %while3A_1309 : i32
      %add3A_1313 = arith.addi %select_n3A_748, %mul3A_1312 : i32
      %swap3A = arith.constant 1 : i32
      %swap3A_1314 = arith.index_cast %swap3A : i32 to index
      %swap3A_1315 = arith.index_cast %add3A_1313 : i32 to index
      %swap3A_1316 = arith.constant 0 : index
      %swap3A_1317 = tpu.vector_load %arg5[%swap3A_1314, %swap3A_1315, %swap3A_1316] {strides = array<i32>} : memref<3x256x128xf32, #tpu.memory_space<vmem>>, vector<1x1x16xf32>,
      %swap3A_1318 = vector.shape_cast %swap3A_1317 : vector<1x1x16xf32> to vector<16xf32>
      %swap3A_1319 = vector.shape_cast %broadcast_in_dim3A_40 : vector<16xf32> to vector<1x1x16xf32>
      tpu.vector_store %arg5[%swap3A_1314, %swap3A_1315, %swap3A_1316], %swap3A_1319 {strides = array<i32>} : memref<3x256x128xf32, #tpu.memory_space<vmem>>, vector<1x1x16xf32>,
      %swap3A_1320 = arith.constant 1 : i32
      %swap3A_1321 = arith.index_cast %swap3A_1320 : i32 to index
      %swap3A_1322 = arith.index_cast %add3A_1313 : i32 to index
      %swap3A_1323 = arith.constant 16 : index
      %swap3A_1324 = tpu.vector_load %arg5[%swap3A_1321, %swap3A_1322, %swap3A_1323] {strides = array<i32>} : memref<3x256x128xf32, #tpu.memory_space<vmem>>, vector<1x1x16xf32>,
      %swap3A_1325 = vector.shape_cast %swap3A_1324 : vector<1x1x16xf32> to vector<16xf32>
      %swap3A_1326 = vector.shape_cast %broadcast_in_dim3A_40 : vector<16xf32> to vector<1x1x16xf32>
      tpu.vector_store %arg5[%swap3A_1321, %swap3A_1322, %swap3A_1323], %swap3A_1326 {strides = array<i32>} : memref<3x256x128xf32, #tpu.memory_space<vmem>>, vector<1x1x16xf32>,
      %swap3A_1327 = arith.constant 1 : i32
      %swap3A_1328 = arith.index_cast %swap3A_1327 : i32 to index
      %swap3A_1329 = arith.index_cast %add3A_1313 : i32 to index
      %swap3A_1330 = arith.constant 32 : index
      %swap3A_1331 = tpu.vector_load %arg5[%swap3A_1328, %swap3A_1329, %swap3A_1330] {strides = array<i32>} : memref<3x256x128xf32, #tpu.memory_space<vmem>>, vector<1x1x16xf32>,
      %swap3A_1332 = vector.shape_cast %swap3A_1331 : vector<1x1x16xf32> to vector<16xf32>
      %swap3A_1333 = vector.shape_cast %broadcast_in_dim3A_40 : vector<16xf32> to vector<1x1x16xf32>
      tpu.vector_store %arg5[%swap3A_1328, %swap3A_1329, %swap3A_1330], %swap3A_1333 {strides = array<i32>} : memref<3x256x128xf32, #tpu.memory_space<vmem>>, vector<1x1x16xf32>,
      %swap3A_1334 = arith.constant 1 : i32
      %swap3A_1335 = arith.index_cast %swap3A_1334 : i32 to index
      %swap3A_1336 = arith.index_cast %add3A_1313 : i32 to index
      %swap3A_1337 = arith.constant 48 : index
      %swap3A_1338 = tpu.vector_load %arg5[%swap3A_1335, %swap3A_1336, %swap3A_1337] {strides = array<i32>} : memref<3x256x128xf32, #tpu.memory_space<vmem>>, vector<1x1x16xf32>,
      %swap3A_1339 = vector.shape_cast %swap3A_1338 : vector<1x1x16xf32> to vector<16xf32>
      %swap3A_1340 = vector.shape_cast %broadcast_in_dim3A_40 : vector<16xf32> to vector<1x1x16xf32>
      tpu.vector_store %arg5[%swap3A_1335, %swap3A_1336, %swap3A_1337], %swap3A_1340 {strides = array<i32>} : memref<3x256x128xf32, #tpu.memory_space<vmem>>, vector<1x1x16xf32>,
      %swap3A_1341 = arith.constant 1 : i32
      %swap3A_1342 = arith.index_cast %swap3A_1341 : i32 to index
      %swap3A_1343 = arith.index_cast %add3A_1313 : i32 to index
      %swap3A_1344 = arith.constant 64 : index
      %swap3A_1345 = tpu.vector_load %arg5[%swap3A_1342, %swap3A_1343, %swap3A_1344] {strides = array<i32>} : memref<3x256x128xf32, #tpu.memory_space<vmem>>, vector<1x1x16xf32>,
      %swap3A_1346 = vector.shape_cast %swap3A_1345 : vector<1x1x16xf32> to vector<16xf32>
      %swap3A_1347 = vector.shape_cast %broadcast_in_dim3A_40 : vector<16xf32> to vector<1x1x16xf32>
      tpu.vector_store %arg5[%swap3A_1342, %swap3A_1343, %swap3A_1344], %swap3A_1347 {strides = array<i32>} : memref<3x256x128xf32, #tpu.memory_space<vmem>>, vector<1x1x16xf32>,
      %swap3A_1348 = arith.constant 1 : i32
      %swap3A_1349 = arith.index_cast %swap3A_1348 : i32 to index
      %swap3A_1350 = arith.index_cast %add3A_1313 : i32 to index
      %swap3A_1351 = arith.constant 80 : index
      %swap3A_1352 = tpu.vector_load %arg5[%swap3A_1349, %swap3A_1350, %swap3A_1351] {strides = array<i32>} : memref<3x256x128xf32, #tpu.memory_space<vmem>>, vector<1x1x16xf32>,
      %swap3A_1353 = vector.shape_cast %swap3A_1352 : vector<1x1x16xf32> to vector<16xf32>
      %swap3A_1354 = vector.shape_cast %broadcast_in_dim3A_40 : vector<16xf32> to vector<1x1x16xf32>
      tpu.vector_store %arg5[%swap3A_1349, %swap3A_1350, %swap3A_1351], %swap3A_1354 {strides = array<i32>} : memref<3x256x128xf32, #tpu.memory_space<vmem>>, vector<1x1x16xf32>,
      %swap3A_1355 = arith.constant 1 : i32
      %swap3A_1356 = arith.index_cast %swap3A_1355 : i32 to index
      %swap3A_1357 = arith.index_cast %add3A_1313 : i32 to index
      %swap3A_1358 = arith.constant 96 : index
      %swap3A_1359 = tpu.vector_load %arg5[%swap3A_1356, %swap3A_1357, %swap3A_1358] {strides = array<i32>} : memref<3x256x128xf32, #tpu.memory_space<vmem>>, vector<1x1x16xf32>,
      %swap3A_1360 = vector.shape_cast %swap3A_1359 : vector<1x1x16xf32> to vector<16xf32>
      %swap3A_1361 = vector.shape_cast %broadcast_in_dim3A_40 : vector<16xf32> to vector<1x1x16xf32>
      tpu.vector_store %arg5[%swap3A_1356, %swap3A_1357, %swap3A_1358], %swap3A_1361 {strides = array<i32>} : memref<3x256x128xf32, #tpu.memory_space<vmem>>, vector<1x1x16xf32>,
      %swap3A_1362 = arith.constant 1 : i32
      %swap3A_1363 = arith.index_cast %swap3A_1362 : i32 to index
      %swap3A_1364 = arith.index_cast %add3A_1313 : i32 to index
      %swap3A_1365 = arith.constant 112 : index
      %swap3A_1366 = tpu.vector_load %arg5[%swap3A_1363, %swap3A_1364, %swap3A_1365] {strides = array<i32>} : memref<3x256x128xf32, #tpu.memory_space<vmem>>, vector<1x1x16xf32>,
      %swap3A_1367 = vector.shape_cast %swap3A_1366 : vector<1x1x16xf32> to vector<16xf32>
      %swap3A_1368 = vector.shape_cast %broadcast_in_dim3A_40 : vector<16xf32> to vector<1x1x16xf32>
      tpu.vector_store %arg5[%swap3A_1363, %swap3A_1364, %swap3A_1365], %swap3A_1368 {strides = array<i32>} : memref<3x256x128xf32, #tpu.memory_space<vmem>>, vector<1x1x16xf32>,
      %while3A_1369 = arith.constant 0 : i32
      scf.yield %while3A_1369 : i32
    }
    %add3A_796 = arith.constant 1024 : i32
    %add3A_797 = arith.addi %mul3A_32, %add3A_796 : i32
    %dma_start3A_798 = arith.constant 1 : i32
    %dma_start3A_799 = arith.constant 1 : i32
    %dma_start3A_800 = arith.constant 0 : i32
    %dma_start3A_801 = arith.constant 0 : i32
    %dma_start3A_802 = tpu.memref_slice %arg5[%dma_start3A_798, %dma_start3A_800, %dma_start3A_801] : memref<3x256x128xf32, #tpu.memory_space<vmem>> -> memref<1x256x128xf32, #tpu.memory_space<vmem>>
    %dma_start3A_803 = tpu.memref_squeeze %dma_start3A_802 : memref<1x256x128xf32, #tpu.memory_space<vmem>> -> memref<256x128xf32, #tpu.memory_space<vmem>>
    %dma_start3A_804 = arith.constant 0 : i32
    %dma_start3A_805 = tpu.memref_slice %arg4[%select_n3A, %add3A_797, %dma_start3A_804] : memref<16x4096x128xf32, #tpu.memory_space<hbm>> -> memref<1x256x128xf32, #tpu.memory_space<hbm>>
    %dma_start3A_806 = tpu.memref_squeeze %dma_start3A_805 : memref<1x256x128xf32, #tpu.memory_space<hbm>> -> memref<256x128xf32, #tpu.memory_space<hbm>>
    %dma_start3A_807 = tpu.memref_slice %arg8[%dma_start3A_799] : memref<3x!tpu.dma_semaphore, #tpu.memory_space<semaphore_mem>> -> memref<1x!tpu.dma_semaphore, #tpu.memory_space<semaphore_mem>>
    %dma_start3A_808 = tpu.memref_squeeze %dma_start3A_807 : memref<1x!tpu.dma_semaphore, #tpu.memory_space<semaphore_mem>> -> memref<!tpu.dma_semaphore, #tpu.memory_space<semaphore_mem>>
    %dma_start3A_809 = arith.constant 0 : i32
    %dma_start3A_810 = tpu.memref_slice %arg4[%select_n3A, %add3A_797, %dma_start3A_809] : memref<16x4096x128xf32, #tpu.memory_space<hbm>> -> memref<1x256x128xf32, #tpu.memory_space<hbm>>
    %dma_start3A_811 = tpu.memref_squeeze %dma_start3A_810 : memref<1x256x128xf32, #tpu.memory_space<hbm>> -> memref<256x128xf32, #tpu.memory_space<hbm>>
    %dma_start3A_812 = arith.constant 0 : i32
    %dma_start3A_813 = arith.constant 0 : i32
    %dma_start3A_814 = tpu.memref_slice %arg5[%dma_start3A_798, %dma_start3A_812, %dma_start3A_813] : memref<3x256x128xf32, #tpu.memory_space<vmem>> -> memref<1x256x128xf32, #tpu.memory_space<vmem>>
    %dma_start3A_815 = tpu.memref_squeeze %dma_start3A_814 : memref<1x256x128xf32, #tpu.memory_space<vmem>> -> memref<256x128xf32, #tpu.memory_space<vmem>>
    tpu.enqueue_dma source(%dma_start3A_815 : memref<256x128xf32, #tpu.memory_space<vmem>>) target(%dma_start3A_811 : memref<256x128xf32, #tpu.memory_space<hbm>>) target_semaphore(%dma_start3A_808 : memref<!tpu.dma_semaphore, #tpu.memory_space<semaphore_mem>>)
    %dma_wait3A_816 = arith.constant 0 : i32
    %dma_wait3A_817 = arith.constant 0 : i32
    %dma_wait3A_818 = arith.constant 0 : i32
    %dma_wait3A_819 = arith.constant 0 : i32
    %dma_wait3A_820 = tpu.memref_slice %arg5[%dma_wait3A_816, %dma_wait3A_818, %dma_wait3A_819] : memref<3x256x128xf32, #tpu.memory_space<vmem>> -> memref<1x256x128xf32, #tpu.memory_space<vmem>>
    %dma_wait3A_821 = tpu.memref_squeeze %dma_wait3A_820 : memref<1x256x128xf32, #tpu.memory_space<vmem>> -> memref<256x128xf32, #tpu.memory_space<vmem>>
    %dma_wait3A_822 = arith.constant 0 : i32
    %dma_wait3A_823 = tpu.memref_slice %arg4[%select_n3A, %add3A_638, %dma_wait3A_822] : memref<16x4096x128xf32, #tpu.memory_space<hbm>> -> memref<1x256x128xf32, #tpu.memory_space<hbm>>
    %dma_wait3A_824 = tpu.memref_squeeze %dma_wait3A_823 : memref<1x256x128xf32, #tpu.memory_space<hbm>> -> memref<256x128xf32, #tpu.memory_space<hbm>>
    %dma_wait3A_825 = tpu.memref_slice %arg8[%dma_wait3A_817] : memref<3x!tpu.dma_semaphore, #tpu.memory_space<semaphore_mem>> -> memref<1x!tpu.dma_semaphore, #tpu.memory_space<semaphore_mem>>
    %dma_wait3A_826 = tpu.memref_squeeze %dma_wait3A_825 : memref<1x!tpu.dma_semaphore, #tpu.memory_space<semaphore_mem>> -> memref<!tpu.dma_semaphore, #tpu.memory_space<semaphore_mem>>
    %dma_wait3A_827 = arith.constant 0 : i32
    %dma_wait3A_828 = tpu.memref_slice %arg4[%select_n3A, %add3A_638, %dma_wait3A_827] : memref<16x4096x128xf32, #tpu.memory_space<hbm>> -> memref<1x256x128xf32, #tpu.memory_space<hbm>>
    %dma_wait3A_829 = tpu.memref_squeeze %dma_wait3A_828 : memref<1x256x128xf32, #tpu.memory_space<hbm>> -> memref<256x128xf32, #tpu.memory_space<hbm>>
    %dma_wait3A_830 = arith.constant 0 : i32
    %dma_wait3A_831 = arith.constant 0 : i32
    %dma_wait3A_832 = tpu.memref_slice %arg5[%dma_wait3A_816, %dma_wait3A_830, %dma_wait3A_831] : memref<3x256x128xf32, #tpu.memory_space<vmem>> -> memref<1x256x128xf32, #tpu.memory_space<vmem>>
    %dma_wait3A_833 = tpu.memref_squeeze %dma_wait3A_832 : memref<1x256x128xf32, #tpu.memory_space<vmem>> -> memref<256x128xf32, #tpu.memory_space<vmem>>
    tpu.wait_dma2 semaphore(%dma_wait3A_826 : memref<!tpu.dma_semaphore, #tpu.memory_space<semaphore_mem>>) src(%dma_wait3A_833 : memref<256x128xf32, #tpu.memory_space<vmem>>) dst(%dma_wait3A_829 : memref<256x128xf32, #tpu.memory_space<hbm>>)
    %add3A_834 = arith.constant 1536 : i32
    %add3A_835 = arith.addi %mul3A_32, %add3A_834 : i32
    %dma_start3A_836 = arith.constant 0 : i32
    %dma_start3A_837 = arith.constant 0 : i32
    %dma_start3A_838 = arith.constant 0 : i32
    %dma_start3A_839 = arith.constant 0 : i32
    %dma_start3A_840 = tpu.memref_slice %arg5[%dma_start3A_836, %dma_start3A_838, %dma_start3A_839] : memref<3x256x128xf32, #tpu.memory_space<vmem>> -> memref<1x256x128xf32, #tpu.memory_space<vmem>>
    %dma_start3A_841 = tpu.memref_squeeze %dma_start3A_840 : memref<1x256x128xf32, #tpu.memory_space<vmem>> -> memref<256x128xf32, #tpu.memory_space<vmem>>
    %dma_start3A_842 = arith.constant 0 : i32
    %dma_start3A_843 = tpu.memref_slice %arg2[%select_n3A, %add3A_835, %dma_start3A_842] : memref<16x4096x128xf32, #tpu.memory_space<hbm>> -> memref<1x256x128xf32, #tpu.memory_space<hbm>>
    %dma_start3A_844 = tpu.memref_squeeze %dma_start3A_843 : memref<1x256x128xf32, #tpu.memory_space<hbm>> -> memref<256x128xf32, #tpu.memory_space<hbm>>
    %dma_start3A_845 = tpu.memref_slice %arg7[%dma_start3A_837] : memref<3x!tpu.dma_semaphore, #tpu.memory_space<semaphore_mem>> -> memref<1x!tpu.dma_semaphore, #tpu.memory_space<semaphore_mem>>
    %dma_start3A_846 = tpu.memref_squeeze %dma_start3A_845 : memref<1x!tpu.dma_semaphore, #tpu.memory_space<semaphore_mem>> -> memref<!tpu.dma_semaphore, #tpu.memory_space<semaphore_mem>>
    %dma_start3A_847 = arith.constant 0 : i32
    %dma_start3A_848 = arith.constant 0 : i32
    %dma_start3A_849 = tpu.memref_slice %arg5[%dma_start3A_836, %dma_start3A_847, %dma_start3A_848] : memref<3x256x128xf32, #tpu.memory_space<vmem>> -> memref<1x256x128xf32, #tpu.memory_space<vmem>>
    %dma_start3A_850 = tpu.memref_squeeze %dma_start3A_849 : memref<1x256x128xf32, #tpu.memory_space<vmem>> -> memref<256x128xf32, #tpu.memory_space<vmem>>
    %dma_start3A_851 = arith.constant 0 : i32
    %dma_start3A_852 = tpu.memref_slice %arg2[%select_n3A, %add3A_835, %dma_start3A_851] : memref<16x4096x128xf32, #tpu.memory_space<hbm>> -> memref<1x256x128xf32, #tpu.memory_space<hbm>>
    %dma_start3A_853 = tpu.memref_squeeze %dma_start3A_852 : memref<1x256x128xf32, #tpu.memory_space<hbm>> -> memref<256x128xf32, #tpu.memory_space<hbm>>
    tpu.enqueue_dma source(%dma_start3A_853 : memref<256x128xf32, #tpu.memory_space<hbm>>) target(%dma_start3A_850 : memref<256x128xf32, #tpu.memory_space<vmem>>) target_semaphore(%dma_start3A_846 : memref<!tpu.dma_semaphore, #tpu.memory_space<semaphore_mem>>)
    %dma_wait3A_854 = arith.constant 2 : i32
    %dma_wait3A_855 = arith.constant 2 : i32
    %dma_wait3A_856 = arith.constant 0 : i32
    %dma_wait3A_857 = arith.constant 0 : i32
    %dma_wait3A_858 = tpu.memref_slice %arg5[%dma_wait3A_854, %dma_wait3A_856, %dma_wait3A_857] : memref<3x256x128xf32, #tpu.memory_space<vmem>> -> memref<1x256x128xf32, #tpu.memory_space<vmem>>
    %dma_wait3A_859 = tpu.memref_squeeze %dma_wait3A_858 : memref<1x256x128xf32, #tpu.memory_space<vmem>> -> memref<256x128xf32, #tpu.memory_space<vmem>>
    %dma_wait3A_860 = arith.constant 0 : i32
    %dma_wait3A_861 = tpu.memref_slice %arg2[%select_n3A, %add3A_676, %dma_wait3A_860] : memref<16x4096x128xf32, #tpu.memory_space<hbm>> -> memref<1x256x128xf32, #tpu.memory_space<hbm>>
    %dma_wait3A_862 = tpu.memref_squeeze %dma_wait3A_861 : memref<1x256x128xf32, #tpu.memory_space<hbm>> -> memref<256x128xf32, #tpu.memory_space<hbm>>
    %dma_wait3A_863 = tpu.memref_slice %arg7[%dma_wait3A_855] : memref<3x!tpu.dma_semaphore, #tpu.memory_space<semaphore_mem>> -> memref<1x!tpu.dma_semaphore, #tpu.memory_space<semaphore_mem>>
    %dma_wait3A_864 = tpu.memref_squeeze %dma_wait3A_863 : memref<1x!tpu.dma_semaphore, #tpu.memory_space<semaphore_mem>> -> memref<!tpu.dma_semaphore, #tpu.memory_space<semaphore_mem>>
    %dma_wait3A_865 = arith.constant 0 : i32
    %dma_wait3A_866 = arith.constant 0 : i32
    %dma_wait3A_867 = tpu.memref_slice %arg5[%dma_wait3A_854, %dma_wait3A_865, %dma_wait3A_866] : memref<3x256x128xf32, #tpu.memory_space<vmem>> -> memref<1x256x128xf32, #tpu.memory_space<vmem>>
    %dma_wait3A_868 = tpu.memref_squeeze %dma_wait3A_867 : memref<1x256x128xf32, #tpu.memory_space<vmem>> -> memref<256x128xf32, #tpu.memory_space<vmem>>
    %dma_wait3A_869 = arith.constant 0 : i32
    %dma_wait3A_870 = tpu.memref_slice %arg2[%select_n3A, %add3A_676, %dma_wait3A_869] : memref<16x4096x128xf32, #tpu.memory_space<hbm>> -> memref<1x256x128xf32, #tpu.memory_space<hbm>>
    %dma_wait3A_871 = tpu.memref_squeeze %dma_wait3A_870 : memref<1x256x128xf32, #tpu.memory_space<hbm>> -> memref<256x128xf32, #tpu.memory_space<hbm>>
    tpu.wait_dma2 semaphore(%dma_wait3A_864 : memref<!tpu.dma_semaphore, #tpu.memory_space<semaphore_mem>>) src(%dma_wait3A_871 : memref<256x128xf32, #tpu.memory_space<hbm>>) dst(%dma_wait3A_868 : memref<256x128xf32, #tpu.memory_space<vmem>>)
    %add3A_872 = arith.constant 1280 : i32
    %add3A_873 = arith.addi %mul3A_32, %add3A_872 : i32
    %jit3A_874 = arith.constant 10 : i32
    %eq3A_875 = arith.constant 0 : i32
    %eq3A_876 = arith.cmpi eq, %jit3A_874, %eq3A_875 : i32
    %jit3A_877 = arith.constant 1 : i32
    %select_n3A_878 = arith.select %eq3A_876, %jit3A_877, %jit3A_874 : i32
    %rem3A_879 = arith.remsi %add3A_873, %select_n3A_878 : i32
    %ne3A_880 = arith.constant 0 : i32
    %ne3A_881 = arith.cmpi ne, %rem3A_879, %ne3A_880 : i32
    %lt3A_882 = arith.constant 0 : i32
    %lt3A_883 = arith.cmpi slt, %rem3A_879, %lt3A_882 : i32
    %lt3A_884 = arith.constant 0 : i32
    %lt3A_885 = arith.cmpi slt, %select_n3A_878, %lt3A_884 : i32
    %ne3A_886 = arith.xori %lt3A_883, %lt3A_885 : i1
    %and3A_887 = arith.andi %ne3A_886, %ne3A_881 : i1
    %add3A_888 = arith.addi %rem3A_879, %select_n3A_878 : i32
    %select_n3A_889 = arith.select %and3A_887, %add3A_888, %rem3A_879 : i32
    %sub3A_890 = arith.constant 10 : i32
    %sub3A_891 = arith.subi %sub3A_890, %select_n3A_889 : i32
    %jit3A_892 = arith.constant 10 : i32
    %eq3A_893 = arith.constant 0 : i32
    %eq3A_894 = arith.cmpi eq, %jit3A_892, %eq3A_893 : i32
    %jit3A_895 = arith.constant 1 : i32
    %select_n3A_896 = arith.select %eq3A_894, %jit3A_895, %jit3A_892 : i32
    %rem3A_897 = arith.remsi %sub3A_891, %select_n3A_896 : i32
    %ne3A_898 = arith.constant 0 : i32
    %ne3A_899 = arith.cmpi ne, %rem3A_897, %ne3A_898 : i32
    %lt3A_900 = arith.constant 0 : i32
    %lt3A_901 = arith.cmpi slt, %rem3A_897, %lt3A_900 : i32
    %lt3A_902 = arith.constant 0 : i32
    %lt3A_903 = arith.cmpi slt, %select_n3A_896, %lt3A_902 : i32
    %ne3A_904 = arith.xori %lt3A_901, %lt3A_903 : i1
    %and3A_905 = arith.andi %ne3A_904, %ne3A_899 : i1
    %add3A_906 = arith.addi %rem3A_897, %select_n3A_896 : i32
    %select_n3A_907 = arith.select %and3A_905, %add3A_906, %rem3A_897 : i32
    %sub3A_908 = arith.constant 1280 : i32
    %sub3A_909 = arith.subi %select_n3A_39, %sub3A_908 : i32
    %jit3A_910 = arith.constant 0 : i32
    %jit3A_911 = arith.constant 256 : i32
    %max3A_912 = arith.maxsi %jit3A_910, %sub3A_909 : i32
    %min3A_913 = arith.minsi %jit3A_911, %max3A_912 : i32
    %sub3A_914 = arith.subi %min3A_913, %select_n3A_907 : i32
    %add3A_915 = arith.constant 9 : i32
    %add3A_916 = arith.addi %sub3A_914, %add3A_915 : i32
    %jit3A_917 = arith.constant 10 : i32
    %div3A_918 = arith.divsi %add3A_916, %jit3A_917 : i32
    %sign3A_919 = arith.constant 0 : i32
    %sign3A_920 = arith.cmpi sgt, %add3A_916, %sign3A_919 : i32
    %sign3A_921 = arith.extui %sign3A_920 : i1 to i32
    %sign3A_922 = arith.constant 0 : i32
    %sign3A_923 = arith.cmpi slt, %add3A_916, %sign3A_922 : i32
    %sign3A_924 = arith.extui %sign3A_923 : i1 to i32
    %sign3A_925 = arith.subi %sign3A_921, %sign3A_924 : i32
    %sign3A_926 = arith.constant 0 : i32
    %sign3A_927 = arith.cmpi sgt, %jit3A_917, %sign3A_926 : i32
    %sign3A_928 = arith.extui %sign3A_927 : i1 to i32
    %sign3A_929 = arith.constant 0 : i32
    %sign3A_930 = arith.cmpi slt, %jit3A_917, %sign3A_929 : i32
    %sign3A_931 = arith.extui %sign3A_930 : i1 to i32
    %sign3A_932 = arith.subi %sign3A_928, %sign3A_931 : i32
    %ne3A_933 = arith.cmpi ne, %sign3A_925, %sign3A_932 : i32
    %rem3A_934 = arith.remsi %add3A_916, %jit3A_917 : i32
    %ne3A_935 = arith.constant 0 : i32
    %ne3A_936 = arith.cmpi ne, %rem3A_934, %ne3A_935 : i32
    %and3A_937 = arith.andi %ne3A_933, %ne3A_936 : i1
    %sub3A_938 = arith.constant 1 : i32
    %sub3A_939 = arith.subi %div3A_918, %sub3A_938 : i32
    %select_n3A_940 = arith.select %and3A_937, %sub3A_939, %div3A_918 : i32
    %max3A_941 = arith.constant 0 : i32
    %max3A_942 = arith.maxsi %max3A_941, %select_n3A_940 : i32
    %while3A_943 = arith.constant 0 : i32
    %while3A_944 = arith.constant 0 : i32
    %while3A_945 = arith.subi %max3A_942, %while3A_943 : i32
    %while3A_946 = arith.addi %while3A_943, %while3A_945 : i32
    %while3A_947 = arith.constant 1 : i32
    %while3A_948 = arith.divsi %while3A_945, %while3A_947 : i32
    %while3A_949 = arith.muli %while3A_948, %while3A_947 : i32
    %while3A_950 = arith.addi %while3A_943, %while3A_949 : i32
    %while3A_951 = arith.constant 1 : i32
    %while3A_952 = scf.for %while3A_1309 = %while3A_943 to %while3A_950 step %while3A_951 iter_args(%while3A_1310 = %while3A_944) -> (i32)  : i32 {
      %mul3A_1311 = arith.constant 10 : i32
      %mul3A_1312 = arith.muli %mul3A_1311, %while3A_1309 : i32
      %add3A_1313 = arith.addi %select_n3A_907, %mul3A_1312 : i32
      %swap3A = arith.constant 2 : i32
      %swap3A_1314 = arith.index_cast %swap3A : i32 to index
      %swap3A_1315 = arith.index_cast %add3A_1313 : i32 to index
      %swap3A_1316 = arith.constant 0 : index
      %swap3A_1317 = tpu.vector_load %arg5[%swap3A_1314, %swap3A_1315, %swap3A_1316] {strides = array<i32>} : memref<3x256x128xf32, #tpu.memory_space<vmem>>, vector<1x1x16xf32>,
      %swap3A_1318 = vector.shape_cast %swap3A_1317 : vector<1x1x16xf32> to vector<16xf32>
      %swap3A_1319 = vector.shape_cast %broadcast_in_dim3A_40 : vector<16xf32> to vector<1x1x16xf32>
      tpu.vector_store %arg5[%swap3A_1314, %swap3A_1315, %swap3A_1316], %swap3A_1319 {strides = array<i32>} : memref<3x256x128xf32, #tpu.memory_space<vmem>>, vector<1x1x16xf32>,
      %swap3A_1320 = arith.constant 2 : i32
      %swap3A_1321 = arith.index_cast %swap3A_1320 : i32 to index
      %swap3A_1322 = arith.index_cast %add3A_1313 : i32 to index
      %swap3A_1323 = arith.constant 16 : index
      %swap3A_1324 = tpu.vector_load %arg5[%swap3A_1321, %swap3A_1322, %swap3A_1323] {strides = array<i32>} : memref<3x256x128xf32, #tpu.memory_space<vmem>>, vector<1x1x16xf32>,
      %swap3A_1325 = vector.shape_cast %swap3A_1324 : vector<1x1x16xf32> to vector<16xf32>
      %swap3A_1326 = vector.shape_cast %broadcast_in_dim3A_40 : vector<16xf32> to vector<1x1x16xf32>
      tpu.vector_store %arg5[%swap3A_1321, %swap3A_1322, %swap3A_1323], %swap3A_1326 {strides = array<i32>} : memref<3x256x128xf32, #tpu.memory_space<vmem>>, vector<1x1x16xf32>,
      %swap3A_1327 = arith.constant 2 : i32
      %swap3A_1328 = arith.index_cast %swap3A_1327 : i32 to index
      %swap3A_1329 = arith.index_cast %add3A_1313 : i32 to index
      %swap3A_1330 = arith.constant 32 : index
      %swap3A_1331 = tpu.vector_load %arg5[%swap3A_1328, %swap3A_1329, %swap3A_1330] {strides = array<i32>} : memref<3x256x128xf32, #tpu.memory_space<vmem>>, vector<1x1x16xf32>,
      %swap3A_1332 = vector.shape_cast %swap3A_1331 : vector<1x1x16xf32> to vector<16xf32>
      %swap3A_1333 = vector.shape_cast %broadcast_in_dim3A_40 : vector<16xf32> to vector<1x1x16xf32>
      tpu.vector_store %arg5[%swap3A_1328, %swap3A_1329, %swap3A_1330], %swap3A_1333 {strides = array<i32>} : memref<3x256x128xf32, #tpu.memory_space<vmem>>, vector<1x1x16xf32>,
      %swap3A_1334 = arith.constant 2 : i32
      %swap3A_1335 = arith.index_cast %swap3A_1334 : i32 to index
      %swap3A_1336 = arith.index_cast %add3A_1313 : i32 to index
      %swap3A_1337 = arith.constant 48 : index
      %swap3A_1338 = tpu.vector_load %arg5[%swap3A_1335, %swap3A_1336, %swap3A_1337] {strides = array<i32>} : memref<3x256x128xf32, #tpu.memory_space<vmem>>, vector<1x1x16xf32>,
      %swap3A_1339 = vector.shape_cast %swap3A_1338 : vector<1x1x16xf32> to vector<16xf32>
      %swap3A_1340 = vector.shape_cast %broadcast_in_dim3A_40 : vector<16xf32> to vector<1x1x16xf32>
      tpu.vector_store %arg5[%swap3A_1335, %swap3A_1336, %swap3A_1337], %swap3A_1340 {strides = array<i32>} : memref<3x256x128xf32, #tpu.memory_space<vmem>>, vector<1x1x16xf32>,
      %swap3A_1341 = arith.constant 2 : i32
      %swap3A_1342 = arith.index_cast %swap3A_1341 : i32 to index
      %swap3A_1343 = arith.index_cast %add3A_1313 : i32 to index
      %swap3A_1344 = arith.constant 64 : index
      %swap3A_1345 = tpu.vector_load %arg5[%swap3A_1342, %swap3A_1343, %swap3A_1344] {strides = array<i32>} : memref<3x256x128xf32, #tpu.memory_space<vmem>>, vector<1x1x16xf32>,
      %swap3A_1346 = vector.shape_cast %swap3A_1345 : vector<1x1x16xf32> to vector<16xf32>
      %swap3A_1347 = vector.shape_cast %broadcast_in_dim3A_40 : vector<16xf32> to vector<1x1x16xf32>
      tpu.vector_store %arg5[%swap3A_1342, %swap3A_1343, %swap3A_1344], %swap3A_1347 {strides = array<i32>} : memref<3x256x128xf32, #tpu.memory_space<vmem>>, vector<1x1x16xf32>,
      %swap3A_1348 = arith.constant 2 : i32
      %swap3A_1349 = arith.index_cast %swap3A_1348 : i32 to index
      %swap3A_1350 = arith.index_cast %add3A_1313 : i32 to index
      %swap3A_1351 = arith.constant 80 : index
      %swap3A_1352 = tpu.vector_load %arg5[%swap3A_1349, %swap3A_1350, %swap3A_1351] {strides = array<i32>} : memref<3x256x128xf32, #tpu.memory_space<vmem>>, vector<1x1x16xf32>,
      %swap3A_1353 = vector.shape_cast %swap3A_1352 : vector<1x1x16xf32> to vector<16xf32>
      %swap3A_1354 = vector.shape_cast %broadcast_in_dim3A_40 : vector<16xf32> to vector<1x1x16xf32>
      tpu.vector_store %arg5[%swap3A_1349, %swap3A_1350, %swap3A_1351], %swap3A_1354 {strides = array<i32>} : memref<3x256x128xf32, #tpu.memory_space<vmem>>, vector<1x1x16xf32>,
      %swap3A_1355 = arith.constant 2 : i32
      %swap3A_1356 = arith.index_cast %swap3A_1355 : i32 to index
      %swap3A_1357 = arith.index_cast %add3A_1313 : i32 to index
      %swap3A_1358 = arith.constant 96 : index
      %swap3A_1359 = tpu.vector_load %arg5[%swap3A_1356, %swap3A_1357, %swap3A_1358] {strides = array<i32>} : memref<3x256x128xf32, #tpu.memory_space<vmem>>, vector<1x1x16xf32>,
      %swap3A_1360 = vector.shape_cast %swap3A_1359 : vector<1x1x16xf32> to vector<16xf32>
      %swap3A_1361 = vector.shape_cast %broadcast_in_dim3A_40 : vector<16xf32> to vector<1x1x16xf32>
      tpu.vector_store %arg5[%swap3A_1356, %swap3A_1357, %swap3A_1358], %swap3A_1361 {strides = array<i32>} : memref<3x256x128xf32, #tpu.memory_space<vmem>>, vector<1x1x16xf32>,
      %swap3A_1362 = arith.constant 2 : i32
      %swap3A_1363 = arith.index_cast %swap3A_1362 : i32 to index
      %swap3A_1364 = arith.index_cast %add3A_1313 : i32 to index
      %swap3A_1365 = arith.constant 112 : index
      %swap3A_1366 = tpu.vector_load %arg5[%swap3A_1363, %swap3A_1364, %swap3A_1365] {strides = array<i32>} : memref<3x256x128xf32, #tpu.memory_space<vmem>>, vector<1x1x16xf32>,
      %swap3A_1367 = vector.shape_cast %swap3A_1366 : vector<1x1x16xf32> to vector<16xf32>
      %swap3A_1368 = vector.shape_cast %broadcast_in_dim3A_40 : vector<16xf32> to vector<1x1x16xf32>
      tpu.vector_store %arg5[%swap3A_1363, %swap3A_1364, %swap3A_1365], %swap3A_1368 {strides = array<i32>} : memref<3x256x128xf32, #tpu.memory_space<vmem>>, vector<1x1x16xf32>,
      %while3A_1369 = arith.constant 0 : i32
      scf.yield %while3A_1369 : i32
    }
    %while3A_953 = arith.constant 1 : i32
    %while3A_954 = scf.for %while3A_1309 = %while3A_950 to %while3A_946 step %while3A_953 iter_args(%while3A_1310 = %while3A_952) -> (i32)  : i32 {
      %mul3A_1311 = arith.constant 10 : i32
      %mul3A_1312 = arith.muli %mul3A_1311, %while3A_1309 : i32
      %add3A_1313 = arith.addi %select_n3A_907, %mul3A_1312 : i32
      %swap3A = arith.constant 2 : i32
      %swap3A_1314 = arith.index_cast %swap3A : i32 to index
      %swap3A_1315 = arith.index_cast %add3A_1313 : i32 to index
      %swap3A_1316 = arith.constant 0 : index
      %swap3A_1317 = tpu.vector_load %arg5[%swap3A_1314, %swap3A_1315, %swap3A_1316] {strides = array<i32>} : memref<3x256x128xf32, #tpu.memory_space<vmem>>, vector<1x1x16xf32>,
      %swap3A_1318 = vector.shape_cast %swap3A_1317 : vector<1x1x16xf32> to vector<16xf32>
      %swap3A_1319 = vector.shape_cast %broadcast_in_dim3A_40 : vector<16xf32> to vector<1x1x16xf32>
      tpu.vector_store %arg5[%swap3A_1314, %swap3A_1315, %swap3A_1316], %swap3A_1319 {strides = array<i32>} : memref<3x256x128xf32, #tpu.memory_space<vmem>>, vector<1x1x16xf32>,
      %swap3A_1320 = arith.constant 2 : i32
      %swap3A_1321 = arith.index_cast %swap3A_1320 : i32 to index
      %swap3A_1322 = arith.index_cast %add3A_1313 : i32 to index
      %swap3A_1323 = arith.constant 16 : index
      %swap3A_1324 = tpu.vector_load %arg5[%swap3A_1321, %swap3A_1322, %swap3A_1323] {strides = array<i32>} : memref<3x256x128xf32, #tpu.memory_space<vmem>>, vector<1x1x16xf32>,
      %swap3A_1325 = vector.shape_cast %swap3A_1324 : vector<1x1x16xf32> to vector<16xf32>
      %swap3A_1326 = vector.shape_cast %broadcast_in_dim3A_40 : vector<16xf32> to vector<1x1x16xf32>
      tpu.vector_store %arg5[%swap3A_1321, %swap3A_1322, %swap3A_1323], %swap3A_1326 {strides = array<i32>} : memref<3x256x128xf32, #tpu.memory_space<vmem>>, vector<1x1x16xf32>,
      %swap3A_1327 = arith.constant 2 : i32
      %swap3A_1328 = arith.index_cast %swap3A_1327 : i32 to index
      %swap3A_1329 = arith.index_cast %add3A_1313 : i32 to index
      %swap3A_1330 = arith.constant 32 : index
      %swap3A_1331 = tpu.vector_load %arg5[%swap3A_1328, %swap3A_1329, %swap3A_1330] {strides = array<i32>} : memref<3x256x128xf32, #tpu.memory_space<vmem>>, vector<1x1x16xf32>,
      %swap3A_1332 = vector.shape_cast %swap3A_1331 : vector<1x1x16xf32> to vector<16xf32>
      %swap3A_1333 = vector.shape_cast %broadcast_in_dim3A_40 : vector<16xf32> to vector<1x1x16xf32>
      tpu.vector_store %arg5[%swap3A_1328, %swap3A_1329, %swap3A_1330], %swap3A_1333 {strides = array<i32>} : memref<3x256x128xf32, #tpu.memory_space<vmem>>, vector<1x1x16xf32>,
      %swap3A_1334 = arith.constant 2 : i32
      %swap3A_1335 = arith.index_cast %swap3A_1334 : i32 to index
      %swap3A_1336 = arith.index_cast %add3A_1313 : i32 to index
      %swap3A_1337 = arith.constant 48 : index
      %swap3A_1338 = tpu.vector_load %arg5[%swap3A_1335, %swap3A_1336, %swap3A_1337] {strides = array<i32>} : memref<3x256x128xf32, #tpu.memory_space<vmem>>, vector<1x1x16xf32>,
      %swap3A_1339 = vector.shape_cast %swap3A_1338 : vector<1x1x16xf32> to vector<16xf32>
      %swap3A_1340 = vector.shape_cast %broadcast_in_dim3A_40 : vector<16xf32> to vector<1x1x16xf32>
      tpu.vector_store %arg5[%swap3A_1335, %swap3A_1336, %swap3A_1337], %swap3A_1340 {strides = array<i32>} : memref<3x256x128xf32, #tpu.memory_space<vmem>>, vector<1x1x16xf32>,
      %swap3A_1341 = arith.constant 2 : i32
      %swap3A_1342 = arith.index_cast %swap3A_1341 : i32 to index
      %swap3A_1343 = arith.index_cast %add3A_1313 : i32 to index
      %swap3A_1344 = arith.constant 64 : index
      %swap3A_1345 = tpu.vector_load %arg5[%swap3A_1342, %swap3A_1343, %swap3A_1344] {strides = array<i32>} : memref<3x256x128xf32, #tpu.memory_space<vmem>>, vector<1x1x16xf32>,
      %swap3A_1346 = vector.shape_cast %swap3A_1345 : vector<1x1x16xf32> to vector<16xf32>
      %swap3A_1347 = vector.shape_cast %broadcast_in_dim3A_40 : vector<16xf32> to vector<1x1x16xf32>
      tpu.vector_store %arg5[%swap3A_1342, %swap3A_1343, %swap3A_1344], %swap3A_1347 {strides = array<i32>} : memref<3x256x128xf32, #tpu.memory_space<vmem>>, vector<1x1x16xf32>,
      %swap3A_1348 = arith.constant 2 : i32
      %swap3A_1349 = arith.index_cast %swap3A_1348 : i32 to index
      %swap3A_1350 = arith.index_cast %add3A_1313 : i32 to index
      %swap3A_1351 = arith.constant 80 : index
      %swap3A_1352 = tpu.vector_load %arg5[%swap3A_1349, %swap3A_1350, %swap3A_1351] {strides = array<i32>} : memref<3x256x128xf32, #tpu.memory_space<vmem>>, vector<1x1x16xf32>,
      %swap3A_1353 = vector.shape_cast %swap3A_1352 : vector<1x1x16xf32> to vector<16xf32>
      %swap3A_1354 = vector.shape_cast %broadcast_in_dim3A_40 : vector<16xf32> to vector<1x1x16xf32>
      tpu.vector_store %arg5[%swap3A_1349, %swap3A_1350, %swap3A_1351], %swap3A_1354 {strides = array<i32>} : memref<3x256x128xf32, #tpu.memory_space<vmem>>, vector<1x1x16xf32>,
      %swap3A_1355 = arith.constant 2 : i32
      %swap3A_1356 = arith.index_cast %swap3A_1355 : i32 to index
      %swap3A_1357 = arith.index_cast %add3A_1313 : i32 to index
      %swap3A_1358 = arith.constant 96 : index
      %swap3A_1359 = tpu.vector_load %arg5[%swap3A_1356, %swap3A_1357, %swap3A_1358] {strides = array<i32>} : memref<3x256x128xf32, #tpu.memory_space<vmem>>, vector<1x1x16xf32>,
      %swap3A_1360 = vector.shape_cast %swap3A_1359 : vector<1x1x16xf32> to vector<16xf32>
      %swap3A_1361 = vector.shape_cast %broadcast_in_dim3A_40 : vector<16xf32> to vector<1x1x16xf32>
      tpu.vector_store %arg5[%swap3A_1356, %swap3A_1357, %swap3A_1358], %swap3A_1361 {strides = array<i32>} : memref<3x256x128xf32, #tpu.memory_space<vmem>>, vector<1x1x16xf32>,
      %swap3A_1362 = arith.constant 2 : i32
      %swap3A_1363 = arith.index_cast %swap3A_1362 : i32 to index
      %swap3A_1364 = arith.index_cast %add3A_1313 : i32 to index
      %swap3A_1365 = arith.constant 112 : index
      %swap3A_1366 = tpu.vector_load %arg5[%swap3A_1363, %swap3A_1364, %swap3A_1365] {strides = array<i32>} : memref<3x256x128xf32, #tpu.memory_space<vmem>>, vector<1x1x16xf32>,
      %swap3A_1367 = vector.shape_cast %swap3A_1366 : vector<1x1x16xf32> to vector<16xf32>
      %swap3A_1368 = vector.shape_cast %broadcast_in_dim3A_40 : vector<16xf32> to vector<1x1x16xf32>
      tpu.vector_store %arg5[%swap3A_1363, %swap3A_1364, %swap3A_1365], %swap3A_1368 {strides = array<i32>} : memref<3x256x128xf32, #tpu.memory_space<vmem>>, vector<1x1x16xf32>,
      %while3A_1369 = arith.constant 0 : i32
      scf.yield %while3A_1369 : i32
    }
    %add3A_955 = arith.constant 1280 : i32
    %add3A_956 = arith.addi %mul3A_32, %add3A_955 : i32
    %dma_start3A_957 = arith.constant 2 : i32
    %dma_start3A_958 = arith.constant 2 : i32
    %dma_start3A_959 = arith.constant 0 : i32
    %dma_start3A_960 = arith.constant 0 : i32
    %dma_start3A_961 = tpu.memref_slice %arg5[%dma_start3A_957, %dma_start3A_959, %dma_start3A_960] : memref<3x256x128xf32, #tpu.memory_space<vmem>> -> memref<1x256x128xf32, #tpu.memory_space<vmem>>
    %dma_start3A_962 = tpu.memref_squeeze %dma_start3A_961 : memref<1x256x128xf32, #tpu.memory_space<vmem>> -> memref<256x128xf32, #tpu.memory_space<vmem>>
    %dma_start3A_963 = arith.constant 0 : i32
    %dma_start3A_964 = tpu.memref_slice %arg4[%select_n3A, %add3A_956, %dma_start3A_963] : memref<16x4096x128xf32, #tpu.memory_space<hbm>> -> memref<1x256x128xf32, #tpu.memory_space<hbm>>
    %dma_start3A_965 = tpu.memref_squeeze %dma_start3A_964 : memref<1x256x128xf32, #tpu.memory_space<hbm>> -> memref<256x128xf32, #tpu.memory_space<hbm>>
    %dma_start3A_966 = tpu.memref_slice %arg8[%dma_start3A_958] : memref<3x!tpu.dma_semaphore, #tpu.memory_space<semaphore_mem>> -> memref<1x!tpu.dma_semaphore, #tpu.memory_space<semaphore_mem>>
    %dma_start3A_967 = tpu.memref_squeeze %dma_start3A_966 : memref<1x!tpu.dma_semaphore, #tpu.memory_space<semaphore_mem>> -> memref<!tpu.dma_semaphore, #tpu.memory_space<semaphore_mem>>
    %dma_start3A_968 = arith.constant 0 : i32
    %dma_start3A_969 = tpu.memref_slice %arg4[%select_n3A, %add3A_956, %dma_start3A_968] : memref<16x4096x128xf32, #tpu.memory_space<hbm>> -> memref<1x256x128xf32, #tpu.memory_space<hbm>>
    %dma_start3A_970 = tpu.memref_squeeze %dma_start3A_969 : memref<1x256x128xf32, #tpu.memory_space<hbm>> -> memref<256x128xf32, #tpu.memory_space<hbm>>
    %dma_start3A_971 = arith.constant 0 : i32
    %dma_start3A_972 = arith.constant 0 : i32
    %dma_start3A_973 = tpu.memref_slice %arg5[%dma_start3A_957, %dma_start3A_971, %dma_start3A_972] : memref<3x256x128xf32, #tpu.memory_space<vmem>> -> memref<1x256x128xf32, #tpu.memory_space<vmem>>
    %dma_start3A_974 = tpu.memref_squeeze %dma_start3A_973 : memref<1x256x128xf32, #tpu.memory_space<vmem>> -> memref<256x128xf32, #tpu.memory_space<vmem>>
    tpu.enqueue_dma source(%dma_start3A_974 : memref<256x128xf32, #tpu.memory_space<vmem>>) target(%dma_start3A_970 : memref<256x128xf32, #tpu.memory_space<hbm>>) target_semaphore(%dma_start3A_967 : memref<!tpu.dma_semaphore, #tpu.memory_space<semaphore_mem>>)
    %dma_wait3A_975 = arith.constant 1 : i32
    %dma_wait3A_976 = arith.constant 1 : i32
    %dma_wait3A_977 = arith.constant 0 : i32
    %dma_wait3A_978 = arith.constant 0 : i32
    %dma_wait3A_979 = tpu.memref_slice %arg5[%dma_wait3A_975, %dma_wait3A_977, %dma_wait3A_978] : memref<3x256x128xf32, #tpu.memory_space<vmem>> -> memref<1x256x128xf32, #tpu.memory_space<vmem>>
    %dma_wait3A_980 = tpu.memref_squeeze %dma_wait3A_979 : memref<1x256x128xf32, #tpu.memory_space<vmem>> -> memref<256x128xf32, #tpu.memory_space<vmem>>
    %dma_wait3A_981 = arith.constant 0 : i32
    %dma_wait3A_982 = tpu.memref_slice %arg4[%select_n3A, %add3A_797, %dma_wait3A_981] : memref<16x4096x128xf32, #tpu.memory_space<hbm>> -> memref<1x256x128xf32, #tpu.memory_space<hbm>>
    %dma_wait3A_983 = tpu.memref_squeeze %dma_wait3A_982 : memref<1x256x128xf32, #tpu.memory_space<hbm>> -> memref<256x128xf32, #tpu.memory_space<hbm>>
    %dma_wait3A_984 = tpu.memref_slice %arg8[%dma_wait3A_976] : memref<3x!tpu.dma_semaphore, #tpu.memory_space<semaphore_mem>> -> memref<1x!tpu.dma_semaphore, #tpu.memory_space<semaphore_mem>>
    %dma_wait3A_985 = tpu.memref_squeeze %dma_wait3A_984 : memref<1x!tpu.dma_semaphore, #tpu.memory_space<semaphore_mem>> -> memref<!tpu.dma_semaphore, #tpu.memory_space<semaphore_mem>>
    %dma_wait3A_986 = arith.constant 0 : i32
    %dma_wait3A_987 = tpu.memref_slice %arg4[%select_n3A, %add3A_797, %dma_wait3A_986] : memref<16x4096x128xf32, #tpu.memory_space<hbm>> -> memref<1x256x128xf32, #tpu.memory_space<hbm>>
    %dma_wait3A_988 = tpu.memref_squeeze %dma_wait3A_987 : memref<1x256x128xf32, #tpu.memory_space<hbm>> -> memref<256x128xf32, #tpu.memory_space<hbm>>
    %dma_wait3A_989 = arith.constant 0 : i32
    %dma_wait3A_990 = arith.constant 0 : i32
    %dma_wait3A_991 = tpu.memref_slice %arg5[%dma_wait3A_975, %dma_wait3A_989, %dma_wait3A_990] : memref<3x256x128xf32, #tpu.memory_space<vmem>> -> memref<1x256x128xf32, #tpu.memory_space<vmem>>
    %dma_wait3A_992 = tpu.memref_squeeze %dma_wait3A_991 : memref<1x256x128xf32, #tpu.memory_space<vmem>> -> memref<256x128xf32, #tpu.memory_space<vmem>>
    tpu.wait_dma2 semaphore(%dma_wait3A_985 : memref<!tpu.dma_semaphore, #tpu.memory_space<semaphore_mem>>) src(%dma_wait3A_992 : memref<256x128xf32, #tpu.memory_space<vmem>>) dst(%dma_wait3A_988 : memref<256x128xf32, #tpu.memory_space<hbm>>)
    %add3A_993 = arith.constant 1792 : i32
    %add3A_994 = arith.addi %mul3A_32, %add3A_993 : i32
    %dma_start3A_995 = arith.constant 1 : i32
    %dma_start3A_996 = arith.constant 1 : i32
    %dma_start3A_997 = arith.constant 0 : i32
    %dma_start3A_998 = arith.constant 0 : i32
    %dma_start3A_999 = tpu.memref_slice %arg5[%dma_start3A_995, %dma_start3A_997, %dma_start3A_998] : memref<3x256x128xf32, #tpu.memory_space<vmem>> -> memref<1x256x128xf32, #tpu.memory_space<vmem>>
    %dma_start3A_1000 = tpu.memref_squeeze %dma_start3A_999 : memref<1x256x128xf32, #tpu.memory_space<vmem>> -> memref<256x128xf32, #tpu.memory_space<vmem>>
    %dma_start3A_1001 = arith.constant 0 : i32
    %dma_start3A_1002 = tpu.memref_slice %arg2[%select_n3A, %add3A_994, %dma_start3A_1001] : memref<16x4096x128xf32, #tpu.memory_space<hbm>> -> memref<1x256x128xf32, #tpu.memory_space<hbm>>
    %dma_start3A_1003 = tpu.memref_squeeze %dma_start3A_1002 : memref<1x256x128xf32, #tpu.memory_space<hbm>> -> memref<256x128xf32, #tpu.memory_space<hbm>>
    %dma_start3A_1004 = tpu.memref_slice %arg7[%dma_start3A_996] : memref<3x!tpu.dma_semaphore, #tpu.memory_space<semaphore_mem>> -> memref<1x!tpu.dma_semaphore, #tpu.memory_space<semaphore_mem>>
    %dma_start3A_1005 = tpu.memref_squeeze %dma_start3A_1004 : memref<1x!tpu.dma_semaphore, #tpu.memory_space<semaphore_mem>> -> memref<!tpu.dma_semaphore, #tpu.memory_space<semaphore_mem>>
    %dma_start3A_1006 = arith.constant 0 : i32
    %dma_start3A_1007 = arith.constant 0 : i32
    %dma_start3A_1008 = tpu.memref_slice %arg5[%dma_start3A_995, %dma_start3A_1006, %dma_start3A_1007] : memref<3x256x128xf32, #tpu.memory_space<vmem>> -> memref<1x256x128xf32, #tpu.memory_space<vmem>>
    %dma_start3A_1009 = tpu.memref_squeeze %dma_start3A_1008 : memref<1x256x128xf32, #tpu.memory_space<vmem>> -> memref<256x128xf32, #tpu.memory_space<vmem>>
    %dma_start3A_1010 = arith.constant 0 : i32
    %dma_start3A_1011 = tpu.memref_slice %arg2[%select_n3A, %add3A_994, %dma_start3A_1010] : memref<16x4096x128xf32, #tpu.memory_space<hbm>> -> memref<1x256x128xf32, #tpu.memory_space<hbm>>
    %dma_start3A_1012 = tpu.memref_squeeze %dma_start3A_1011 : memref<1x256x128xf32, #tpu.memory_space<hbm>> -> memref<256x128xf32, #tpu.memory_space<hbm>>
    tpu.enqueue_dma source(%dma_start3A_1012 : memref<256x128xf32, #tpu.memory_space<hbm>>) target(%dma_start3A_1009 : memref<256x128xf32, #tpu.memory_space<vmem>>) target_semaphore(%dma_start3A_1005 : memref<!tpu.dma_semaphore, #tpu.memory_space<semaphore_mem>>)
    %dma_wait3A_1013 = arith.constant 0 : i32
    %dma_wait3A_1014 = arith.constant 0 : i32
    %dma_wait3A_1015 = arith.constant 0 : i32
    %dma_wait3A_1016 = arith.constant 0 : i32
    %dma_wait3A_1017 = tpu.memref_slice %arg5[%dma_wait3A_1013, %dma_wait3A_1015, %dma_wait3A_1016] : memref<3x256x128xf32, #tpu.memory_space<vmem>> -> memref<1x256x128xf32, #tpu.memory_space<vmem>>
    %dma_wait3A_1018 = tpu.memref_squeeze %dma_wait3A_1017 : memref<1x256x128xf32, #tpu.memory_space<vmem>> -> memref<256x128xf32, #tpu.memory_space<vmem>>
    %dma_wait3A_1019 = arith.constant 0 : i32
    %dma_wait3A_1020 = tpu.memref_slice %arg2[%select_n3A, %add3A_835, %dma_wait3A_1019] : memref<16x4096x128xf32, #tpu.memory_space<hbm>> -> memref<1x256x128xf32, #tpu.memory_space<hbm>>
    %dma_wait3A_1021 = tpu.memref_squeeze %dma_wait3A_1020 : memref<1x256x128xf32, #tpu.memory_space<hbm>> -> memref<256x128xf32, #tpu.memory_space<hbm>>
    %dma_wait3A_1022 = tpu.memref_slice %arg7[%dma_wait3A_1014] : memref<3x!tpu.dma_semaphore, #tpu.memory_space<semaphore_mem>> -> memref<1x!tpu.dma_semaphore, #tpu.memory_space<semaphore_mem>>
    %dma_wait3A_1023 = tpu.memref_squeeze %dma_wait3A_1022 : memref<1x!tpu.dma_semaphore, #tpu.memory_space<semaphore_mem>> -> memref<!tpu.dma_semaphore, #tpu.memory_space<semaphore_mem>>
    %dma_wait3A_1024 = arith.constant 0 : i32
    %dma_wait3A_1025 = arith.constant 0 : i32
    %dma_wait3A_1026 = tpu.memref_slice %arg5[%dma_wait3A_1013, %dma_wait3A_1024, %dma_wait3A_1025] : memref<3x256x128xf32, #tpu.memory_space<vmem>> -> memref<1x256x128xf32, #tpu.memory_space<vmem>>
    %dma_wait3A_1027 = tpu.memref_squeeze %dma_wait3A_1026 : memref<1x256x128xf32, #tpu.memory_space<vmem>> -> memref<256x128xf32, #tpu.memory_space<vmem>>
    %dma_wait3A_1028 = arith.constant 0 : i32
    %dma_wait3A_1029 = tpu.memref_slice %arg2[%select_n3A, %add3A_835, %dma_wait3A_1028] : memref<16x4096x128xf32, #tpu.memory_space<hbm>> -> memref<1x256x128xf32, #tpu.memory_space<hbm>>
    %dma_wait3A_1030 = tpu.memref_squeeze %dma_wait3A_1029 : memref<1x256x128xf32, #tpu.memory_space<hbm>> -> memref<256x128xf32, #tpu.memory_space<hbm>>
    tpu.wait_dma2 semaphore(%dma_wait3A_1023 : memref<!tpu.dma_semaphore, #tpu.memory_space<semaphore_mem>>) src(%dma_wait3A_1030 : memref<256x128xf32, #tpu.memory_space<hbm>>) dst(%dma_wait3A_1027 : memref<256x128xf32, #tpu.memory_space<vmem>>)
    %add3A_1031 = arith.constant 1536 : i32
    %add3A_1032 = arith.addi %mul3A_32, %add3A_1031 : i32
    %jit3A_1033 = arith.constant 10 : i32
    %eq3A_1034 = arith.constant 0 : i32
    %eq3A_1035 = arith.cmpi eq, %jit3A_1033, %eq3A_1034 : i32
    %jit3A_1036 = arith.constant 1 : i32
    %select_n3A_1037 = arith.select %eq3A_1035, %jit3A_1036, %jit3A_1033 : i32
    %rem3A_1038 = arith.remsi %add3A_1032, %select_n3A_1037 : i32
    %ne3A_1039 = arith.constant 0 : i32
    %ne3A_1040 = arith.cmpi ne, %rem3A_1038, %ne3A_1039 : i32
    %lt3A_1041 = arith.constant 0 : i32
    %lt3A_1042 = arith.cmpi slt, %rem3A_1038, %lt3A_1041 : i32
    %lt3A_1043 = arith.constant 0 : i32
    %lt3A_1044 = arith.cmpi slt, %select_n3A_1037, %lt3A_1043 : i32
    %ne3A_1045 = arith.xori %lt3A_1042, %lt3A_1044 : i1
    %and3A_1046 = arith.andi %ne3A_1045, %ne3A_1040 : i1
    %add3A_1047 = arith.addi %rem3A_1038, %select_n3A_1037 : i32
    %select_n3A_1048 = arith.select %and3A_1046, %add3A_1047, %rem3A_1038 : i32
    %sub3A_1049 = arith.constant 10 : i32
    %sub3A_1050 = arith.subi %sub3A_1049, %select_n3A_1048 : i32
    %jit3A_1051 = arith.constant 10 : i32
    %eq3A_1052 = arith.constant 0 : i32
    %eq3A_1053 = arith.cmpi eq, %jit3A_1051, %eq3A_1052 : i32
    %jit3A_1054 = arith.constant 1 : i32
    %select_n3A_1055 = arith.select %eq3A_1053, %jit3A_1054, %jit3A_1051 : i32
    %rem3A_1056 = arith.remsi %sub3A_1050, %select_n3A_1055 : i32
    %ne3A_1057 = arith.constant 0 : i32
    %ne3A_1058 = arith.cmpi ne, %rem3A_1056, %ne3A_1057 : i32
    %lt3A_1059 = arith.constant 0 : i32
    %lt3A_1060 = arith.cmpi slt, %rem3A_1056, %lt3A_1059 : i32
    %lt3A_1061 = arith.constant 0 : i32
    %lt3A_1062 = arith.cmpi slt, %select_n3A_1055, %lt3A_1061 : i32
    %ne3A_1063 = arith.xori %lt3A_1060, %lt3A_1062 : i1
    %and3A_1064 = arith.andi %ne3A_1063, %ne3A_1058 : i1
    %add3A_1065 = arith.addi %rem3A_1056, %select_n3A_1055 : i32
    %select_n3A_1066 = arith.select %and3A_1064, %add3A_1065, %rem3A_1056 : i32
    %sub3A_1067 = arith.constant 1536 : i32
    %sub3A_1068 = arith.subi %select_n3A_39, %sub3A_1067 : i32
    %jit3A_1069 = arith.constant 0 : i32
    %jit3A_1070 = arith.constant 256 : i32
    %max3A_1071 = arith.maxsi %jit3A_1069, %sub3A_1068 : i32
    %min3A_1072 = arith.minsi %jit3A_1070, %max3A_1071 : i32
    %sub3A_1073 = arith.subi %min3A_1072, %select_n3A_1066 : i32
    %add3A_1074 = arith.constant 9 : i32
    %add3A_1075 = arith.addi %sub3A_1073, %add3A_1074 : i32
    %jit3A_1076 = arith.constant 10 : i32
    %div3A_1077 = arith.divsi %add3A_1075, %jit3A_1076 : i32
    %sign3A_1078 = arith.constant 0 : i32
    %sign3A_1079 = arith.cmpi sgt, %add3A_1075, %sign3A_1078 : i32
    %sign3A_1080 = arith.extui %sign3A_1079 : i1 to i32
    %sign3A_1081 = arith.constant 0 : i32
    %sign3A_1082 = arith.cmpi slt, %add3A_1075, %sign3A_1081 : i32
    %sign3A_1083 = arith.extui %sign3A_1082 : i1 to i32
    %sign3A_1084 = arith.subi %sign3A_1080, %sign3A_1083 : i32
    %sign3A_1085 = arith.constant 0 : i32
    %sign3A_1086 = arith.cmpi sgt, %jit3A_1076, %sign3A_1085 : i32
    %sign3A_1087 = arith.extui %sign3A_1086 : i1 to i32
    %sign3A_1088 = arith.constant 0 : i32
    %sign3A_1089 = arith.cmpi slt, %jit3A_1076, %sign3A_1088 : i32
    %sign3A_1090 = arith.extui %sign3A_1089 : i1 to i32
    %sign3A_1091 = arith.subi %sign3A_1087, %sign3A_1090 : i32
    %ne3A_1092 = arith.cmpi ne, %sign3A_1084, %sign3A_1091 : i32
    %rem3A_1093 = arith.remsi %add3A_1075, %jit3A_1076 : i32
    %ne3A_1094 = arith.constant 0 : i32
    %ne3A_1095 = arith.cmpi ne, %rem3A_1093, %ne3A_1094 : i32
    %and3A_1096 = arith.andi %ne3A_1092, %ne3A_1095 : i1
    %sub3A_1097 = arith.constant 1 : i32
    %sub3A_1098 = arith.subi %div3A_1077, %sub3A_1097 : i32
    %select_n3A_1099 = arith.select %and3A_1096, %sub3A_1098, %div3A_1077 : i32
    %max3A_1100 = arith.constant 0 : i32
    %max3A_1101 = arith.maxsi %max3A_1100, %select_n3A_1099 : i32
    %while3A_1102 = arith.constant 0 : i32
    %while3A_1103 = arith.constant 0 : i32
    %while3A_1104 = arith.subi %max3A_1101, %while3A_1102 : i32
    %while3A_1105 = arith.addi %while3A_1102, %while3A_1104 : i32
    %while3A_1106 = arith.constant 1 : i32
    %while3A_1107 = arith.divsi %while3A_1104, %while3A_1106 : i32
    %while3A_1108 = arith.muli %while3A_1107, %while3A_1106 : i32
    %while3A_1109 = arith.addi %while3A_1102, %while3A_1108 : i32
    %while3A_1110 = arith.constant 1 : i32
    %while3A_1111 = scf.for %while3A_1309 = %while3A_1102 to %while3A_1109 step %while3A_1110 iter_args(%while3A_1310 = %while3A_1103) -> (i32)  : i32 {
      %mul3A_1311 = arith.constant 10 : i32
      %mul3A_1312 = arith.muli %mul3A_1311, %while3A_1309 : i32
      %add3A_1313 = arith.addi %select_n3A_1066, %mul3A_1312 : i32
      %swap3A = arith.constant 0 : i32
      %swap3A_1314 = arith.index_cast %swap3A : i32 to index
      %swap3A_1315 = arith.index_cast %add3A_1313 : i32 to index
      %swap3A_1316 = arith.constant 0 : index
      %swap3A_1317 = tpu.vector_load %arg5[%swap3A_1314, %swap3A_1315, %swap3A_1316] {strides = array<i32>} : memref<3x256x128xf32, #tpu.memory_space<vmem>>, vector<1x1x16xf32>,
      %swap3A_1318 = vector.shape_cast %swap3A_1317 : vector<1x1x16xf32> to vector<16xf32>
      %swap3A_1319 = vector.shape_cast %broadcast_in_dim3A_40 : vector<16xf32> to vector<1x1x16xf32>
      tpu.vector_store %arg5[%swap3A_1314, %swap3A_1315, %swap3A_1316], %swap3A_1319 {strides = array<i32>} : memref<3x256x128xf32, #tpu.memory_space<vmem>>, vector<1x1x16xf32>,
      %swap3A_1320 = arith.constant 0 : i32
      %swap3A_1321 = arith.index_cast %swap3A_1320 : i32 to index
      %swap3A_1322 = arith.index_cast %add3A_1313 : i32 to index
      %swap3A_1323 = arith.constant 16 : index
      %swap3A_1324 = tpu.vector_load %arg5[%swap3A_1321, %swap3A_1322, %swap3A_1323] {strides = array<i32>} : memref<3x256x128xf32, #tpu.memory_space<vmem>>, vector<1x1x16xf32>,
      %swap3A_1325 = vector.shape_cast %swap3A_1324 : vector<1x1x16xf32> to vector<16xf32>
      %swap3A_1326 = vector.shape_cast %broadcast_in_dim3A_40 : vector<16xf32> to vector<1x1x16xf32>
      tpu.vector_store %arg5[%swap3A_1321, %swap3A_1322, %swap3A_1323], %swap3A_1326 {strides = array<i32>} : memref<3x256x128xf32, #tpu.memory_space<vmem>>, vector<1x1x16xf32>,
      %swap3A_1327 = arith.constant 0 : i32
      %swap3A_1328 = arith.index_cast %swap3A_1327 : i32 to index
      %swap3A_1329 = arith.index_cast %add3A_1313 : i32 to index
      %swap3A_1330 = arith.constant 32 : index
      %swap3A_1331 = tpu.vector_load %arg5[%swap3A_1328, %swap3A_1329, %swap3A_1330] {strides = array<i32>} : memref<3x256x128xf32, #tpu.memory_space<vmem>>, vector<1x1x16xf32>,
      %swap3A_1332 = vector.shape_cast %swap3A_1331 : vector<1x1x16xf32> to vector<16xf32>
      %swap3A_1333 = vector.shape_cast %broadcast_in_dim3A_40 : vector<16xf32> to vector<1x1x16xf32>
      tpu.vector_store %arg5[%swap3A_1328, %swap3A_1329, %swap3A_1330], %swap3A_1333 {strides = array<i32>} : memref<3x256x128xf32, #tpu.memory_space<vmem>>, vector<1x1x16xf32>,
      %swap3A_1334 = arith.constant 0 : i32
      %swap3A_1335 = arith.index_cast %swap3A_1334 : i32 to index
      %swap3A_1336 = arith.index_cast %add3A_1313 : i32 to index
      %swap3A_1337 = arith.constant 48 : index
      %swap3A_1338 = tpu.vector_load %arg5[%swap3A_1335, %swap3A_1336, %swap3A_1337] {strides = array<i32>} : memref<3x256x128xf32, #tpu.memory_space<vmem>>, vector<1x1x16xf32>,
      %swap3A_1339 = vector.shape_cast %swap3A_1338 : vector<1x1x16xf32> to vector<16xf32>
      %swap3A_1340 = vector.shape_cast %broadcast_in_dim3A_40 : vector<16xf32> to vector<1x1x16xf32>
      tpu.vector_store %arg5[%swap3A_1335, %swap3A_1336, %swap3A_1337], %swap3A_1340 {strides = array<i32>} : memref<3x256x128xf32, #tpu.memory_space<vmem>>, vector<1x1x16xf32>,
      %swap3A_1341 = arith.constant 0 : i32
      %swap3A_1342 = arith.index_cast %swap3A_1341 : i32 to index
      %swap3A_1343 = arith.index_cast %add3A_1313 : i32 to index
      %swap3A_1344 = arith.constant 64 : index
      %swap3A_1345 = tpu.vector_load %arg5[%swap3A_1342, %swap3A_1343, %swap3A_1344] {strides = array<i32>} : memref<3x256x128xf32, #tpu.memory_space<vmem>>, vector<1x1x16xf32>,
      %swap3A_1346 = vector.shape_cast %swap3A_1345 : vector<1x1x16xf32> to vector<16xf32>
      %swap3A_1347 = vector.shape_cast %broadcast_in_dim3A_40 : vector<16xf32> to vector<1x1x16xf32>
      tpu.vector_store %arg5[%swap3A_1342, %swap3A_1343, %swap3A_1344], %swap3A_1347 {strides = array<i32>} : memref<3x256x128xf32, #tpu.memory_space<vmem>>, vector<1x1x16xf32>,
      %swap3A_1348 = arith.constant 0 : i32
      %swap3A_1349 = arith.index_cast %swap3A_1348 : i32 to index
      %swap3A_1350 = arith.index_cast %add3A_1313 : i32 to index
      %swap3A_1351 = arith.constant 80 : index
      %swap3A_1352 = tpu.vector_load %arg5[%swap3A_1349, %swap3A_1350, %swap3A_1351] {strides = array<i32>} : memref<3x256x128xf32, #tpu.memory_space<vmem>>, vector<1x1x16xf32>,
      %swap3A_1353 = vector.shape_cast %swap3A_1352 : vector<1x1x16xf32> to vector<16xf32>
      %swap3A_1354 = vector.shape_cast %broadcast_in_dim3A_40 : vector<16xf32> to vector<1x1x16xf32>
      tpu.vector_store %arg5[%swap3A_1349, %swap3A_1350, %swap3A_1351], %swap3A_1354 {strides = array<i32>} : memref<3x256x128xf32, #tpu.memory_space<vmem>>, vector<1x1x16xf32>,
      %swap3A_1355 = arith.constant 0 : i32
      %swap3A_1356 = arith.index_cast %swap3A_1355 : i32 to index
      %swap3A_1357 = arith.index_cast %add3A_1313 : i32 to index
      %swap3A_1358 = arith.constant 96 : index
      %swap3A_1359 = tpu.vector_load %arg5[%swap3A_1356, %swap3A_1357, %swap3A_1358] {strides = array<i32>} : memref<3x256x128xf32, #tpu.memory_space<vmem>>, vector<1x1x16xf32>,
      %swap3A_1360 = vector.shape_cast %swap3A_1359 : vector<1x1x16xf32> to vector<16xf32>
      %swap3A_1361 = vector.shape_cast %broadcast_in_dim3A_40 : vector<16xf32> to vector<1x1x16xf32>
      tpu.vector_store %arg5[%swap3A_1356, %swap3A_1357, %swap3A_1358], %swap3A_1361 {strides = array<i32>} : memref<3x256x128xf32, #tpu.memory_space<vmem>>, vector<1x1x16xf32>,
      %swap3A_1362 = arith.constant 0 : i32
      %swap3A_1363 = arith.index_cast %swap3A_1362 : i32 to index
      %swap3A_1364 = arith.index_cast %add3A_1313 : i32 to index
      %swap3A_1365 = arith.constant 112 : index
      %swap3A_1366 = tpu.vector_load %arg5[%swap3A_1363, %swap3A_1364, %swap3A_1365] {strides = array<i32>} : memref<3x256x128xf32, #tpu.memory_space<vmem>>, vector<1x1x16xf32>,
      %swap3A_1367 = vector.shape_cast %swap3A_1366 : vector<1x1x16xf32> to vector<16xf32>
      %swap3A_1368 = vector.shape_cast %broadcast_in_dim3A_40 : vector<16xf32> to vector<1x1x16xf32>
      tpu.vector_store %arg5[%swap3A_1363, %swap3A_1364, %swap3A_1365], %swap3A_1368 {strides = array<i32>} : memref<3x256x128xf32, #tpu.memory_space<vmem>>, vector<1x1x16xf32>,
      %while3A_1369 = arith.constant 0 : i32
      scf.yield %while3A_1369 : i32
    }
    %while3A_1112 = arith.constant 1 : i32
    %while3A_1113 = scf.for %while3A_1309 = %while3A_1109 to %while3A_1105 step %while3A_1112 iter_args(%while3A_1310 = %while3A_1111) -> (i32)  : i32 {
      %mul3A_1311 = arith.constant 10 : i32
      %mul3A_1312 = arith.muli %mul3A_1311, %while3A_1309 : i32
      %add3A_1313 = arith.addi %select_n3A_1066, %mul3A_1312 : i32
      %swap3A = arith.constant 0 : i32
      %swap3A_1314 = arith.index_cast %swap3A : i32 to index
      %swap3A_1315 = arith.index_cast %add3A_1313 : i32 to index
      %swap3A_1316 = arith.constant 0 : index
      %swap3A_1317 = tpu.vector_load %arg5[%swap3A_1314, %swap3A_1315, %swap3A_1316] {strides = array<i32>} : memref<3x256x128xf32, #tpu.memory_space<vmem>>, vector<1x1x16xf32>,
      %swap3A_1318 = vector.shape_cast %swap3A_1317 : vector<1x1x16xf32> to vector<16xf32>
      %swap3A_1319 = vector.shape_cast %broadcast_in_dim3A_40 : vector<16xf32> to vector<1x1x16xf32>
      tpu.vector_store %arg5[%swap3A_1314, %swap3A_1315, %swap3A_1316], %swap3A_1319 {strides = array<i32>} : memref<3x256x128xf32, #tpu.memory_space<vmem>>, vector<1x1x16xf32>,
      %swap3A_1320 = arith.constant 0 : i32
      %swap3A_1321 = arith.index_cast %swap3A_1320 : i32 to index
      %swap3A_1322 = arith.index_cast %add3A_1313 : i32 to index
      %swap3A_1323 = arith.constant 16 : index
      %swap3A_1324 = tpu.vector_load %arg5[%swap3A_1321, %swap3A_1322, %swap3A_1323] {strides = array<i32>} : memref<3x256x128xf32, #tpu.memory_space<vmem>>, vector<1x1x16xf32>,
      %swap3A_1325 = vector.shape_cast %swap3A_1324 : vector<1x1x16xf32> to vector<16xf32>
      %swap3A_1326 = vector.shape_cast %broadcast_in_dim3A_40 : vector<16xf32> to vector<1x1x16xf32>
      tpu.vector_store %arg5[%swap3A_1321, %swap3A_1322, %swap3A_1323], %swap3A_1326 {strides = array<i32>} : memref<3x256x128xf32, #tpu.memory_space<vmem>>, vector<1x1x16xf32>,
      %swap3A_1327 = arith.constant 0 : i32
      %swap3A_1328 = arith.index_cast %swap3A_1327 : i32 to index
      %swap3A_1329 = arith.index_cast %add3A_1313 : i32 to index
      %swap3A_1330 = arith.constant 32 : index
      %swap3A_1331 = tpu.vector_load %arg5[%swap3A_1328, %swap3A_1329, %swap3A_1330] {strides = array<i32>} : memref<3x256x128xf32, #tpu.memory_space<vmem>>, vector<1x1x16xf32>,
      %swap3A_1332 = vector.shape_cast %swap3A_1331 : vector<1x1x16xf32> to vector<16xf32>
      %swap3A_1333 = vector.shape_cast %broadcast_in_dim3A_40 : vector<16xf32> to vector<1x1x16xf32>
      tpu.vector_store %arg5[%swap3A_1328, %swap3A_1329, %swap3A_1330], %swap3A_1333 {strides = array<i32>} : memref<3x256x128xf32, #tpu.memory_space<vmem>>, vector<1x1x16xf32>,
      %swap3A_1334 = arith.constant 0 : i32
      %swap3A_1335 = arith.index_cast %swap3A_1334 : i32 to index
      %swap3A_1336 = arith.index_cast %add3A_1313 : i32 to index
      %swap3A_1337 = arith.constant 48 : index
      %swap3A_1338 = tpu.vector_load %arg5[%swap3A_1335, %swap3A_1336, %swap3A_1337] {strides = array<i32>} : memref<3x256x128xf32, #tpu.memory_space<vmem>>, vector<1x1x16xf32>,
      %swap3A_1339 = vector.shape_cast %swap3A_1338 : vector<1x1x16xf32> to vector<16xf32>
      %swap3A_1340 = vector.shape_cast %broadcast_in_dim3A_40 : vector<16xf32> to vector<1x1x16xf32>
      tpu.vector_store %arg5[%swap3A_1335, %swap3A_1336, %swap3A_1337], %swap3A_1340 {strides = array<i32>} : memref<3x256x128xf32, #tpu.memory_space<vmem>>, vector<1x1x16xf32>,
      %swap3A_1341 = arith.constant 0 : i32
      %swap3A_1342 = arith.index_cast %swap3A_1341 : i32 to index
      %swap3A_1343 = arith.index_cast %add3A_1313 : i32 to index
      %swap3A_1344 = arith.constant 64 : index
      %swap3A_1345 = tpu.vector_load %arg5[%swap3A_1342, %swap3A_1343, %swap3A_1344] {strides = array<i32>} : memref<3x256x128xf32, #tpu.memory_space<vmem>>, vector<1x1x16xf32>,
      %swap3A_1346 = vector.shape_cast %swap3A_1345 : vector<1x1x16xf32> to vector<16xf32>
      %swap3A_1347 = vector.shape_cast %broadcast_in_dim3A_40 : vector<16xf32> to vector<1x1x16xf32>
      tpu.vector_store %arg5[%swap3A_1342, %swap3A_1343, %swap3A_1344], %swap3A_1347 {strides = array<i32>} : memref<3x256x128xf32, #tpu.memory_space<vmem>>, vector<1x1x16xf32>,
      %swap3A_1348 = arith.constant 0 : i32
      %swap3A_1349 = arith.index_cast %swap3A_1348 : i32 to index
      %swap3A_1350 = arith.index_cast %add3A_1313 : i32 to index
      %swap3A_1351 = arith.constant 80 : index
      %swap3A_1352 = tpu.vector_load %arg5[%swap3A_1349, %swap3A_1350, %swap3A_1351] {strides = array<i32>} : memref<3x256x128xf32, #tpu.memory_space<vmem>>, vector<1x1x16xf32>,
      %swap3A_1353 = vector.shape_cast %swap3A_1352 : vector<1x1x16xf32> to vector<16xf32>
      %swap3A_1354 = vector.shape_cast %broadcast_in_dim3A_40 : vector<16xf32> to vector<1x1x16xf32>
      tpu.vector_store %arg5[%swap3A_1349, %swap3A_1350, %swap3A_1351], %swap3A_1354 {strides = array<i32>} : memref<3x256x128xf32, #tpu.memory_space<vmem>>, vector<1x1x16xf32>,
      %swap3A_1355 = arith.constant 0 : i32
      %swap3A_1356 = arith.index_cast %swap3A_1355 : i32 to index
      %swap3A_1357 = arith.index_cast %add3A_1313 : i32 to index
      %swap3A_1358 = arith.constant 96 : index
      %swap3A_1359 = tpu.vector_load %arg5[%swap3A_1356, %swap3A_1357, %swap3A_1358] {strides = array<i32>} : memref<3x256x128xf32, #tpu.memory_space<vmem>>, vector<1x1x16xf32>,
      %swap3A_1360 = vector.shape_cast %swap3A_1359 : vector<1x1x16xf32> to vector<16xf32>
      %swap3A_1361 = vector.shape_cast %broadcast_in_dim3A_40 : vector<16xf32> to vector<1x1x16xf32>
      tpu.vector_store %arg5[%swap3A_1356, %swap3A_1357, %swap3A_1358], %swap3A_1361 {strides = array<i32>} : memref<3x256x128xf32, #tpu.memory_space<vmem>>, vector<1x1x16xf32>,
      %swap3A_1362 = arith.constant 0 : i32
      %swap3A_1363 = arith.index_cast %swap3A_1362 : i32 to index
      %swap3A_1364 = arith.index_cast %add3A_1313 : i32 to index
      %swap3A_1365 = arith.constant 112 : index
      %swap3A_1366 = tpu.vector_load %arg5[%swap3A_1363, %swap3A_1364, %swap3A_1365] {strides = array<i32>} : memref<3x256x128xf32, #tpu.memory_space<vmem>>, vector<1x1x16xf32>,
      %swap3A_1367 = vector.shape_cast %swap3A_1366 : vector<1x1x16xf32> to vector<16xf32>
      %swap3A_1368 = vector.shape_cast %broadcast_in_dim3A_40 : vector<16xf32> to vector<1x1x16xf32>
      tpu.vector_store %arg5[%swap3A_1363, %swap3A_1364, %swap3A_1365], %swap3A_1368 {strides = array<i32>} : memref<3x256x128xf32, #tpu.memory_space<vmem>>, vector<1x1x16xf32>,
      %while3A_1369 = arith.constant 0 : i32
      scf.yield %while3A_1369 : i32
    }
    %add3A_1114 = arith.constant 1536 : i32
    %add3A_1115 = arith.addi %mul3A_32, %add3A_1114 : i32
    %dma_start3A_1116 = arith.constant 0 : i32
    %dma_start3A_1117 = arith.constant 0 : i32
    %dma_start3A_1118 = arith.constant 0 : i32
    %dma_start3A_1119 = arith.constant 0 : i32
    %dma_start3A_1120 = tpu.memref_slice %arg5[%dma_start3A_1116, %dma_start3A_1118, %dma_start3A_1119] : memref<3x256x128xf32, #tpu.memory_space<vmem>> -> memref<1x256x128xf32, #tpu.memory_space<vmem>>
    %dma_start3A_1121 = tpu.memref_squeeze %dma_start3A_1120 : memref<1x256x128xf32, #tpu.memory_space<vmem>> -> memref<256x128xf32, #tpu.memory_space<vmem>>
    %dma_start3A_1122 = arith.constant 0 : i32
    %dma_start3A_1123 = tpu.memref_slice %arg4[%select_n3A, %add3A_1115, %dma_start3A_1122] : memref<16x4096x128xf32, #tpu.memory_space<hbm>> -> memref<1x256x128xf32, #tpu.memory_space<hbm>>
    %dma_start3A_1124 = tpu.memref_squeeze %dma_start3A_1123 : memref<1x256x128xf32, #tpu.memory_space<hbm>> -> memref<256x128xf32, #tpu.memory_space<hbm>>
    %dma_start3A_1125 = tpu.memref_slice %arg8[%dma_start3A_1117] : memref<3x!tpu.dma_semaphore, #tpu.memory_space<semaphore_mem>> -> memref<1x!tpu.dma_semaphore, #tpu.memory_space<semaphore_mem>>
    %dma_start3A_1126 = tpu.memref_squeeze %dma_start3A_1125 : memref<1x!tpu.dma_semaphore, #tpu.memory_space<semaphore_mem>> -> memref<!tpu.dma_semaphore, #tpu.memory_space<semaphore_mem>>
    %dma_start3A_1127 = arith.constant 0 : i32
    %dma_start3A_1128 = tpu.memref_slice %arg4[%select_n3A, %add3A_1115, %dma_start3A_1127] : memref<16x4096x128xf32, #tpu.memory_space<hbm>> -> memref<1x256x128xf32, #tpu.memory_space<hbm>>
    %dma_start3A_1129 = tpu.memref_squeeze %dma_start3A_1128 : memref<1x256x128xf32, #tpu.memory_space<hbm>> -> memref<256x128xf32, #tpu.memory_space<hbm>>
    %dma_start3A_1130 = arith.constant 0 : i32
    %dma_start3A_1131 = arith.constant 0 : i32
    %dma_start3A_1132 = tpu.memref_slice %arg5[%dma_start3A_1116, %dma_start3A_1130, %dma_start3A_1131] : memref<3x256x128xf32, #tpu.memory_space<vmem>> -> memref<1x256x128xf32, #tpu.memory_space<vmem>>
    %dma_start3A_1133 = tpu.memref_squeeze %dma_start3A_1132 : memref<1x256x128xf32, #tpu.memory_space<vmem>> -> memref<256x128xf32, #tpu.memory_space<vmem>>
    tpu.enqueue_dma source(%dma_start3A_1133 : memref<256x128xf32, #tpu.memory_space<vmem>>) target(%dma_start3A_1129 : memref<256x128xf32, #tpu.memory_space<hbm>>) target_semaphore(%dma_start3A_1126 : memref<!tpu.dma_semaphore, #tpu.memory_space<semaphore_mem>>)
    %dma_wait3A_1134 = arith.constant 1 : i32
    %dma_wait3A_1135 = arith.constant 1 : i32
    %dma_wait3A_1136 = arith.constant 0 : i32
    %dma_wait3A_1137 = arith.constant 0 : i32
    %dma_wait3A_1138 = tpu.memref_slice %arg5[%dma_wait3A_1134, %dma_wait3A_1136, %dma_wait3A_1137] : memref<3x256x128xf32, #tpu.memory_space<vmem>> -> memref<1x256x128xf32, #tpu.memory_space<vmem>>
    %dma_wait3A_1139 = tpu.memref_squeeze %dma_wait3A_1138 : memref<1x256x128xf32, #tpu.memory_space<vmem>> -> memref<256x128xf32, #tpu.memory_space<vmem>>
    %dma_wait3A_1140 = arith.constant 0 : i32
    %dma_wait3A_1141 = tpu.memref_slice %arg2[%select_n3A, %add3A_994, %dma_wait3A_1140] : memref<16x4096x128xf32, #tpu.memory_space<hbm>> -> memref<1x256x128xf32, #tpu.memory_space<hbm>>
    %dma_wait3A_1142 = tpu.memref_squeeze %dma_wait3A_1141 : memref<1x256x128xf32, #tpu.memory_space<hbm>> -> memref<256x128xf32, #tpu.memory_space<hbm>>
    %dma_wait3A_1143 = tpu.memref_slice %arg7[%dma_wait3A_1135] : memref<3x!tpu.dma_semaphore, #tpu.memory_space<semaphore_mem>> -> memref<1x!tpu.dma_semaphore, #tpu.memory_space<semaphore_mem>>
    %dma_wait3A_1144 = tpu.memref_squeeze %dma_wait3A_1143 : memref<1x!tpu.dma_semaphore, #tpu.memory_space<semaphore_mem>> -> memref<!tpu.dma_semaphore, #tpu.memory_space<semaphore_mem>>
    %dma_wait3A_1145 = arith.constant 0 : i32
    %dma_wait3A_1146 = arith.constant 0 : i32
    %dma_wait3A_1147 = tpu.memref_slice %arg5[%dma_wait3A_1134, %dma_wait3A_1145, %dma_wait3A_1146] : memref<3x256x128xf32, #tpu.memory_space<vmem>> -> memref<1x256x128xf32, #tpu.memory_space<vmem>>
    %dma_wait3A_1148 = tpu.memref_squeeze %dma_wait3A_1147 : memref<1x256x128xf32, #tpu.memory_space<vmem>> -> memref<256x128xf32, #tpu.memory_space<vmem>>
    %dma_wait3A_1149 = arith.constant 0 : i32
    %dma_wait3A_1150 = tpu.memref_slice %arg2[%select_n3A, %add3A_994, %dma_wait3A_1149] : memref<16x4096x128xf32, #tpu.memory_space<hbm>> -> memref<1x256x128xf32, #tpu.memory_space<hbm>>
    %dma_wait3A_1151 = tpu.memref_squeeze %dma_wait3A_1150 : memref<1x256x128xf32, #tpu.memory_space<hbm>> -> memref<256x128xf32, #tpu.memory_space<hbm>>
    tpu.wait_dma2 semaphore(%dma_wait3A_1144 : memref<!tpu.dma_semaphore, #tpu.memory_space<semaphore_mem>>) src(%dma_wait3A_1151 : memref<256x128xf32, #tpu.memory_space<hbm>>) dst(%dma_wait3A_1148 : memref<256x128xf32, #tpu.memory_space<vmem>>)
    %add3A_1152 = arith.constant 1792 : i32
    %add3A_1153 = arith.addi %mul3A_32, %add3A_1152 : i32
    %jit3A_1154 = arith.constant 10 : i32
    %eq3A_1155 = arith.constant 0 : i32
    %eq3A_1156 = arith.cmpi eq, %jit3A_1154, %eq3A_1155 : i32
    %jit3A_1157 = arith.constant 1 : i32
    %select_n3A_1158 = arith.select %eq3A_1156, %jit3A_1157, %jit3A_1154 : i32
    %rem3A_1159 = arith.remsi %add3A_1153, %select_n3A_1158 : i32
    %ne3A_1160 = arith.constant 0 : i32
    %ne3A_1161 = arith.cmpi ne, %rem3A_1159, %ne3A_1160 : i32
    %lt3A_1162 = arith.constant 0 : i32
    %lt3A_1163 = arith.cmpi slt, %rem3A_1159, %lt3A_1162 : i32
    %lt3A_1164 = arith.constant 0 : i32
    %lt3A_1165 = arith.cmpi slt, %select_n3A_1158, %lt3A_1164 : i32
    %ne3A_1166 = arith.xori %lt3A_1163, %lt3A_1165 : i1
    %and3A_1167 = arith.andi %ne3A_1166, %ne3A_1161 : i1
    %add3A_1168 = arith.addi %rem3A_1159, %select_n3A_1158 : i32
    %select_n3A_1169 = arith.select %and3A_1167, %add3A_1168, %rem3A_1159 : i32
    %sub3A_1170 = arith.constant 10 : i32
    %sub3A_1171 = arith.subi %sub3A_1170, %select_n3A_1169 : i32
    %jit3A_1172 = arith.constant 10 : i32
    %eq3A_1173 = arith.constant 0 : i32
    %eq3A_1174 = arith.cmpi eq, %jit3A_1172, %eq3A_1173 : i32
    %jit3A_1175 = arith.constant 1 : i32
    %select_n3A_1176 = arith.select %eq3A_1174, %jit3A_1175, %jit3A_1172 : i32
    %rem3A_1177 = arith.remsi %sub3A_1171, %select_n3A_1176 : i32
    %ne3A_1178 = arith.constant 0 : i32
    %ne3A_1179 = arith.cmpi ne, %rem3A_1177, %ne3A_1178 : i32
    %lt3A_1180 = arith.constant 0 : i32
    %lt3A_1181 = arith.cmpi slt, %rem3A_1177, %lt3A_1180 : i32
    %lt3A_1182 = arith.constant 0 : i32
    %lt3A_1183 = arith.cmpi slt, %select_n3A_1176, %lt3A_1182 : i32
    %ne3A_1184 = arith.xori %lt3A_1181, %lt3A_1183 : i1
    %and3A_1185 = arith.andi %ne3A_1184, %ne3A_1179 : i1
    %add3A_1186 = arith.addi %rem3A_1177, %select_n3A_1176 : i32
    %select_n3A_1187 = arith.select %and3A_1185, %add3A_1186, %rem3A_1177 : i32
    %sub3A_1188 = arith.constant 1792 : i32
    %sub3A_1189 = arith.subi %select_n3A_39, %sub3A_1188 : i32
    %jit3A_1190 = arith.constant 0 : i32
    %jit3A_1191 = arith.constant 256 : i32
    %max3A_1192 = arith.maxsi %jit3A_1190, %sub3A_1189 : i32
    %min3A_1193 = arith.minsi %jit3A_1191, %max3A_1192 : i32
    %sub3A_1194 = arith.subi %min3A_1193, %select_n3A_1187 : i32
    %add3A_1195 = arith.constant 9 : i32
    %add3A_1196 = arith.addi %sub3A_1194, %add3A_1195 : i32
    %jit3A_1197 = arith.constant 10 : i32
    %div3A_1198 = arith.divsi %add3A_1196, %jit3A_1197 : i32
    %sign3A_1199 = arith.constant 0 : i32
    %sign3A_1200 = arith.cmpi sgt, %add3A_1196, %sign3A_1199 : i32
    %sign3A_1201 = arith.extui %sign3A_1200 : i1 to i32
    %sign3A_1202 = arith.constant 0 : i32
    %sign3A_1203 = arith.cmpi slt, %add3A_1196, %sign3A_1202 : i32
    %sign3A_1204 = arith.extui %sign3A_1203 : i1 to i32
    %sign3A_1205 = arith.subi %sign3A_1201, %sign3A_1204 : i32
    %sign3A_1206 = arith.constant 0 : i32
    %sign3A_1207 = arith.cmpi sgt, %jit3A_1197, %sign3A_1206 : i32
    %sign3A_1208 = arith.extui %sign3A_1207 : i1 to i32
    %sign3A_1209 = arith.constant 0 : i32
    %sign3A_1210 = arith.cmpi slt, %jit3A_1197, %sign3A_1209 : i32
    %sign3A_1211 = arith.extui %sign3A_1210 : i1 to i32
    %sign3A_1212 = arith.subi %sign3A_1208, %sign3A_1211 : i32
    %ne3A_1213 = arith.cmpi ne, %sign3A_1205, %sign3A_1212 : i32
    %rem3A_1214 = arith.remsi %add3A_1196, %jit3A_1197 : i32
    %ne3A_1215 = arith.constant 0 : i32
    %ne3A_1216 = arith.cmpi ne, %rem3A_1214, %ne3A_1215 : i32
    %and3A_1217 = arith.andi %ne3A_1213, %ne3A_1216 : i1
    %sub3A_1218 = arith.constant 1 : i32
    %sub3A_1219 = arith.subi %div3A_1198, %sub3A_1218 : i32
    %select_n3A_1220 = arith.select %and3A_1217, %sub3A_1219, %div3A_1198 : i32
    %max3A_1221 = arith.constant 0 : i32
    %max3A_1222 = arith.maxsi %max3A_1221, %select_n3A_1220 : i32
    %while3A_1223 = arith.constant 0 : i32
    %while3A_1224 = arith.constant 0 : i32
    %while3A_1225 = arith.subi %max3A_1222, %while3A_1223 : i32
    %while3A_1226 = arith.addi %while3A_1223, %while3A_1225 : i32
    %while3A_1227 = arith.constant 1 : i32
    %while3A_1228 = arith.divsi %while3A_1225, %while3A_1227 : i32
    %while3A_1229 = arith.muli %while3A_1228, %while3A_1227 : i32
    %while3A_1230 = arith.addi %while3A_1223, %while3A_1229 : i32
    %while3A_1231 = arith.constant 1 : i32
    %while3A_1232 = scf.for %while3A_1309 = %while3A_1223 to %while3A_1230 step %while3A_1231 iter_args(%while3A_1310 = %while3A_1224) -> (i32)  : i32 {
      %mul3A_1311 = arith.constant 10 : i32
      %mul3A_1312 = arith.muli %mul3A_1311, %while3A_1309 : i32
      %add3A_1313 = arith.addi %select_n3A_1187, %mul3A_1312 : i32
      %swap3A = arith.constant 1 : i32
      %swap3A_1314 = arith.index_cast %swap3A : i32 to index
      %swap3A_1315 = arith.index_cast %add3A_1313 : i32 to index
      %swap3A_1316 = arith.constant 0 : index
      %swap3A_1317 = tpu.vector_load %arg5[%swap3A_1314, %swap3A_1315, %swap3A_1316] {strides = array<i32>} : memref<3x256x128xf32, #tpu.memory_space<vmem>>, vector<1x1x16xf32>,
      %swap3A_1318 = vector.shape_cast %swap3A_1317 : vector<1x1x16xf32> to vector<16xf32>
      %swap3A_1319 = vector.shape_cast %broadcast_in_dim3A_40 : vector<16xf32> to vector<1x1x16xf32>
      tpu.vector_store %arg5[%swap3A_1314, %swap3A_1315, %swap3A_1316], %swap3A_1319 {strides = array<i32>} : memref<3x256x128xf32, #tpu.memory_space<vmem>>, vector<1x1x16xf32>,
      %swap3A_1320 = arith.constant 1 : i32
      %swap3A_1321 = arith.index_cast %swap3A_1320 : i32 to index
      %swap3A_1322 = arith.index_cast %add3A_1313 : i32 to index
      %swap3A_1323 = arith.constant 16 : index
      %swap3A_1324 = tpu.vector_load %arg5[%swap3A_1321, %swap3A_1322, %swap3A_1323] {strides = array<i32>} : memref<3x256x128xf32, #tpu.memory_space<vmem>>, vector<1x1x16xf32>,
      %swap3A_1325 = vector.shape_cast %swap3A_1324 : vector<1x1x16xf32> to vector<16xf32>
      %swap3A_1326 = vector.shape_cast %broadcast_in_dim3A_40 : vector<16xf32> to vector<1x1x16xf32>
      tpu.vector_store %arg5[%swap3A_1321, %swap3A_1322, %swap3A_1323], %swap3A_1326 {strides = array<i32>} : memref<3x256x128xf32, #tpu.memory_space<vmem>>, vector<1x1x16xf32>,
      %swap3A_1327 = arith.constant 1 : i32
      %swap3A_1328 = arith.index_cast %swap3A_1327 : i32 to index
      %swap3A_1329 = arith.index_cast %add3A_1313 : i32 to index
      %swap3A_1330 = arith.constant 32 : index
      %swap3A_1331 = tpu.vector_load %arg5[%swap3A_1328, %swap3A_1329, %swap3A_1330] {strides = array<i32>} : memref<3x256x128xf32, #tpu.memory_space<vmem>>, vector<1x1x16xf32>,
      %swap3A_1332 = vector.shape_cast %swap3A_1331 : vector<1x1x16xf32> to vector<16xf32>
      %swap3A_1333 = vector.shape_cast %broadcast_in_dim3A_40 : vector<16xf32> to vector<1x1x16xf32>
      tpu.vector_store %arg5[%swap3A_1328, %swap3A_1329, %swap3A_1330], %swap3A_1333 {strides = array<i32>} : memref<3x256x128xf32, #tpu.memory_space<vmem>>, vector<1x1x16xf32>,
      %swap3A_1334 = arith.constant 1 : i32
      %swap3A_1335 = arith.index_cast %swap3A_1334 : i32 to index
      %swap3A_1336 = arith.index_cast %add3A_1313 : i32 to index
      %swap3A_1337 = arith.constant 48 : index
      %swap3A_1338 = tpu.vector_load %arg5[%swap3A_1335, %swap3A_1336, %swap3A_1337] {strides = array<i32>} : memref<3x256x128xf32, #tpu.memory_space<vmem>>, vector<1x1x16xf32>,
      %swap3A_1339 = vector.shape_cast %swap3A_1338 : vector<1x1x16xf32> to vector<16xf32>
      %swap3A_1340 = vector.shape_cast %broadcast_in_dim3A_40 : vector<16xf32> to vector<1x1x16xf32>
      tpu.vector_store %arg5[%swap3A_1335, %swap3A_1336, %swap3A_1337], %swap3A_1340 {strides = array<i32>} : memref<3x256x128xf32, #tpu.memory_space<vmem>>, vector<1x1x16xf32>,
      %swap3A_1341 = arith.constant 1 : i32
      %swap3A_1342 = arith.index_cast %swap3A_1341 : i32 to index
      %swap3A_1343 = arith.index_cast %add3A_1313 : i32 to index
      %swap3A_1344 = arith.constant 64 : index
      %swap3A_1345 = tpu.vector_load %arg5[%swap3A_1342, %swap3A_1343, %swap3A_1344] {strides = array<i32>} : memref<3x256x128xf32, #tpu.memory_space<vmem>>, vector<1x1x16xf32>,
      %swap3A_1346 = vector.shape_cast %swap3A_1345 : vector<1x1x16xf32> to vector<16xf32>
      %swap3A_1347 = vector.shape_cast %broadcast_in_dim3A_40 : vector<16xf32> to vector<1x1x16xf32>
      tpu.vector_store %arg5[%swap3A_1342, %swap3A_1343, %swap3A_1344], %swap3A_1347 {strides = array<i32>} : memref<3x256x128xf32, #tpu.memory_space<vmem>>, vector<1x1x16xf32>,
      %swap3A_1348 = arith.constant 1 : i32
      %swap3A_1349 = arith.index_cast %swap3A_1348 : i32 to index
      %swap3A_1350 = arith.index_cast %add3A_1313 : i32 to index
      %swap3A_1351 = arith.constant 80 : index
      %swap3A_1352 = tpu.vector_load %arg5[%swap3A_1349, %swap3A_1350, %swap3A_1351] {strides = array<i32>} : memref<3x256x128xf32, #tpu.memory_space<vmem>>, vector<1x1x16xf32>,
      %swap3A_1353 = vector.shape_cast %swap3A_1352 : vector<1x1x16xf32> to vector<16xf32>
      %swap3A_1354 = vector.shape_cast %broadcast_in_dim3A_40 : vector<16xf32> to vector<1x1x16xf32>
      tpu.vector_store %arg5[%swap3A_1349, %swap3A_1350, %swap3A_1351], %swap3A_1354 {strides = array<i32>} : memref<3x256x128xf32, #tpu.memory_space<vmem>>, vector<1x1x16xf32>,
      %swap3A_1355 = arith.constant 1 : i32
      %swap3A_1356 = arith.index_cast %swap3A_1355 : i32 to index
      %swap3A_1357 = arith.index_cast %add3A_1313 : i32 to index
      %swap3A_1358 = arith.constant 96 : index
      %swap3A_1359 = tpu.vector_load %arg5[%swap3A_1356, %swap3A_1357, %swap3A_1358] {strides = array<i32>} : memref<3x256x128xf32, #tpu.memory_space<vmem>>, vector<1x1x16xf32>,
      %swap3A_1360 = vector.shape_cast %swap3A_1359 : vector<1x1x16xf32> to vector<16xf32>
      %swap3A_1361 = vector.shape_cast %broadcast_in_dim3A_40 : vector<16xf32> to vector<1x1x16xf32>
      tpu.vector_store %arg5[%swap3A_1356, %swap3A_1357, %swap3A_1358], %swap3A_1361 {strides = array<i32>} : memref<3x256x128xf32, #tpu.memory_space<vmem>>, vector<1x1x16xf32>,
      %swap3A_1362 = arith.constant 1 : i32
      %swap3A_1363 = arith.index_cast %swap3A_1362 : i32 to index
      %swap3A_1364 = arith.index_cast %add3A_1313 : i32 to index
      %swap3A_1365 = arith.constant 112 : index
      %swap3A_1366 = tpu.vector_load %arg5[%swap3A_1363, %swap3A_1364, %swap3A_1365] {strides = array<i32>} : memref<3x256x128xf32, #tpu.memory_space<vmem>>, vector<1x1x16xf32>,
      %swap3A_1367 = vector.shape_cast %swap3A_1366 : vector<1x1x16xf32> to vector<16xf32>
      %swap3A_1368 = vector.shape_cast %broadcast_in_dim3A_40 : vector<16xf32> to vector<1x1x16xf32>
      tpu.vector_store %arg5[%swap3A_1363, %swap3A_1364, %swap3A_1365], %swap3A_1368 {strides = array<i32>} : memref<3x256x128xf32, #tpu.memory_space<vmem>>, vector<1x1x16xf32>,
      %while3A_1369 = arith.constant 0 : i32
      scf.yield %while3A_1369 : i32
    }
    %while3A_1233 = arith.constant 1 : i32
    %while3A_1234 = scf.for %while3A_1309 = %while3A_1230 to %while3A_1226 step %while3A_1233 iter_args(%while3A_1310 = %while3A_1232) -> (i32)  : i32 {
      %mul3A_1311 = arith.constant 10 : i32
      %mul3A_1312 = arith.muli %mul3A_1311, %while3A_1309 : i32
      %add3A_1313 = arith.addi %select_n3A_1187, %mul3A_1312 : i32
      %swap3A = arith.constant 1 : i32
      %swap3A_1314 = arith.index_cast %swap3A : i32 to index
      %swap3A_1315 = arith.index_cast %add3A_1313 : i32 to index
      %swap3A_1316 = arith.constant 0 : index
      %swap3A_1317 = tpu.vector_load %arg5[%swap3A_1314, %swap3A_1315, %swap3A_1316] {strides = array<i32>} : memref<3x256x128xf32, #tpu.memory_space<vmem>>, vector<1x1x16xf32>,
      %swap3A_1318 = vector.shape_cast %swap3A_1317 : vector<1x1x16xf32> to vector<16xf32>
      %swap3A_1319 = vector.shape_cast %broadcast_in_dim3A_40 : vector<16xf32> to vector<1x1x16xf32>
      tpu.vector_store %arg5[%swap3A_1314, %swap3A_1315, %swap3A_1316], %swap3A_1319 {strides = array<i32>} : memref<3x256x128xf32, #tpu.memory_space<vmem>>, vector<1x1x16xf32>,
      %swap3A_1320 = arith.constant 1 : i32
      %swap3A_1321 = arith.index_cast %swap3A_1320 : i32 to index
      %swap3A_1322 = arith.index_cast %add3A_1313 : i32 to index
      %swap3A_1323 = arith.constant 16 : index
      %swap3A_1324 = tpu.vector_load %arg5[%swap3A_1321, %swap3A_1322, %swap3A_1323] {strides = array<i32>} : memref<3x256x128xf32, #tpu.memory_space<vmem>>, vector<1x1x16xf32>,
      %swap3A_1325 = vector.shape_cast %swap3A_1324 : vector<1x1x16xf32> to vector<16xf32>
      %swap3A_1326 = vector.shape_cast %broadcast_in_dim3A_40 : vector<16xf32> to vector<1x1x16xf32>
      tpu.vector_store %arg5[%swap3A_1321, %swap3A_1322, %swap3A_1323], %swap3A_1326 {strides = array<i32>} : memref<3x256x128xf32, #tpu.memory_space<vmem>>, vector<1x1x16xf32>,
      %swap3A_1327 = arith.constant 1 : i32
      %swap3A_1328 = arith.index_cast %swap3A_1327 : i32 to index
      %swap3A_1329 = arith.index_cast %add3A_1313 : i32 to index
      %swap3A_1330 = arith.constant 32 : index
      %swap3A_1331 = tpu.vector_load %arg5[%swap3A_1328, %swap3A_1329, %swap3A_1330] {strides = array<i32>} : memref<3x256x128xf32, #tpu.memory_space<vmem>>, vector<1x1x16xf32>,
      %swap3A_1332 = vector.shape_cast %swap3A_1331 : vector<1x1x16xf32> to vector<16xf32>
      %swap3A_1333 = vector.shape_cast %broadcast_in_dim3A_40 : vector<16xf32> to vector<1x1x16xf32>
      tpu.vector_store %arg5[%swap3A_1328, %swap3A_1329, %swap3A_1330], %swap3A_1333 {strides = array<i32>} : memref<3x256x128xf32, #tpu.memory_space<vmem>>, vector<1x1x16xf32>,
      %swap3A_1334 = arith.constant 1 : i32
      %swap3A_1335 = arith.index_cast %swap3A_1334 : i32 to index
      %swap3A_1336 = arith.index_cast %add3A_1313 : i32 to index
      %swap3A_1337 = arith.constant 48 : index
      %swap3A_1338 = tpu.vector_load %arg5[%swap3A_1335, %swap3A_1336, %swap3A_1337] {strides = array<i32>} : memref<3x256x128xf32, #tpu.memory_space<vmem>>, vector<1x1x16xf32>,
      %swap3A_1339 = vector.shape_cast %swap3A_1338 : vector<1x1x16xf32> to vector<16xf32>
      %swap3A_1340 = vector.shape_cast %broadcast_in_dim3A_40 : vector<16xf32> to vector<1x1x16xf32>
      tpu.vector_store %arg5[%swap3A_1335, %swap3A_1336, %swap3A_1337], %swap3A_1340 {strides = array<i32>} : memref<3x256x128xf32, #tpu.memory_space<vmem>>, vector<1x1x16xf32>,
      %swap3A_1341 = arith.constant 1 : i32
      %swap3A_1342 = arith.index_cast %swap3A_1341 : i32 to index
      %swap3A_1343 = arith.index_cast %add3A_1313 : i32 to index
      %swap3A_1344 = arith.constant 64 : index
      %swap3A_1345 = tpu.vector_load %arg5[%swap3A_1342, %swap3A_1343, %swap3A_1344] {strides = array<i32>} : memref<3x256x128xf32, #tpu.memory_space<vmem>>, vector<1x1x16xf32>,
      %swap3A_1346 = vector.shape_cast %swap3A_1345 : vector<1x1x16xf32> to vector<16xf32>
      %swap3A_1347 = vector.shape_cast %broadcast_in_dim3A_40 : vector<16xf32> to vector<1x1x16xf32>
      tpu.vector_store %arg5[%swap3A_1342, %swap3A_1343, %swap3A_1344], %swap3A_1347 {strides = array<i32>} : memref<3x256x128xf32, #tpu.memory_space<vmem>>, vector<1x1x16xf32>,
      %swap3A_1348 = arith.constant 1 : i32
      %swap3A_1349 = arith.index_cast %swap3A_1348 : i32 to index
      %swap3A_1350 = arith.index_cast %add3A_1313 : i32 to index
      %swap3A_1351 = arith.constant 80 : index
      %swap3A_1352 = tpu.vector_load %arg5[%swap3A_1349, %swap3A_1350, %swap3A_1351] {strides = array<i32>} : memref<3x256x128xf32, #tpu.memory_space<vmem>>, vector<1x1x16xf32>,
      %swap3A_1353 = vector.shape_cast %swap3A_1352 : vector<1x1x16xf32> to vector<16xf32>
      %swap3A_1354 = vector.shape_cast %broadcast_in_dim3A_40 : vector<16xf32> to vector<1x1x16xf32>
      tpu.vector_store %arg5[%swap3A_1349, %swap3A_1350, %swap3A_1351], %swap3A_1354 {strides = array<i32>} : memref<3x256x128xf32, #tpu.memory_space<vmem>>, vector<1x1x16xf32>,
      %swap3A_1355 = arith.constant 1 : i32
      %swap3A_1356 = arith.index_cast %swap3A_1355 : i32 to index
      %swap3A_1357 = arith.index_cast %add3A_1313 : i32 to index
      %swap3A_1358 = arith.constant 96 : index
      %swap3A_1359 = tpu.vector_load %arg5[%swap3A_1356, %swap3A_1357, %swap3A_1358] {strides = array<i32>} : memref<3x256x128xf32, #tpu.memory_space<vmem>>, vector<1x1x16xf32>,
      %swap3A_1360 = vector.shape_cast %swap3A_1359 : vector<1x1x16xf32> to vector<16xf32>
      %swap3A_1361 = vector.shape_cast %broadcast_in_dim3A_40 : vector<16xf32> to vector<1x1x16xf32>
      tpu.vector_store %arg5[%swap3A_1356, %swap3A_1357, %swap3A_1358], %swap3A_1361 {strides = array<i32>} : memref<3x256x128xf32, #tpu.memory_space<vmem>>, vector<1x1x16xf32>,
      %swap3A_1362 = arith.constant 1 : i32
      %swap3A_1363 = arith.index_cast %swap3A_1362 : i32 to index
      %swap3A_1364 = arith.index_cast %add3A_1313 : i32 to index
      %swap3A_1365 = arith.constant 112 : index
      %swap3A_1366 = tpu.vector_load %arg5[%swap3A_1363, %swap3A_1364, %swap3A_1365] {strides = array<i32>} : memref<3x256x128xf32, #tpu.memory_space<vmem>>, vector<1x1x16xf32>,
      %swap3A_1367 = vector.shape_cast %swap3A_1366 : vector<1x1x16xf32> to vector<16xf32>
      %swap3A_1368 = vector.shape_cast %broadcast_in_dim3A_40 : vector<16xf32> to vector<1x1x16xf32>
      tpu.vector_store %arg5[%swap3A_1363, %swap3A_1364, %swap3A_1365], %swap3A_1368 {strides = array<i32>} : memref<3x256x128xf32, #tpu.memory_space<vmem>>, vector<1x1x16xf32>,
      %while3A_1369 = arith.constant 0 : i32
      scf.yield %while3A_1369 : i32
    }
    %add3A_1235 = arith.constant 1792 : i32
    %add3A_1236 = arith.addi %mul3A_32, %add3A_1235 : i32
    %dma_start3A_1237 = arith.constant 1 : i32
    %dma_start3A_1238 = arith.constant 1 : i32
    %dma_start3A_1239 = arith.constant 0 : i32
    %dma_start3A_1240 = arith.constant 0 : i32
    %dma_start3A_1241 = tpu.memref_slice %arg5[%dma_start3A_1237, %dma_start3A_1239, %dma_start3A_1240] : memref<3x256x128xf32, #tpu.memory_space<vmem>> -> memref<1x256x128xf32, #tpu.memory_space<vmem>>
    %dma_start3A_1242 = tpu.memref_squeeze %dma_start3A_1241 : memref<1x256x128xf32, #tpu.memory_space<vmem>> -> memref<256x128xf32, #tpu.memory_space<vmem>>
    %dma_start3A_1243 = arith.constant 0 : i32
    %dma_start3A_1244 = tpu.memref_slice %arg4[%select_n3A, %add3A_1236, %dma_start3A_1243] : memref<16x4096x128xf32, #tpu.memory_space<hbm>> -> memref<1x256x128xf32, #tpu.memory_space<hbm>>
    %dma_start3A_1245 = tpu.memref_squeeze %dma_start3A_1244 : memref<1x256x128xf32, #tpu.memory_space<hbm>> -> memref<256x128xf32, #tpu.memory_space<hbm>>
    %dma_start3A_1246 = tpu.memref_slice %arg8[%dma_start3A_1238] : memref<3x!tpu.dma_semaphore, #tpu.memory_space<semaphore_mem>> -> memref<1x!tpu.dma_semaphore, #tpu.memory_space<semaphore_mem>>
    %dma_start3A_1247 = tpu.memref_squeeze %dma_start3A_1246 : memref<1x!tpu.dma_semaphore, #tpu.memory_space<semaphore_mem>> -> memref<!tpu.dma_semaphore, #tpu.memory_space<semaphore_mem>>
    %dma_start3A_1248 = arith.constant 0 : i32
    %dma_start3A_1249 = tpu.memref_slice %arg4[%select_n3A, %add3A_1236, %dma_start3A_1248] : memref<16x4096x128xf32, #tpu.memory_space<hbm>> -> memref<1x256x128xf32, #tpu.memory_space<hbm>>
    %dma_start3A_1250 = tpu.memref_squeeze %dma_start3A_1249 : memref<1x256x128xf32, #tpu.memory_space<hbm>> -> memref<256x128xf32, #tpu.memory_space<hbm>>
    %dma_start3A_1251 = arith.constant 0 : i32
    %dma_start3A_1252 = arith.constant 0 : i32
    %dma_start3A_1253 = tpu.memref_slice %arg5[%dma_start3A_1237, %dma_start3A_1251, %dma_start3A_1252] : memref<3x256x128xf32, #tpu.memory_space<vmem>> -> memref<1x256x128xf32, #tpu.memory_space<vmem>>
    %dma_start3A_1254 = tpu.memref_squeeze %dma_start3A_1253 : memref<1x256x128xf32, #tpu.memory_space<vmem>> -> memref<256x128xf32, #tpu.memory_space<vmem>>
    tpu.enqueue_dma source(%dma_start3A_1254 : memref<256x128xf32, #tpu.memory_space<vmem>>) target(%dma_start3A_1250 : memref<256x128xf32, #tpu.memory_space<hbm>>) target_semaphore(%dma_start3A_1247 : memref<!tpu.dma_semaphore, #tpu.memory_space<semaphore_mem>>)
    %dma_wait3A_1255 = arith.constant 2 : i32
    %dma_wait3A_1256 = arith.constant 2 : i32
    %dma_wait3A_1257 = arith.constant 0 : i32
    %dma_wait3A_1258 = arith.constant 0 : i32
    %dma_wait3A_1259 = tpu.memref_slice %arg5[%dma_wait3A_1255, %dma_wait3A_1257, %dma_wait3A_1258] : memref<3x256x128xf32, #tpu.memory_space<vmem>> -> memref<1x256x128xf32, #tpu.memory_space<vmem>>
    %dma_wait3A_1260 = tpu.memref_squeeze %dma_wait3A_1259 : memref<1x256x128xf32, #tpu.memory_space<vmem>> -> memref<256x128xf32, #tpu.memory_space<vmem>>
    %dma_wait3A_1261 = arith.constant 0 : i32
    %dma_wait3A_1262 = tpu.memref_slice %arg4[%select_n3A, %add3A_956, %dma_wait3A_1261] : memref<16x4096x128xf32, #tpu.memory_space<hbm>> -> memref<1x256x128xf32, #tpu.memory_space<hbm>>
    %dma_wait3A_1263 = tpu.memref_squeeze %dma_wait3A_1262 : memref<1x256x128xf32, #tpu.memory_space<hbm>> -> memref<256x128xf32, #tpu.memory_space<hbm>>
    %dma_wait3A_1264 = tpu.memref_slice %arg8[%dma_wait3A_1256] : memref<3x!tpu.dma_semaphore, #tpu.memory_space<semaphore_mem>> -> memref<1x!tpu.dma_semaphore, #tpu.memory_space<semaphore_mem>>
    %dma_wait3A_1265 = tpu.memref_squeeze %dma_wait3A_1264 : memref<1x!tpu.dma_semaphore, #tpu.memory_space<semaphore_mem>> -> memref<!tpu.dma_semaphore, #tpu.memory_space<semaphore_mem>>
    %dma_wait3A_1266 = arith.constant 0 : i32
    %dma_wait3A_1267 = tpu.memref_slice %arg4[%select_n3A, %add3A_956, %dma_wait3A_1266] : memref<16x4096x128xf32, #tpu.memory_space<hbm>> -> memref<1x256x128xf32, #tpu.memory_space<hbm>>
    %dma_wait3A_1268 = tpu.memref_squeeze %dma_wait3A_1267 : memref<1x256x128xf32, #tpu.memory_space<hbm>> -> memref<256x128xf32, #tpu.memory_space<hbm>>
    %dma_wait3A_1269 = arith.constant 0 : i32
    %dma_wait3A_1270 = arith.constant 0 : i32
    %dma_wait3A_1271 = tpu.memref_slice %arg5[%dma_wait3A_1255, %dma_wait3A_1269, %dma_wait3A_1270] : memref<3x256x128xf32, #tpu.memory_space<vmem>> -> memref<1x256x128xf32, #tpu.memory_space<vmem>>
    %dma_wait3A_1272 = tpu.memref_squeeze %dma_wait3A_1271 : memref<1x256x128xf32, #tpu.memory_space<vmem>> -> memref<256x128xf32, #tpu.memory_space<vmem>>
    tpu.wait_dma2 semaphore(%dma_wait3A_1265 : memref<!tpu.dma_semaphore, #tpu.memory_space<semaphore_mem>>) src(%dma_wait3A_1272 : memref<256x128xf32, #tpu.memory_space<vmem>>) dst(%dma_wait3A_1268 : memref<256x128xf32, #tpu.memory_space<hbm>>)
    %dma_wait3A_1273 = arith.constant 0 : i32
    %dma_wait3A_1274 = arith.constant 0 : i32
    %dma_wait3A_1275 = arith.constant 0 : i32
    %dma_wait3A_1276 = arith.constant 0 : i32
    %dma_wait3A_1277 = tpu.memref_slice %arg5[%dma_wait3A_1273, %dma_wait3A_1275, %dma_wait3A_1276] : memref<3x256x128xf32, #tpu.memory_space<vmem>> -> memref<1x256x128xf32, #tpu.memory_space<vmem>>
    %dma_wait3A_1278 = tpu.memref_squeeze %dma_wait3A_1277 : memref<1x256x128xf32, #tpu.memory_space<vmem>> -> memref<256x128xf32, #tpu.memory_space<vmem>>
    %dma_wait3A_1279 = arith.constant 0 : i32
    %dma_wait3A_1280 = tpu.memref_slice %arg4[%select_n3A, %add3A_1115, %dma_wait3A_1279] : memref<16x4096x128xf32, #tpu.memory_space<hbm>> -> memref<1x256x128xf32, #tpu.memory_space<hbm>>
    %dma_wait3A_1281 = tpu.memref_squeeze %dma_wait3A_1280 : memref<1x256x128xf32, #tpu.memory_space<hbm>> -> memref<256x128xf32, #tpu.memory_space<hbm>>
    %dma_wait3A_1282 = tpu.memref_slice %arg8[%dma_wait3A_1274] : memref<3x!tpu.dma_semaphore, #tpu.memory_space<semaphore_mem>> -> memref<1x!tpu.dma_semaphore, #tpu.memory_space<semaphore_mem>>
    %dma_wait3A_1283 = tpu.memref_squeeze %dma_wait3A_1282 : memref<1x!tpu.dma_semaphore, #tpu.memory_space<semaphore_mem>> -> memref<!tpu.dma_semaphore, #tpu.memory_space<semaphore_mem>>
    %dma_wait3A_1284 = arith.constant 0 : i32
    %dma_wait3A_1285 = tpu.memref_slice %arg4[%select_n3A, %add3A_1115, %dma_wait3A_1284] : memref<16x4096x128xf32, #tpu.memory_space<hbm>> -> memref<1x256x128xf32, #tpu.memory_space<hbm>>
    %dma_wait3A_1286 = tpu.memref_squeeze %dma_wait3A_1285 : memref<1x256x128xf32, #tpu.memory_space<hbm>> -> memref<256x128xf32, #tpu.memory_space<hbm>>
    %dma_wait3A_1287 = arith.constant 0 : i32
    %dma_wait3A_1288 = arith.constant 0 : i32
    %dma_wait3A_1289 = tpu.memref_slice %arg5[%dma_wait3A_1273, %dma_wait3A_1287, %dma_wait3A_1288] : memref<3x256x128xf32, #tpu.memory_space<vmem>> -> memref<1x256x128xf32, #tpu.memory_space<vmem>>
    %dma_wait3A_1290 = tpu.memref_squeeze %dma_wait3A_1289 : memref<1x256x128xf32, #tpu.memory_space<vmem>> -> memref<256x128xf32, #tpu.memory_space<vmem>>
    tpu.wait_dma2 semaphore(%dma_wait3A_1283 : memref<!tpu.dma_semaphore, #tpu.memory_space<semaphore_mem>>) src(%dma_wait3A_1290 : memref<256x128xf32, #tpu.memory_space<vmem>>) dst(%dma_wait3A_1286 : memref<256x128xf32, #tpu.memory_space<hbm>>)
    %dma_wait3A_1291 = arith.constant 1 : i32
    %dma_wait3A_1292 = arith.constant 1 : i32
    %dma_wait3A_1293 = arith.constant 0 : i32
    %dma_wait3A_1294 = arith.constant 0 : i32
    %dma_wait3A_1295 = tpu.memref_slice %arg5[%dma_wait3A_1291, %dma_wait3A_1293, %dma_wait3A_1294] : memref<3x256x128xf32, #tpu.memory_space<vmem>> -> memref<1x256x128xf32, #tpu.memory_space<vmem>>
    %dma_wait3A_1296 = tpu.memref_squeeze %dma_wait3A_1295 : memref<1x256x128xf32, #tpu.memory_space<vmem>> -> memref<256x128xf32, #tpu.memory_space<vmem>>
    %dma_wait3A_1297 = arith.constant 0 : i32
    %dma_wait3A_1298 = tpu.memref_slice %arg4[%select_n3A, %add3A_1236, %dma_wait3A_1297] : memref<16x4096x128xf32, #tpu.memory_space<hbm>> -> memref<1x256x128xf32, #tpu.memory_space<hbm>>
    %dma_wait3A_1299 = tpu.memref_squeeze %dma_wait3A_1298 : memref<1x256x128xf32, #tpu.memory_space<hbm>> -> memref<256x128xf32, #tpu.memory_space<hbm>>
    %dma_wait3A_1300 = tpu.memref_slice %arg8[%dma_wait3A_1292] : memref<3x!tpu.dma_semaphore, #tpu.memory_space<semaphore_mem>> -> memref<1x!tpu.dma_semaphore, #tpu.memory_space<semaphore_mem>>
    %dma_wait3A_1301 = tpu.memref_squeeze %dma_wait3A_1300 : memref<1x!tpu.dma_semaphore, #tpu.memory_space<semaphore_mem>> -> memref<!tpu.dma_semaphore, #tpu.memory_space<semaphore_mem>>
    %dma_wait3A_1302 = arith.constant 0 : i32
    %dma_wait3A_1303 = tpu.memref_slice %arg4[%select_n3A, %add3A_1236, %dma_wait3A_1302] : memref<16x4096x128xf32, #tpu.memory_space<hbm>> -> memref<1x256x128xf32, #tpu.memory_space<hbm>>
    %dma_wait3A_1304 = tpu.memref_squeeze %dma_wait3A_1303 : memref<1x256x128xf32, #tpu.memory_space<hbm>> -> memref<256x128xf32, #tpu.memory_space<hbm>>
    %dma_wait3A_1305 = arith.constant 0 : i32
    %dma_wait3A_1306 = arith.constant 0 : i32
    %dma_wait3A_1307 = tpu.memref_slice %arg5[%dma_wait3A_1291, %dma_wait3A_1305, %dma_wait3A_1306] : memref<3x256x128xf32, #tpu.memory_space<vmem>> -> memref<1x256x128xf32, #tpu.memory_space<vmem>>
    %dma_wait3A_1308 = tpu.memref_squeeze %dma_wait3A_1307 : memref<1x256x128xf32, #tpu.memory_space<vmem>> -> memref<256x128xf32, #tpu.memory_space<vmem>>
    tpu.wait_dma2 semaphore(%dma_wait3A_1301 : memref<!tpu.dma_semaphore, #tpu.memory_space<semaphore_mem>>) src(%dma_wait3A_1308 : memref<256x128xf32, #tpu.memory_space<vmem>>) dst(%dma_wait3A_1304 : memref<256x128xf32, #tpu.memory_space<hbm>>)
    return
  }
}

</mosaic_0001>

<sc_bundles>
// kernel: kernel.3.cloned.1.call-start
scs
__scs_entry_jumppad:
0x0: {  	(pc) =	sbr.rel $0x88, $3  }
0x1: {  	(tag) =	ssettag $0x0;
	lr =	simm.s32 $0x1  }
0x2: {  	[smem:$0x3F9F] =	sst lr;
	_ =	strace $0xD0000000  }
0x3: {  	_ = 	snop  }
0x4: {  	_ = 	snop  }
0x5: {  	_ = 	snop  }
0x6: {  	_ = 	snop  }
0x7: {  	_ = 	snop  }
__scs_overlays_trampoline_lowered:
0x8: {  	[smem:$0x3FAE] =	sst s0  }
0x9: {  	[smem:$0x3FAF] =	sst s1  }
0xa: {  	[smem:$0x3FB0] =	sst s2  }
0xb: {  	[smem:$0x3FB1] =	sst s3  }
0xc: {  	[smem:$0x3FB2] =	sst s4  }
0xd: {  	[smem:$0x3FB3] =	sst s5  }
0xe: {  	[smem:$0x3FB4] =	sst s6  }
0xf: {  	[smem:$0x3FB5] =	sst s7  }
0x10: {  	[smem:$0x3FB6] =	sst s8  }
0x11: {  	[smem:$0x3FB7] =	sst s9;
	s0 =	simm.s32 @!p0 $0x0  }
0x12: {  	s1 =	sld [smem:$0x3F9D];
	s0 =	simm.s32 @p0 $0x1  }
0x13: {  	[smem:$0x3FB8] =	sst s0;
	s0 =	simm.s32 @!p1 $0x0  }
0x14: {  	s2 =	sld [smem:$0x3F9C];
	s0 =	simm.s32 @p1 $0x1  }
0x15: {  	[smem:$0x3FB9] =	sst s0;
	s0 =	simm.s32 @!p2 $0x0  }
0x16: {  	s3 =	sld [smem:$0x3FDB];
	s0 =	simm.s32 @p2 $0x1  }
0x17: {  	s4 =	simm.s32 $0x1BF5;
	[smem:$0x3FBB] =	sst s0  }
0x18: {  	s0 =	sld [smem:$0x3F9E];
	_ =	swait.ge [sflag:s4], $0x0  }
0x19: {  	s7 =	sld [smem:$0x3F9F]  }
0x1a: {  	s8 =	sadd.s32 $0xFFFFE003, lr  }
0x1b: {  	s9 =	sadd.s32 $0xFFFFFEF7, lr;
	s5 =	simm.s32 $0xFFFFFFFF;
	p2 =	slt.u32 s8, $0xFFFFF086  }
0x1c: {  	p1 =	slt.u32 s9, $0xF7A;
	s5 =	simm.s32 @!p2 $0x0  }
0x1d: {  	s5 =	simm.s32 @p1 $0x1;
	p0 =	seq.s32 s7, s2  }
0x1e: {  	s7 =	smul.u32 @!p0 $0xF7A, s2;
	p2 =	seq.s32 @!p0 s5, $0x0  }
0x1f: {  	s9 =	smul.u32 $0xF7A, s1;
	s8 =	simm.s32 @!p0 $0x1BF5;
	p2 =	por !p2, p0  }
0x20: {  	[sflag:s8] =	ssyncset.s32 @!p0 $0xFFFFF086;
	s6 =	sadd.s32 @!p0 s3, s7;
	s7 =	simm.s32 @!p0 $0x108  }
0x21: {  	s3 =	sadd.s32 s3, s9;
	s6 =	sadd.s32 @!p0 $0x88, s6;
	s7 =	simm.s32 @p2 $0x1082  }
0x22: {  	[simem:s7], [sflag:s8] =	dma.local @!p0 [hbm:s6], $0xF7A  }
0x23: {  	s9 =	sor.u32 $0xD0000000, s2;
	s6 =	simm.s32 $0x108;
	_ =	swait.ge @!p0 [sflag:s8], $0x0  }
0x24: {  	s3 =	sadd.s32 $0x88, s3;
	s6 =	simm.s32 @!p1 $0x1082;
	[sflag:s4] =	ssyncset.s32 $0xFFFFF086  }
0x25: {  	[simem:s6], [sflag:s4] =	dma.local [hbm:s3], $0xF7A  }
0x26: {  	[smem:$0x3F9F] =	sst s1;
	(tag) =	ssettag s2;
	_ =	strace s9  }
0x27: {  	s1 =	sld [smem:$0x3FAF]  }
0x28: {  	s2 =	sld [smem:$0x3FB0]  }
0x29: {  	s4 =	sld [smem:$0x3FB2]  }
0x2a: {  	p0 =	seq.s32 s5, $0x0;
	s5 =	sld [smem:$0x3FB3]  }
0x2b: {  	s6 =	sld [smem:$0x3FB4]  }
0x2c: {  	s7 =	sld [smem:$0x3FB5]  }
0x2d: {  	s3 =	simm.s32 $0x108;
	s8 =	sld [smem:$0x3FB6]  }
0x2e: {  	s3 =	simm.s32 @!p0 $0x1082;
	s9 =	sld [smem:$0x3FB7]  }
0x2f: {  	lr =	sadd.s32 s0, s3;
	s0 =	sld [smem:$0x3FAE]  }
0x30: {  	s3 =	sld [smem:$0x3FB1]  }
0x31: {  	[smem:$0x3FBA] =	sst s10  }
0x32: {  	s10 =	sld [smem:$0x3FB8];
	_ =	sdelay $0x3  }
0x33: {  	p0 =	seq.s32 s10, $0x1;
	s10 =	sld [smem:$0x3FBA];
	_ =	sdelay $0x3  }
0x34: {  	[smem:$0x3FBA] =	sst s10  }
0x35: {  	s10 =	sld [smem:$0x3FB9];
	_ =	sdelay $0x3  }
0x36: {  	p1 =	seq.s32 s10, $0x1;
	s10 =	sld [smem:$0x3FBA];
	_ =	sdelay $0x3  }
0x37: {  	[smem:$0x3FBA] =	sst s10  }
0x38: {  	s10 =	sld [smem:$0x3FBB]  }
0x39: {  	_ = 	snop;
	(pc) =	sbr.ind lr, $3  }
0x3a: {  	_ = 	snop  }
0x3b: {  	_ = 	snop  }
0x3c: {  	p2 =	seq.s32 s10, $0x1;
	s10 =	sld [smem:$0x3FBA]  }
0x3d: {  	_ =	shalt  }
0x3e: {  	_ =	shalt  }
0x3f: {  	_ =	shalt  }
0x40: {  	_ =	shalt  }
0x41: {  	_ =	shalt  }
0x42: {  	_ =	shalt  }
0x43: {  	_ =	shalt  }
0x44: {  	_ =	shalt  }
0x45: {  	_ =	shalt  }
0x46: {  	_ =	shalt  }
0x47: {  	_ =	shalt  }
0x48: {  	_ =	shalt  }
0x49: {  	_ =	shalt  }
0x4a: {  	_ =	shalt  }
0x4b: {  	_ =	shalt  }
0x4c: {  	_ =	shalt  }
0x4d: {  	_ =	shalt  }
0x4e: {  	_ =	shalt  }
0x4f: {  	_ =	shalt  }
0x50: {  	_ =	shalt  }
0x51: {  	_ =	shalt  }
0x52: {  	_ =	shalt  }
0x53: {  	_ =	shalt  }
0x54: {  	_ =	shalt  }
0x55: {  	_ =	shalt  }
0x56: {  	_ =	shalt  }
0x57: {  	_ =	shalt  }
0x58: {  	_ =	shalt  }
0x59: {  	_ =	shalt  }
0x5a: {  	_ =	shalt  }
0x5b: {  	_ =	shalt  }
0x5c: {  	_ =	shalt  }
0x5d: {  	_ =	shalt  }
0x5e: {  	_ =	shalt  }
0x5f: {  	_ =	shalt  }
0x60: {  	_ =	shalt  }
0x61: {  	_ =	shalt  }
0x62: {  	_ =	shalt  }
0x63: {  	_ =	shalt  }
0x64: {  	_ =	shalt  }
0x65: {  	_ =	shalt  }
0x66: {  	_ =	shalt  }
0x67: {  	_ =	shalt  }
0x68: {  	_ =	shalt  }
0x69: {  	_ =	shalt  }
0x6a: {  	_ =	shalt  }
0x6b: {  	_ =	shalt  }
0x6c: {  	_ =	shalt  }
0x6d: {  	_ =	shalt  }
0x6e: {  	_ =	shalt  }
0x6f: {  	_ =	shalt  }
0x70: {  	_ =	shalt  }
0x71: {  	_ =	shalt  }
0x72: {  	_ =	shalt  }
0x73: {  	_ =	shalt  }
0x74: {  	_ =	shalt  }
0x75: {  	_ =	shalt  }
0x76: {  	_ =	shalt  }
0x77: {  	_ =	shalt  }
0x78: {  	_ =	shalt  }
0x79: {  	_ =	shalt  }
0x7a: {  	_ =	shalt  }
0x7b: {  	_ =	shalt  }
0x7c: {  	_ =	shalt  }
0x7d: {  	_ =	shalt  }
0x7e: {  	_ =	shalt  }
0x7f: {  	_ =	shalt  }
0x80: {  	_ =	shalt  }
0x81: {  	_ =	shalt  }
0x82: {  	_ =	shalt  }
0x83: {  	_ =	shalt  }
0x84: {  	_ =	shalt  }
0x85: {  	_ =	shalt  }
0x86: {  	_ =	shalt  }
0x87: {  	_ =	shalt  }
.Lfunc_end0:
.L_simem_size_0:
called_computation_lowered:
.L_overlay_start_0:
0x88: {  	s2 =	sld [smem:$0x3FD9]  }
0x89: {  	s3 =	sld [smem:$0x3FFE];
	_ =	sdelay $0x1  }
0x8a: {  	s1 =	srdreg.scid  }
0x8b: {  	s0 =	sand.u32 $0x1, s1  }
0x8c: {  	s15 =	sshll.u32 s0, $0xA;
	s2 =	sadd.s32 s3, s2  }
0x8d: {  	s2 =	sadd.s32 s2, s15  }
0x8e: {  	[smem:$0x3FC6] =	sst s2  }
0x8f: {  	_ = 	snop  }
0x90: {  	s2 =	sld [smem:$0x3FD0];
	_ =	sdelay $0x1  }
0x91: {  	s16 =	sld [smem:$0x3FC9]  }
0x92: {  	s5 =	simm.s32 $0xA;
	s6 =	simm.s32 $0x10;
	s4 =	sld [smem:$0x3FC8]  }
0x93: {  	[smem:s6], [sflag:s5] =	dma.local [hbm:s2], $0x1  }
0x94: {  	_ =	swait.eq [sflag:s5], $0x1  }
0x95: {  	[sflag:s5] =	ssyncset.done $0x0  }
0x96: {  	[sflag:s5] =	ssyncadd.s32 $0xFFFFFFFF  }
0x97: {  	s17 =	sld [smem:$0x10];
	(tm) =	ssettm $0x1  }
0x98: {  	s18 =	sld [smem:$0x3FFB];
	_ =	sdelay $0x3  }
0x99: {  	_ =	strace s18  }
0x9a: {  	s5 =	sld [smem:$0x3FFC];
	_ =	sdelay $0x3  }
0x9b: {  	_ =	strace s5  }
0x9c: {  	s5 =	sld [smem:$0x3FFD];
	_ =	sdelay $0x3  }
0x9d: {  	_ =	strace s5  }
0x9e: {  	_ =	strace $0x8FFFFFFF  }
0x9f: {  	s19 =	sld [smem:$0x3FDB];
	_ =	sdelay $0x1  }
0xa0: {  	s20 =	simm.s32 $_scs_section_size  }
0xa1: {  	s7 =	simm.s32 $_size__tile_overlayer_lowered;
	s8 =	simm.s32 $_tile_overlayer_lowered  }
0xa2: {  	s23 =	simm.s32 $0x1BFF;
	s22 =	sshll.u32 s8, $0x1;
	s5 =	sadd.s32 s20, s19  }
0xa3: {  	s9 =	simm.s32 $0x0;
	s21 =	sshll.u32 s7, $0x1;
	s7 =	sadd.s32 s22, s5  }
0xa4: {  	[timem:s9], [sflag:s23] =	dma.local [hbm:s7], s21  }
0xa5: {  	_ =	swait.ge [sflag:s23], s21  }
0xa6: {  	s6 =	ssub.s32 $0x0, s21;
	[sflag:s23] =	ssyncset.done $0x0  }
0xa7: {  	[sflag:s23] =	ssyncadd.s32 s6;
	_ =	sdelay $0x1  }
0xa8: {  	s24 =	simm.s32 $0x1B8B  }
0xa9: {  	_ =	swait.ge [sflag:s24], $0x1  }
0xaa: {  	[sflag:s24] =	ssyncset.done $0x0  }
0xab: {  	s25 =	simm.s32 $0x1B8E;
	[sflag:s24] =	ssyncadd.s32 $0xFFFFFFFF  }
0xac: {  	s26 =	simm.s32 $execute0_lowered;
	[smem:$0x3FD2] =	sst s25  }
0xad: {  	s6 =	sshll.u32 s26, $0x1;
	_ =	strace $0x80000046;
	[dreg:$0x1] =	wrdreg $0xFFFFFFFF  }
0xae: {  	s28 =	simm.s32 $_size_execute0_lowered;
	s5 =	sadd.s32 s5, s6;
	[dreg:$0x0] =	wrdreg $0x0  }
0xaf: {  	s6 =	sshll.u32 s28, $0x1;
	[dreg:$0x2] =	wrdreg s5  }
0xb0: {  	[dreg:$0x3] =	wrdreg s6  }
0xb1: {  	[dreg:$0x4] =	wrdreg $0xC0  }
0xb2: {  	_ =	task [dreg:s9], $0x5FFFF  }
0xb3: {  	[dreg:$0x1] =	wrdreg $0xFFFFFFFF  }
0xb4: {  	[dreg:$0x0] =	wrdreg $0x60  }
0xb5: {  	[dreg:$0x2] =	wrdreg s16  }
0xb6: {  	[dreg:$0x3] =	wrdreg s4  }
0xb7: {  	[dreg:$0x4] =	wrdreg s17  }
0xb8: {  	[dreg:$0x5] =	wrdreg $0x9  }
0xb9: {  	_ =	task.clear_ibuf [dreg:s9], $0x6FFFF;
	_ =	strace $0x90000046  }
0xba: {  	s29 =	simm.s32 $0x9;
	_ =	strace $0x80000048  }
0xbb: {  	_ =	swait.ge [sflag:s29], $0x1  }
0xbc: {  	[sflag:s29] =	ssyncadd.s32 $0xFFFFFFFF  }
0xbd: {  	_ =	strace $0x90000048  }
0xbe: {  	_ =	sfence  }
0xbf: {  	s30 =	sld [smem:$0x0];
	_ =	sdelay $0x2  }
0xc0: {  	s31 =	sshll.u32 s1, $0xD;
	s1 =	sshrl.u32 s1, $0x2  }
0xc1: {  	s3 =	sand.u32 $0x4000, s31;
	s1 =	sadd.s32 s1, s30  }
0xc2: {  	s0 =	sor.u32 s3, s0;
	s1 =	sshll.u32 s1, $0x11  }
0xc3: {  	s0 =	sor.u32 s1, s0  }
0xc4: {  	s0 =	sadd.s32 $0x8F2B, s0  }
0xc5: {  	[sflag:s0] =	ssyncadd.remote.s32 $0x1  }
0xc6: {  	_ =	sfence.sel $0xFFFF  }
0xc7: {  	[dreg:$0x0] =	wrdreg $0xFFFFFFFF;
	(pc) =	sbr.abs _section_cstart, $3  }
0xc8: {  	[dreg:$0x1] =	wrdreg $0xFFFFFFFF  }
0xc9: {  	_ =	task.clear_ibuf [dreg:s9], $0x2FFFF;
	_ =	strace $0x9FFFFFFF  }
0xca: {  	(tm) =	ssettm $0x7FFFFFFF  }
0xcb: {  	_ =	shalt  }
tec
execute0_lowered:
.L_overlay_start_1:
0x0: {  	(tag) =	ssettag $0x1  }
0x1: {  	s0 =	srdreg.scid  }
0x2: {  	s6 =	stileid.u32;
	s2 =	simm.s32 $0x1;
	s0 =	sand.u32 $0x1, s0  }
0x3: {  	s3 =	rddreg [dreg:$0x2];
	s1 =	sor.u32 s0, s6;
	p1 =	seq.s32 s0, $0x1  }
0x4: {  	s4 =	ssub.s32 $0x2, s0;
	s9 =	smul.u32 $0xCCD000, s0;
	p0 =	seq.s32 s1, $0x0  }
0x5: {  	s8 =	ssub.s32 $0x0, s0;
	s7 =	sshll.u32 s0, $0x12;
	p0 =	por !p0, !p1  }
0x6: {  	s1 =	rddreg [dreg:$0x0];
	s9 =	sshrl.u32 s9, $0x10;
	p0 =	por !p0, !p0  }
0x7: {  	s5 =	sshrl.u32 s4, $0x1;
	s13 =	smul.u32 $0xA, s9;
	s2 =	simm.s32 @!p0 $0x0  }
0x8: {  	s6 =	ssub.s32 s6, s2;
	s2 =	sshll.u32 s0, $0xB;
	s0 =	ssub.s32 s4, s5  }
0x9: {  	[dreg:$0x4] =	wrdreg s6;
	s6 =	sshll.u32 s6, $0x13;
	s11 =	sor.u32 $0x100, s2  }
0xa: {  	s12 =	sor.u32 $0x200, s2;
	s13 =	ssub.s32 s13, s2;
	s15 =	sor.u32 $0x300, s2  }
0xb: {  	s26 =	sor.u32 $0x400, s2;
	s0 =	smax.u32 s0, $0x1;
	s19 =	smul.u32 $0x199A, s11  }
0xc: {  	s7 =	sor.u32 s7, s6;
	s21 =	sshll.u32 s11, $0x7;
	s14 =	smul.u32 $0x199A, s12  }
0xd: {  	s10 =	sshll.u32 s12, $0x7;
	s24 =	smul.u32 $0x199A, s15;
	s13 =	sadd.s32 $0xA, s13  }
0xe: {  	s17 =	sshll.u32 s15, $0x7;
	s7 =	sshrl.u32 s7, $0x3;
	s5 =	sor.u32 s21, s6  }
0xf: {  	s22 =	sor.u32 s10, s6;
	s20 =	sadd.s32 s1, s7;
	s4 =	sshrl.u32 s19, $0x10  }
0x10: {  	s9 =	sshrl.u32 s5, $0x3;
	s10 =	sshrl.u32 s22, $0x3;
	s19 =	smul.u32 $0x199A, s26  }
0x11: {  	s23 =	sshrl.u32 s14, $0x10;
	s7 =	sadd.s32 s3, s7;
	s4 =	smul.u32 $0xA, s4  }
0x12: {  	[dreg:$0x5] =	wrdreg s20;
	s16 =	smul.u32 $0xA, s23;
	s20 =	sor.u32 $0x500, s2  }
0x13: {  	[dreg:$0x8] =	wrdreg s7;
	s21 =	sshrl.u32 s19, $0x10;
	s22 =	smul.u32 $0x199A, s20  }
0x14: {  	s23 =	sshll.u32 s20, $0x7;
	s19 =	sor.u32 $0x600, s2;
	s5 =	ssub.s32 s11, s4  }
0x15: {  	s4 =	sand.u32 s8, s13;
	s11 =	sshrl.u32 s24, $0x10;
	s8 =	ssub.s32 s12, s16  }
0x16: {  	s13 =	sor.u32 s17, s6;
	s17 =	sshll.u32 s26, $0x7;
	s25 =	sand.u32 $0xFFFE, s5  }
0x17: {  	s11 =	smul.u32 $0xA, s11;
	s18 =	sand.u32 $0xFFFE, s8;
	s17 =	sor.u32 s17, s6  }
0x18: {  	s16 =	sshrl.u32 s22, $0x10;
	s22 =	sshll.u32 s19, $0x7;
	s13 =	sshrl.u32 s13, $0x3  }
0x19: {  	s4 =	sand.u32 $0xFFFE, s4;
	p0 =	seq.s32 s25, $0x0;
	p1 =	seq.s32 s18, $0x0  }
0x1a: {  	s24 =	smul.u32 $0xA, s16;
	s16 =	sor.u32 s23, s6;
	s11 =	ssub.s32 s15, s11  }
0x1b: {  	s22 =	sor.u32 s22, s6;
	s15 =	smul.u32 $0xA, s21;
	s18 =	sand.u32 $0xFFFE, s11  }
0x1c: {  	s14 =	ssub.s32 s20, s24;
	s20 =	smul.u32 $0x199A, s19;
	p2 =	seq.s32 s18, $0x0  }
0x1d: {  	s12 =	ssub.s32 s26, s15;
	s15 =	sor.u32 $0x700, s2;
	s26 =	sand.u32 $0xFFFE, s14  }
0x1e: {  	s25 =	sand.u32 $0xFFFE, s12;
	s21 =	smul.u32 $0x199A, s15;
	p4 =	seq.s32 s26, $0x0  }
0x1f: {  	s23 =	sshrl.u32 s20, $0x10;
	s24 =	sshll.u32 s15, $0x7;
	s26 =	sadd.s32 s1, s9  }
0x20: {  	s9 =	sadd.s32 s3, s9;
	s20 =	sadd.s32 s3, s13;
	[dreg:$0x6] =	wrdreg s26  }
0x21: {  	p3 =	seq.s32 s25, $0x0;
	s18 =	smul.u32 $0xA, s23;
	[dreg:$0x9] =	wrdreg s9  }
0x22: {  	s6 =	sor.u32 s24, s6;
	s23 =	sadd.s32 s1, s10;
	[dreg:$0xc] =	wrdreg s20  }
0x23: {  	s26 =	sadd.s32 s1, s13;
	s21 =	sshrl.u32 s21, $0x10;
	[dreg:$0x7] =	wrdreg s23  }
0x24: {  	[dreg:$0xa] =	wrdreg s26;
	s18 =	ssub.s32 s19, s18;
	s19 =	sshrl.u32 s17, $0x3  }
0x25: {  	s6 =	sshrl.u32 s6, $0x3;
	s25 =	smul.u32 $0xA, s21;
	s23 =	sadd.s32 s1, s19  }
0x26: {  	s21 =	sshrl.u32 s16, $0x3;
	s9 =	sadd.s32 s3, s19;
	[dreg:$0xd] =	wrdreg s23  }
0x27: {  	s24 =	sand.u32 $0xFFFE, s18;
	s19 =	simm.s32 $0x0;
	[dreg:$0xe] =	wrdreg s9  }
0x28: {  	s7 =	ssub.s32 s15, s25;
	s15 =	sadd.s32 s3, s10;
	[smem:$0x7FF] =	sst s19  }
0x29: {  	p5 =	seq.s32 s24, $0x0;
	s10 =	sadd.s32 s3, s21;
	[dreg:$0xb] =	wrdreg s15  }
0x2a: {  	s24 =	sshrl.u32 s22, $0x3;
	s25 =	sand.u32 $0xFFFE, s7;
	[dreg:$0x10] =	wrdreg s10  }
0x2b: {  	s26 =	sadd.s32 s1, s24;
	s9 =	sadd.s32 s3, s24;
	s10 =	sadd.s32 s3, s6  }
0x2c: {  	s3 =	ssub.s32 $0xA, s8;
	s8 =	ssub.s32 $0xA, s14;
	[dreg:$0x11] =	wrdreg s26  }
0x2d: {  	s14 =	sshll.u32 s4, $0x7;
	p6 =	seq.s32 s25, $0x0;
	[dreg:$0x13] =	wrdreg s9  }
0x2e: {  	s25 =	sadd.s32 s1, s21;
	s1 =	sadd.s32 s1, s6;
	[dreg:$0x14] =	wrdreg s10  }
0x2f: {  	s3 =	simm.s32 @p1 $0x0;
	s6 =	ssub.s32 $0xA, s12;
	s8 =	simm.s32 @p4 $0x0  }
0x30: {  	s31 =	sor.u32 $0x40, s14;
	s9 =	simm.s32 $0x8000;
	s10 =	simm.s32 $0x10000  }
0x31: {  	s12 =	simm.s32 $0x4;
	s14 =	simm.s32 $0x5;
	[dreg:$0xf] =	wrdreg s25  }
0x32: {  	[dreg:$0x12] =	wrdreg s1;
	s1 =	ssub.s32 $0xA, s5;
	s5 =	ssub.s32 $0xA, s11  }
0x33: {  	s6 =	simm.s32 @p3 $0x0;
	s24 =	sand.u32 $0xFFFE, s3;
	s3 =	ssub.s32 $0xA, s7  }
0x34: {  	s28 =	sand.u32 $0xFFFE, s8;
	s7 =	simm.s32 $0x1;
	s8 =	simm.s32 $0x7  }
0x35: {  	s11 =	simm.s32 $0x2;
	s1 =	simm.s32 @p0 $0x0;
	s5 =	simm.s32 @p2 $0x0  }
0x36: {  	_ =	strace $0x80000047;
	s26 =	sand.u32 $0xFFFE, s6;
	[dreg:$0x15] =	wrdreg s4  }
0x37: {  	s3 =	simm.s32 @p6 $0x0;
	[dreg:$0x17] =	wrdreg s0;
	s16 =	sshll.u32 s24, $0x7  }
0x38: {  	s20 =	sshll.u32 s28, $0x7;
	s13 =	sand.u32 $0xFFFE, s1;
	s25 =	sand.u32 $0xFFFE, s5  }
0x39: {  	s1 =	ssub.s32 $0xA, s18;
	s30 =	sand.u32 $0xFFFE, s3;
	s21 =	sor.u32 $0x10000, s16  }
0x3a: {  	s18 =	sshll.u32 s26, $0x7;
	s4 =	sor.u32 $0x10000, s20;
	s16 =	simm.s32 $0x0  }
.Ltmp0:
0x3b: {  	s1 =	simm.s32 @p5 $0x0;
	[dreg:$0x16] =	wrdreg s13;
	(pc) =	sbr.rel .LBB2_1-.Ltmp0, $4  }
0x3c: {  	s15 =	sshll.u32 s13, $0x7;
	s17 =	sshll.u32 s25, $0x7;
	s23 =	sshll.u32 s30, $0x7  }
0x3d: {  	s13 =	simm.s32 $0x3;
	s29 =	sand.u32 $0xFFFE, s1;
	s0 =	sor.u32 $0x8000, s15  }
0x3e: {  	s3 =	sor.u32 $0x40, s17;
	s1 =	sor.u32 $0x8000, s18;
	s22 =	sshll.u32 s29, $0x7  }
0x3f: {  	v0 =	vimm.f32 $0.0e+00;
	s6 =	sor.u32 $0x8000, s23;
	s15 =	simm.s32 $0x6;
	s5 =	sor.u32 $0x40, s22  }
.LBB2_32:
0x40: {  	[tilespmem:s18+$0x10] =	vst v0  }
.LBB2_33:
0x41: {  	s17 =	rddreg [dreg:$0x14]  }
0x42: {  	[hbm4b:s17+s19] =	stream.linear.scatter [tilespmem:s9], [sflag:$0x5], $0x8000, $0x38;
	[tilespmem:$0x18080] =	vst v63  }
0x43: {  	_ =	swait.ge [sflag:s15], $0x8000  }
0x44: {  	[sflag:s15] =	ssyncset.done $0x0  }
0x45: {  	[sflag:s15] =	ssyncadd.s32 $0xFFFF8000  }
0x46: {  	_ =	swait.ge [sflag:s12], $0x8000  }
0x47: {  	[sflag:s12] =	ssyncset.done $0x0  }
0x48: {  	[sflag:s12] =	ssyncadd.s32 $0xFFFF8000  }
0x49: {  	_ =	swait.ge [sflag:s14], $0x8000  }
0x4a: {  	s16 =	sadd.s32 $0x1, s16;
	s23 =	rddreg [dreg:$0x17]  }
0x4b: {  	p0 =	sne.s32 s16, s23  }
.Ltmp1:
0x4c: {  	_ = 	snop;
	(pc) =	sbr.rel @!p0 .LBB2_34-.Ltmp1, $3  }
0x4d: {  	_ =	sdelay $0x1  }
0x4e: {  	[sflag:s14] =	ssyncset.done $0x0  }
0x4f: {  	[sflag:s14] =	ssyncadd.s32 $0xFFFF8000  }
.LBB2_1:
0x50: {  	s17 =	rddreg [dreg:$0x1];
	s18 =	simm.s32 $0x18000  }
0x51: {  	[tilespmem:s18], [sflag:$0x7] =	stream.linear.gather [hbm4b:s17+s19], $0x10, $0x38;
	[tilespmem:$0x18080] =	vst v63  }
0x52: {  	_ =	swait.ge [sflag:s8], $0x10  }
0x53: {  	[sflag:s8] =	ssyncset.done $0x0  }
0x54: {  	s18 =	rddreg [dreg:$0x4];
	[sflag:s8] =	ssyncadd.s32 $0xFFFFFFF0  }
0x55: {  	v1 =	vld [tilespmem:s18+$0x18000];
	_ =	sdelay $0x4  }
0x56: {  	(v2sf) =	vpush v1, $0x0;
	_ =	sdelay $0xc  }
0x57: {  	s22 =	rddreg [dreg:$0x5]  }
0x58: {  	[tilespmem:s19], [sflag:$0x1] =	stream.linear.gather [hbm4b:s22+s19], $0x8000, $0x38;
	[tilespmem:$0x18080] =	vst v63  }
0x59: {  	s20 =	spop (v2sf)  }
0x5a: {  	s17 =	ssub.s32 s20, s2  }
0x5b: {  	p0 =	slt.s32 s17, $0x800  }
0x5c: {  	p1 =	sgt.s32 s20, $0x400;
	s17 =	simm.s32 @!p0 $0x800  }
0x5d: {  	s17 =	simm.s32 @!p1 $0x0  }
0x5e: {  	p0 =	sgt.s32 s17, $0x0;
	s18 =	smov.u32 s17  }
0x5f: {  	s18 =	simm.s32 @!p0 $0x0  }
0x60: {  	s20 =	rddreg [dreg:$0x15];
	s18 =	smin.u32 s18, $0x100  }
0x61: {  	s18 =	ssub.s32 s18, s20  }
0x62: {  	s20 =	sadd.s32 $0x9, s18  }
0x63: {  	s23 =	rddreg [dreg:$0x6];
	s22 =	smul.u32 $0xFFFFCCCD, s20  }
0x64: {  	[tilespmem:s9], [sflag:$0x2] =	stream.linear.gather [hbm4b:s23+s19], $0x8000, $0x38;
	[tilespmem:$0x18080] =	vst v63  }
0x65: {  	s23 =	sand.u32 $0xFFFE, s22  }
0x66: {  	s22 =	sshll.u32 s22, $0xF;
	s23 =	sshrl.u32 s23, $0x1  }
0x67: {  	s22 =	sor.u32 s22, s23;
	s23 =	rddreg [dreg:$0x7]  }
0x68: {  	[tilespmem:s10], [sflag:$0x3] =	stream.linear.gather [hbm4b:s23+s19], $0x8000, $0x38;
	[tilespmem:$0x18080] =	vst v63  }
0x69: {  	s22 =	sand.u32 $0xFFFF, s22  }
0x6a: {  	p5 =	slt.s32 s18, $0xFFFFFFF8;
	s20 =	sand.u32 $0xFFFF, s20;
	p6 =	sgt.u32 s22, $0x1999  }
0x6b: {  	s23 =	smul.u32 $0xCCCD, s20;
	p0 =	por !p5, !p6  }
0x6c: {  	s20 =	simm.s32 $0x1;
	p0 =	por !p0, !p0  }
0x6d: {  	s18 =	sshrl.u32 s23, $0x13;
	s20 =	simm.s32 @!p0 $0x0  }
0x6e: {  	s18 =	ssub.s32 s18, s20  }
0x6f: {  	p0 =	slt.s32 s18, $0x1  }
.Ltmp2:
0x70: {  	_ = 	snop;
	(pc) =	sbr.rel @p0 .LBB2_5-.Ltmp2, $4  }
0x71: {  	_ = 	snop  }
0x72: {  	_ =	swait.ge [sflag:s7], $0x8000  }
0x73: {  	[sflag:s7] =	ssyncset.done $0x0  }
0x74: {  	[sflag:s7] =	ssyncadd.s32 $0xFFFF8000  }
0x75: {  	s18 =	ssub.s32 $0x0, s18  }
0x76: {  	[tilespmem:s31+$0xFFFFFFC0] =	vst v0;
	s18 =	sadd.s32 $0x1, s18  }
0x77: {  	[tilespmem:s31+$0x30] =	vst v0;
	p0 =	seq.s32 s18, $0x0  }
.Ltmp3:
0x78: {  	[tilespmem:s31+$0x20] =	vst v0;
	(pc) =	sbr.rel @p0 .LBB2_4-.Ltmp3, $4  }
0x79: {  	[tilespmem:s31+$0x10] =	vst v0  }
0x7a: {  	[tilespmem:s31+$0x0] =	vst v0  }
0x7b: {  	[tilespmem:s31+$0xFFFFFFF0] =	vst v0  }
0x7c: {  	[tilespmem:s31+$0xFFFFFFE0] =	vst v0;
	s20 =	smov.u32 s31  }
.LBB2_3:
0x7d: {  	s18 =	sadd.s32 $0x1, s18;
	[tilespmem:s20+$0xFFFFFFD0] =	vst v0;
	s20 =	sadd.s32 $0x500, s20  }
0x7e: {  	[tilespmem:s20+$0xFFFFFFC0] =	vst v0;
	p0 =	seq.s32 s18, $0x0  }
0x7f: {  	[tilespmem:s20+$0x30] =	vst v0  }
.Ltmp4:
0x80: {  	[tilespmem:s20+$0x20] =	vst v0;
	(pc) =	sbr.rel @!p0 .LBB2_3-.Ltmp4, $4  }
0x81: {  	[tilespmem:s20+$0x10] =	vst v0  }
0x82: {  	[tilespmem:s20+$0x0] =	vst v0  }
0x83: {  	[tilespmem:s20+$0xFFFFFFF0] =	vst v0  }
0x84: {  	[tilespmem:s20+$0xFFFFFFE0] =	vst v0  }
.LBB2_4:
0x85: {  	[tilespmem:s20+$0xFFFFFFD0] =	vst v0  }
.LBB2_5:
0x86: {  	s18 =	sadd.s32 $0xFFFFFF00, s17  }
0x87: {  	p0 =	sgt.s32 s18, $0x0  }
0x88: {  	s18 =	simm.s32 @!p0 $0x0  }
0x89: {  	s20 =	rddreg [dreg:$0x16];
	s18 =	smin.u32 s18, $0x100  }
0x8a: {  	s18 =	ssub.s32 s18, s20  }
0x8b: {  	s20 =	sadd.s32 $0x9, s18  }
0x8c: {  	s22 =	smul.u32 $0xCCCCCCCD, s20;
	_ =	sdelay $0x1  }
0x8d: {  	s23 =	sshll.u32 s22, $0x1F;
	s22 =	sshrl.u32 s22, $0x1  }
0x8e: {  	s22 =	sor.u32 s23, s22;
	s23 =	rddreg [dreg:$0x8]  }
0x8f: {  	[hbm4b:s23+s19] =	stream.linear.scatter [tilespmem:s19], [sflag:$0x4], $0x8000, $0x38;
	[tilespmem:$0x18080] =	vst v63  }
0x90: {  	p6 =	slt.s32 s18, $0xFFFFFFF8;
	p1 =	sgt.u32 s22, $0x19999999  }
0x91: {  	s23 =	smulhi.u32 $0xCCCCCCCD, s20;
	p0 =	por !p6, !p1  }
0x92: {  	s20 =	simm.s32 $0x1;
	p0 =	por !p0, !p0  }
0x93: {  	s18 =	sshrl.u32 s23, $0x3;
	s20 =	simm.s32 @!p0 $0x0  }
0x94: {  	s18 =	ssub.s32 s18, s20  }
0x95: {  	p0 =	slt.s32 s18, $0x1  }
.Ltmp5:
0x96: {  	_ = 	snop;
	(pc) =	sbr.rel @p0 .LBB2_9-.Ltmp5, $4  }
0x97: {  	_ = 	snop  }
0x98: {  	_ =	swait.ge [sflag:s11], $0x8000  }
0x99: {  	[sflag:s11] =	ssyncset.done $0x0  }
0x9a: {  	[sflag:s11] =	ssyncadd.s32 $0xFFFF8000  }
0x9b: {  	s18 =	ssub.s32 $0x0, s18  }
0x9c: {  	[tilespmem:s0+$0x0] =	vst v0;
	s18 =	sadd.s32 $0x1, s18  }
0x9d: {  	[tilespmem:s0+$0x70] =	vst v0;
	p0 =	seq.s32 s18, $0x0  }
.Ltmp6:
0x9e: {  	[tilespmem:s0+$0x60] =	vst v0;
	(pc) =	sbr.rel @p0 .LBB2_8-.Ltmp6, $4  }
0x9f: {  	[tilespmem:s0+$0x50] =	vst v0  }
0xa0: {  	[tilespmem:s0+$0x40] =	vst v0  }
0xa1: {  	[tilespmem:s0+$0x30] =	vst v0  }
0xa2: {  	[tilespmem:s0+$0x20] =	vst v0;
	s20 =	smov.u32 s0  }
.LBB2_7:
0xa3: {  	s18 =	sadd.s32 $0x1, s18;
	[tilespmem:s20+$0x10] =	vst v0;
	s20 =	sadd.s32 $0x500, s20  }
0xa4: {  	[tilespmem:s20+$0x0] =	vst v0;
	p0 =	seq.s32 s18, $0x0  }
0xa5: {  	[tilespmem:s20+$0x70] =	vst v0  }
.Ltmp7:
0xa6: {  	[tilespmem:s20+$0x60] =	vst v0;
	(pc) =	sbr.rel @!p0 .LBB2_7-.Ltmp7, $4  }
0xa7: {  	[tilespmem:s20+$0x50] =	vst v0  }
0xa8: {  	[tilespmem:s20+$0x40] =	vst v0  }
0xa9: {  	[tilespmem:s20+$0x30] =	vst v0  }
0xaa: {  	[tilespmem:s20+$0x20] =	vst v0  }
.LBB2_8:
0xab: {  	[tilespmem:s20+$0x10] =	vst v0  }
.LBB2_9:
0xac: {  	s18 =	rddreg [dreg:$0x9]  }
0xad: {  	[hbm4b:s18+s19] =	stream.linear.scatter [tilespmem:s9], [sflag:$0x5], $0x8000, $0x38;
	[tilespmem:$0x18080] =	vst v63  }
0xae: {  	s18 =	sadd.s32 $0xFFFFFE00, s17  }
0xaf: {  	p0 =	sgt.s32 s18, $0x0  }
0xb0: {  	s18 =	simm.s32 @!p0 $0x0  }
0xb1: {  	s18 =	smin.u32 s18, $0x100  }
0xb2: {  	s18 =	ssub.s32 s18, s24  }
0xb3: {  	s20 =	sadd.s32 $0x9, s18  }
0xb4: {  	s22 =	smul.u32 $0xCCCCCCCD, s20  }
0xb5: {  	_ =	swait.ge [sflag:s12], $0x8000  }
0xb6: {  	[sflag:s12] =	ssyncset.done $0x0;
	s23 =	sshll.u32 s22, $0x1F;
	s22 =	sshrl.u32 s22, $0x1  }
0xb7: {  	[sflag:s12] =	ssyncadd.s32 $0xFFFF8000;
	s22 =	sor.u32 s23, s22;
	s23 =	rddreg [dreg:$0xa]  }
0xb8: {  	[tilespmem:s19], [sflag:$0x1] =	stream.linear.gather [hbm4b:s23+s19], $0x8000, $0x38;
	[tilespmem:$0x18080] =	vst v63  }
0xb9: {  	p6 =	slt.s32 s18, $0xFFFFFFF8;
	p1 =	sgt.u32 s22, $0x19999999  }
0xba: {  	s23 =	smulhi.u32 $0xCCCCCCCD, s20;
	p0 =	por !p6, !p1  }
0xbb: {  	s20 =	simm.s32 $0x1;
	p0 =	por !p0, !p0  }
0xbc: {  	s18 =	sshrl.u32 s23, $0x3;
	s20 =	simm.s32 @!p0 $0x0  }
0xbd: {  	s18 =	ssub.s32 s18, s20  }
0xbe: {  	p0 =	slt.s32 s18, $0x1  }
.Ltmp8:
0xbf: {  	_ = 	snop;
	(pc) =	sbr.rel @p0 .LBB2_13-.Ltmp8, $4  }
0xc0: {  	_ = 	snop  }
0xc1: {  	_ =	swait.ge [sflag:s13], $0x8000  }
0xc2: {  	[sflag:s13] =	ssyncset.done $0x0  }
0xc3: {  	[sflag:s13] =	ssyncadd.s32 $0xFFFF8000  }
0xc4: {  	s18 =	ssub.s32 $0x0, s18  }
0xc5: {  	[tilespmem:s21+$0x0] =	vst v0;
	s18 =	sadd.s32 $0x1, s18  }
0xc6: {  	[tilespmem:s21+$0x70] =	vst v0;
	p0 =	seq.s32 s18, $0x0  }
.Ltmp9:
0xc7: {  	[tilespmem:s21+$0x60] =	vst v0;
	(pc) =	sbr.rel @p0 .LBB2_12-.Ltmp9, $4  }
0xc8: {  	[tilespmem:s21+$0x50] =	vst v0  }
0xc9: {  	[tilespmem:s21+$0x40] =	vst v0  }
0xca: {  	[tilespmem:s21+$0x30] =	vst v0  }
0xcb: {  	[tilespmem:s21+$0x20] =	vst v0;
	s20 =	smov.u32 s21  }
.LBB2_11:
0xcc: {  	s18 =	sadd.s32 $0x1, s18;
	[tilespmem:s20+$0x10] =	vst v0;
	s20 =	sadd.s32 $0x500, s20  }
0xcd: {  	[tilespmem:s20+$0x0] =	vst v0;
	p0 =	seq.s32 s18, $0x0  }
0xce: {  	[tilespmem:s20+$0x70] =	vst v0  }
.Ltmp10:
0xcf: {  	[tilespmem:s20+$0x60] =	vst v0;
	(pc) =	sbr.rel @!p0 .LBB2_11-.Ltmp10, $4  }
0xd0: {  	[tilespmem:s20+$0x50] =	vst v0  }
0xd1: {  	[tilespmem:s20+$0x40] =	vst v0  }
0xd2: {  	[tilespmem:s20+$0x30] =	vst v0  }
0xd3: {  	[tilespmem:s20+$0x20] =	vst v0  }
.LBB2_12:
0xd4: {  	[tilespmem:s20+$0x10] =	vst v0  }
.LBB2_13:
0xd5: {  	s18 =	rddreg [dreg:$0xb]  }
0xd6: {  	[hbm4b:s18+s19] =	stream.linear.scatter [tilespmem:s10], [sflag:$0x6], $0x8000, $0x38;
	[tilespmem:$0x18080] =	vst v63  }
0xd7: {  	s18 =	sadd.s32 $0xFFFFFD00, s17  }
0xd8: {  	p0 =	sgt.s32 s18, $0x0  }
0xd9: {  	s18 =	simm.s32 @!p0 $0x0  }
0xda: {  	s18 =	smin.u32 s18, $0x100  }
0xdb: {  	s18 =	ssub.s32 s18, s25  }
0xdc: {  	s20 =	sadd.s32 $0x9, s18  }
0xdd: {  	s22 =	smul.u32 $0xCCCCCCCD, s20  }
0xde: {  	_ =	swait.ge [sflag:s14], $0x8000  }
0xdf: {  	[sflag:s14] =	ssyncset.done $0x0;
	s23 =	sshll.u32 s22, $0x1F;
	s22 =	sshrl.u32 s22, $0x1  }
0xe0: {  	[sflag:s14] =	ssyncadd.s32 $0xFFFF8000;
	s22 =	sor.u32 s23, s22;
	s23 =	rddreg [dreg:$0xd]  }
0xe1: {  	[tilespmem:s9], [sflag:$0x2] =	stream.linear.gather [hbm4b:s23+s19], $0x8000, $0x38;
	[tilespmem:$0x18080] =	vst v63  }
0xe2: {  	p6 =	slt.s32 s18, $0xFFFFFFF8;
	p1 =	sgt.u32 s22, $0x19999999  }
0xe3: {  	s23 =	smulhi.u32 $0xCCCCCCCD, s20;
	p0 =	por !p6, !p1  }
0xe4: {  	s20 =	simm.s32 $0x1;
	p0 =	por !p0, !p0  }
0xe5: {  	s18 =	sshrl.u32 s23, $0x3;
	s20 =	simm.s32 @!p0 $0x0  }
0xe6: {  	s18 =	ssub.s32 s18, s20  }
0xe7: {  	p0 =	slt.s32 s18, $0x1  }
.Ltmp11:
0xe8: {  	_ = 	snop;
	(pc) =	sbr.rel @p0 .LBB2_17-.Ltmp11, $4  }
0xe9: {  	_ = 	snop  }
0xea: {  	_ =	swait.ge [sflag:s7], $0x8000  }
0xeb: {  	[sflag:s7] =	ssyncset.done $0x0  }
0xec: {  	[sflag:s7] =	ssyncadd.s32 $0xFFFF8000  }
0xed: {  	s18 =	ssub.s32 $0x0, s18  }
0xee: {  	[tilespmem:s3+$0xFFFFFFC0] =	vst v0;
	s18 =	sadd.s32 $0x1, s18  }
0xef: {  	[tilespmem:s3+$0x30] =	vst v0;
	p0 =	seq.s32 s18, $0x0  }
.Ltmp12:
0xf0: {  	[tilespmem:s3+$0x20] =	vst v0;
	(pc) =	sbr.rel @p0 .LBB2_16-.Ltmp12, $4  }
0xf1: {  	[tilespmem:s3+$0x10] =	vst v0  }
0xf2: {  	[tilespmem:s3+$0x0] =	vst v0  }
0xf3: {  	[tilespmem:s3+$0xFFFFFFF0] =	vst v0  }
0xf4: {  	[tilespmem:s3+$0xFFFFFFE0] =	vst v0;
	s20 =	smov.u32 s3  }
.LBB2_15:
0xf5: {  	s18 =	sadd.s32 $0x1, s18;
	[tilespmem:s20+$0xFFFFFFD0] =	vst v0;
	s20 =	sadd.s32 $0x500, s20  }
0xf6: {  	[tilespmem:s20+$0xFFFFFFC0] =	vst v0;
	p0 =	seq.s32 s18, $0x0  }
0xf7: {  	[tilespmem:s20+$0x30] =	vst v0  }
.Ltmp13:
0xf8: {  	[tilespmem:s20+$0x20] =	vst v0;
	(pc) =	sbr.rel @!p0 .LBB2_15-.Ltmp13, $4  }
0xf9: {  	[tilespmem:s20+$0x10] =	vst v0  }
0xfa: {  	[tilespmem:s20+$0x0] =	vst v0  }
0xfb: {  	[tilespmem:s20+$0xFFFFFFF0] =	vst v0  }
0xfc: {  	[tilespmem:s20+$0xFFFFFFE0] =	vst v0  }
.LBB2_16:
0xfd: {  	[tilespmem:s20+$0xFFFFFFD0] =	vst v0  }
.LBB2_17:
0xfe: {  	s18 =	rddreg [dreg:$0xc]  }
0xff: {  	[hbm4b:s18+s19] =	stream.linear.scatter [tilespmem:s19], [sflag:$0x4], $0x8000, $0x38;
	[tilespmem:$0x18080] =	vst v63  }
0x100: {  	s18 =	sadd.s32 $0xFFFFFC00, s17  }
0x101: {  	p0 =	sgt.s32 s18, $0x0  }
0x102: {  	s18 =	simm.s32 @!p0 $0x0  }
0x103: {  	s18 =	smin.u32 s18, $0x100  }
0x104: {  	s18 =	ssub.s32 s18, s26  }
0x105: {  	s20 =	sadd.s32 $0x9, s18  }
0x106: {  	s22 =	smul.u32 $0xCCCCCCCD, s20  }
0x107: {  	_ =	swait.ge [sflag:s15], $0x8000  }
0x108: {  	[sflag:s15] =	ssyncset.done $0x0;
	s23 =	sshll.u32 s22, $0x1F;
	s22 =	sshrl.u32 s22, $0x1  }
0x109: {  	[sflag:s15] =	ssyncadd.s32 $0xFFFF8000;
	s22 =	sor.u32 s23, s22;
	s23 =	rddreg [dreg:$0xf]  }
0x10a: {  	[tilespmem:s10], [sflag:$0x3] =	stream.linear.gather [hbm4b:s23+s19], $0x8000, $0x38;
	[tilespmem:$0x18080] =	vst v63  }
0x10b: {  	p6 =	slt.s32 s18, $0xFFFFFFF8;
	p1 =	sgt.u32 s22, $0x19999999  }
0x10c: {  	s23 =	smulhi.u32 $0xCCCCCCCD, s20;
	p0 =	por !p6, !p1  }
0x10d: {  	s20 =	simm.s32 $0x1;
	p0 =	por !p0, !p0  }
0x10e: {  	s18 =	sshrl.u32 s23, $0x3;
	s20 =	simm.s32 @!p0 $0x0  }
0x10f: {  	s18 =	ssub.s32 s18, s20  }
0x110: {  	p0 =	slt.s32 s18, $0x1  }
.Ltmp14:
0x111: {  	_ = 	snop;
	(pc) =	sbr.rel @p0 .LBB2_21-.Ltmp14, $4  }
0x112: {  	_ = 	snop  }
0x113: {  	_ =	swait.ge [sflag:s11], $0x8000  }
0x114: {  	[sflag:s11] =	ssyncset.done $0x0  }
0x115: {  	[sflag:s11] =	ssyncadd.s32 $0xFFFF8000  }
0x116: {  	s18 =	ssub.s32 $0x0, s18  }
0x117: {  	[tilespmem:s1+$0x0] =	vst v0;
	s18 =	sadd.s32 $0x1, s18  }
0x118: {  	[tilespmem:s1+$0x70] =	vst v0;
	p0 =	seq.s32 s18, $0x0  }
.Ltmp15:
0x119: {  	[tilespmem:s1+$0x60] =	vst v0;
	(pc) =	sbr.rel @p0 .LBB2_20-.Ltmp15, $4  }
0x11a: {  	[tilespmem:s1+$0x50] =	vst v0  }
0x11b: {  	[tilespmem:s1+$0x40] =	vst v0  }
0x11c: {  	[tilespmem:s1+$0x30] =	vst v0  }
0x11d: {  	[tilespmem:s1+$0x20] =	vst v0;
	s20 =	smov.u32 s1  }
.LBB2_19:
0x11e: {  	s18 =	sadd.s32 $0x1, s18;
	[tilespmem:s20+$0x10] =	vst v0;
	s20 =	sadd.s32 $0x500, s20  }
0x11f: {  	[tilespmem:s20+$0x0] =	vst v0;
	p0 =	seq.s32 s18, $0x0  }
0x120: {  	[tilespmem:s20+$0x70] =	vst v0  }
.Ltmp16:
0x121: {  	[tilespmem:s20+$0x60] =	vst v0;
	(pc) =	sbr.rel @!p0 .LBB2_19-.Ltmp16, $4  }
0x122: {  	[tilespmem:s20+$0x50] =	vst v0  }
0x123: {  	[tilespmem:s20+$0x40] =	vst v0  }
0x124: {  	[tilespmem:s20+$0x30] =	vst v0  }
0x125: {  	[tilespmem:s20+$0x20] =	vst v0  }
.LBB2_20:
0x126: {  	[tilespmem:s20+$0x10] =	vst v0  }
.LBB2_21:
0x127: {  	s18 =	rddreg [dreg:$0xe]  }
0x128: {  	[hbm4b:s18+s19] =	stream.linear.scatter [tilespmem:s9], [sflag:$0x5], $0x8000, $0x38;
	[tilespmem:$0x18080] =	vst v63  }
0x129: {  	s18 =	sadd.s32 $0xFFFFFB00, s17  }
0x12a: {  	p0 =	sgt.s32 s18, $0x0  }
0x12b: {  	s18 =	simm.s32 @!p0 $0x0  }
0x12c: {  	s18 =	smin.u32 s18, $0x100  }
0x12d: {  	s18 =	ssub.s32 s18, s28  }
0x12e: {  	s20 =	sadd.s32 $0x9, s18  }
0x12f: {  	s22 =	smul.u32 $0xCCCCCCCD, s20  }
0x130: {  	_ =	swait.ge [sflag:s12], $0x8000  }
0x131: {  	[sflag:s12] =	ssyncset.done $0x0;
	s23 =	sshll.u32 s22, $0x1F;
	s22 =	sshrl.u32 s22, $0x1  }
0x132: {  	[sflag:s12] =	ssyncadd.s32 $0xFFFF8000;
	s22 =	sor.u32 s23, s22;
	s23 =	rddreg [dreg:$0x11]  }
0x133: {  	[tilespmem:s19], [sflag:$0x1] =	stream.linear.gather [hbm4b:s23+s19], $0x8000, $0x38;
	[tilespmem:$0x18080] =	vst v63  }
0x134: {  	p6 =	slt.s32 s18, $0xFFFFFFF8;
	p1 =	sgt.u32 s22, $0x19999999  }
0x135: {  	s23 =	smulhi.u32 $0xCCCCCCCD, s20;
	p0 =	por !p6, !p1  }
0x136: {  	s20 =	simm.s32 $0x1;
	p0 =	por !p0, !p0  }
0x137: {  	s18 =	sshrl.u32 s23, $0x3;
	s20 =	simm.s32 @!p0 $0x0  }
0x138: {  	s18 =	ssub.s32 s18, s20  }
0x139: {  	p0 =	slt.s32 s18, $0x1  }
.Ltmp17:
0x13a: {  	_ = 	snop;
	(pc) =	sbr.rel @p0 .LBB2_25-.Ltmp17, $4  }
0x13b: {  	_ = 	snop  }
0x13c: {  	_ =	swait.ge [sflag:s13], $0x8000  }
0x13d: {  	[sflag:s13] =	ssyncset.done $0x0  }
0x13e: {  	[sflag:s13] =	ssyncadd.s32 $0xFFFF8000  }
0x13f: {  	s18 =	ssub.s32 $0x0, s18  }
0x140: {  	[tilespmem:s4+$0x0] =	vst v0;
	s18 =	sadd.s32 $0x1, s18  }
0x141: {  	[tilespmem:s4+$0x70] =	vst v0;
	p0 =	seq.s32 s18, $0x0  }
.Ltmp18:
0x142: {  	[tilespmem:s4+$0x60] =	vst v0;
	(pc) =	sbr.rel @p0 .LBB2_24-.Ltmp18, $4  }
0x143: {  	[tilespmem:s4+$0x50] =	vst v0  }
0x144: {  	[tilespmem:s4+$0x40] =	vst v0  }
0x145: {  	[tilespmem:s4+$0x30] =	vst v0  }
0x146: {  	[tilespmem:s4+$0x20] =	vst v0;
	s20 =	smov.u32 s4  }
.LBB2_23:
0x147: {  	s18 =	sadd.s32 $0x1, s18;
	[tilespmem:s20+$0x10] =	vst v0;
	s20 =	sadd.s32 $0x500, s20  }
0x148: {  	[tilespmem:s20+$0x0] =	vst v0;
	p0 =	seq.s32 s18, $0x0  }
0x149: {  	[tilespmem:s20+$0x70] =	vst v0  }
.Ltmp19:
0x14a: {  	[tilespmem:s20+$0x60] =	vst v0;
	(pc) =	sbr.rel @!p0 .LBB2_23-.Ltmp19, $4  }
0x14b: {  	[tilespmem:s20+$0x50] =	vst v0  }
0x14c: {  	[tilespmem:s20+$0x40] =	vst v0  }
0x14d: {  	[tilespmem:s20+$0x30] =	vst v0  }
0x14e: {  	[tilespmem:s20+$0x20] =	vst v0  }
.LBB2_24:
0x14f: {  	[tilespmem:s20+$0x10] =	vst v0  }
.LBB2_25:
0x150: {  	s18 =	rddreg [dreg:$0x10]  }
0x151: {  	[hbm4b:s18+s19] =	stream.linear.scatter [tilespmem:s10], [sflag:$0x6], $0x8000, $0x38;
	[tilespmem:$0x18080] =	vst v63  }
0x152: {  	s18 =	sadd.s32 $0xFFFFFA00, s17  }
0x153: {  	p0 =	sgt.s32 s18, $0x0  }
0x154: {  	s18 =	simm.s32 @!p0 $0x0  }
0x155: {  	s18 =	smin.u32 s18, $0x100  }
0x156: {  	s18 =	ssub.s32 s18, s29  }
0x157: {  	s20 =	sadd.s32 $0x9, s18  }
0x158: {  	s22 =	smul.u32 $0xCCCCCCCD, s20  }
0x159: {  	_ =	swait.ge [sflag:s14], $0x8000  }
0x15a: {  	[sflag:s14] =	ssyncset.done $0x0;
	s23 =	sshll.u32 s22, $0x1F;
	s22 =	sshrl.u32 s22, $0x1  }
0x15b: {  	[sflag:s14] =	ssyncadd.s32 $0xFFFF8000;
	s22 =	sor.u32 s23, s22;
	s23 =	rddreg [dreg:$0x12]  }
0x15c: {  	[tilespmem:s9], [sflag:$0x2] =	stream.linear.gather [hbm4b:s23+s19], $0x8000, $0x38;
	[tilespmem:$0x18080] =	vst v63  }
0x15d: {  	p6 =	slt.s32 s18, $0xFFFFFFF8;
	p1 =	sgt.u32 s22, $0x19999999  }
0x15e: {  	s23 =	smulhi.u32 $0xCCCCCCCD, s20;
	p0 =	por !p6, !p1  }
0x15f: {  	s20 =	simm.s32 $0x1;
	p0 =	por !p0, !p0  }
0x160: {  	s18 =	sshrl.u32 s23, $0x3;
	s20 =	simm.s32 @!p0 $0x0  }
0x161: {  	s18 =	ssub.s32 s18, s20  }
0x162: {  	p0 =	slt.s32 s18, $0x1  }
.Ltmp20:
0x163: {  	_ = 	snop;
	(pc) =	sbr.rel @p0 .LBB2_29-.Ltmp20, $4  }
0x164: {  	_ = 	snop  }
0x165: {  	_ =	swait.ge [sflag:s7], $0x8000  }
0x166: {  	[sflag:s7] =	ssyncset.done $0x0  }
0x167: {  	[sflag:s7] =	ssyncadd.s32 $0xFFFF8000  }
0x168: {  	s18 =	ssub.s32 $0x0, s18  }
0x169: {  	[tilespmem:s5+$0xFFFFFFC0] =	vst v0;
	s18 =	sadd.s32 $0x1, s18  }
0x16a: {  	[tilespmem:s5+$0x30] =	vst v0;
	p0 =	seq.s32 s18, $0x0  }
.Ltmp21:
0x16b: {  	[tilespmem:s5+$0x20] =	vst v0;
	(pc) =	sbr.rel @p0 .LBB2_28-.Ltmp21, $4  }
0x16c: {  	[tilespmem:s5+$0x10] =	vst v0  }
0x16d: {  	[tilespmem:s5+$0x0] =	vst v0  }
0x16e: {  	[tilespmem:s5+$0xFFFFFFF0] =	vst v0  }
0x16f: {  	[tilespmem:s5+$0xFFFFFFE0] =	vst v0;
	s20 =	smov.u32 s5  }
.LBB2_27:
0x170: {  	s18 =	sadd.s32 $0x1, s18;
	[tilespmem:s20+$0xFFFFFFD0] =	vst v0;
	s20 =	sadd.s32 $0x500, s20  }
0x171: {  	[tilespmem:s20+$0xFFFFFFC0] =	vst v0;
	p0 =	seq.s32 s18, $0x0  }
0x172: {  	[tilespmem:s20+$0x30] =	vst v0  }
.Ltmp22:
0x173: {  	[tilespmem:s20+$0x20] =	vst v0;
	(pc) =	sbr.rel @!p0 .LBB2_27-.Ltmp22, $4  }
0x174: {  	[tilespmem:s20+$0x10] =	vst v0  }
0x175: {  	[tilespmem:s20+$0x0] =	vst v0  }
0x176: {  	[tilespmem:s20+$0xFFFFFFF0] =	vst v0  }
0x177: {  	[tilespmem:s20+$0xFFFFFFE0] =	vst v0  }
.LBB2_28:
0x178: {  	[tilespmem:s20+$0xFFFFFFD0] =	vst v0  }
.LBB2_29:
0x179: {  	s17 =	sadd.s32 $0xFFFFF900, s17  }
0x17a: {  	p0 =	sgt.s32 s17, $0x0  }
0x17b: {  	s17 =	simm.s32 @!p0 $0x0  }
0x17c: {  	s17 =	smin.u32 s17, $0x100  }
0x17d: {  	s17 =	ssub.s32 s17, s30  }
0x17e: {  	s18 =	sadd.s32 $0x9, s17  }
0x17f: {  	s23 =	rddreg [dreg:$0x13];
	s20 =	smul.u32 $0xCCCCCCCD, s18  }
0x180: {  	[hbm4b:s23+s19] =	stream.linear.scatter [tilespmem:s19], [sflag:$0x4], $0x8000, $0x38;
	[tilespmem:$0x18080] =	vst v63  }
0x181: {  	s22 =	sshll.u32 s20, $0x1F;
	s20 =	sshrl.u32 s20, $0x1  }
0x182: {  	s20 =	sor.u32 s22, s20  }
0x183: {  	p6 =	slt.s32 s17, $0xFFFFFFF8;
	p1 =	sgt.u32 s20, $0x19999999  }
0x184: {  	s23 =	smulhi.u32 $0xCCCCCCCD, s18;
	p0 =	por !p6, !p1  }
0x185: {  	s18 =	simm.s32 $0x1;
	p0 =	por !p0, !p0  }
0x186: {  	s17 =	sshrl.u32 s23, $0x3;
	s18 =	simm.s32 @!p0 $0x0  }
0x187: {  	s17 =	ssub.s32 s17, s18  }
0x188: {  	p0 =	slt.s32 s17, $0x1  }
.Ltmp23:
0x189: {  	_ = 	snop;
	(pc) =	sbr.rel @p0 .LBB2_33-.Ltmp23, $4  }
0x18a: {  	_ = 	snop  }
0x18b: {  	_ =	swait.ge [sflag:s11], $0x8000  }
0x18c: {  	[sflag:s11] =	ssyncset.done $0x0  }
0x18d: {  	[sflag:s11] =	ssyncadd.s32 $0xFFFF8000  }
0x18e: {  	s17 =	ssub.s32 $0x0, s17  }
0x18f: {  	[tilespmem:s6+$0x0] =	vst v0;
	s17 =	sadd.s32 $0x1, s17  }
0x190: {  	[tilespmem:s6+$0x70] =	vst v0;
	p0 =	seq.s32 s17, $0x0  }
.Ltmp24:
0x191: {  	[tilespmem:s6+$0x60] =	vst v0;
	(pc) =	sbr.rel @p0 .LBB2_32-.Ltmp24, $4  }
0x192: {  	[tilespmem:s6+$0x50] =	vst v0  }
0x193: {  	[tilespmem:s6+$0x40] =	vst v0  }
0x194: {  	[tilespmem:s6+$0x30] =	vst v0  }
0x195: {  	[tilespmem:s6+$0x20] =	vst v0;
	s18 =	smov.u32 s6  }
.LBB2_31:
0x196: {  	s17 =	sadd.s32 $0x1, s17;
	[tilespmem:s18+$0x10] =	vst v0;
	s18 =	sadd.s32 $0x500, s18  }
0x197: {  	[tilespmem:s18+$0x0] =	vst v0;
	p0 =	seq.s32 s17, $0x0  }
0x198: {  	[tilespmem:s18+$0x70] =	vst v0  }
.Ltmp25:
0x199: {  	[tilespmem:s18+$0x60] =	vst v0;
	(pc) =	sbr.rel @!p0 .LBB2_31-.Ltmp25, $4  }
0x19a: {  	[tilespmem:s18+$0x50] =	vst v0  }
0x19b: {  	[tilespmem:s18+$0x40] =	vst v0  }
0x19c: {  	[tilespmem:s18+$0x30] =	vst v0  }
0x19d: {  	[tilespmem:s18+$0x20] =	vst v0  }
.Ltmp26:
0x19e: {  	_ = 	snop;
	(pc) =	sbr.rel .LBB2_32-.Ltmp26, $1  }
0x19f: {  	_ =	sdelay $0x3  }
.LBB2_34:
0x1a0: {  	_ =	sfence.sel $0x180000  }
0x1a1: {  	[bflag:$0x0] =	sbarrier.arrive $0xFFFF  }
0x1a2: {  	_ =	strace $0x90000047  }
0x1a3: {  	s0 =	stileid.u32;
	[bflag:$0x2] =	sbarrier.arrive $0xFFFF  }
0x1a4: {  	p0 =	sne.s32 s0, $0x0;
	s0 =	rddreg [dreg:$0x3]  }
0x1a5: {  	s0 =	sadd.s32 @!p0 $0x100000, s0  }
0x1a6: {  	[sflag:s0] =	ssyncadd.tile.s32 @!p0 $0x1;
	_ =	shalt  }
.Lfunc_end2:
_tile_overlayer_lowered:
.L_overlay_start_2:
0x1a7: {  	(tag) =	ssettag $0x2  }
0x1a8: {  	s0 =	rddreg [dreg:$0x0];
	s2 =	stileid.u32  }
0x1a9: {  	s1 =	rddreg [dreg:$0x1];
	p0 =	sne.s32 s2, $0x0  }
0x1aa: {  	s3 =	rddreg [dreg:$0x2];
	[bflag:$0x3] =	sbarrier.arrive $0xFFFF;
	s2 =	simm.s32 @!p0 $0x1C07  }
0x1ab: {  	[timem:s3], [sflag:s2] =	dma.local @!p0 [hbm:s0], s1  }
0x1ac: {  	s0 =	simm.s32 @!p0 $0x7  }
0x1ad: {  	_ =	swait.ge @!p0 [sflag:s0], s1  }
0x1ae: {  	s1 =	ssub.s32 @!p0 $0x0, s1;
	[sflag:s0] =	ssyncset.done @!p0 $0x0  }
0x1af: {  	[sflag:s0] =	ssyncadd.s32 @!p0 s1  }
0x1b0: {  	[bflag:$0x3] =	sbarrier.arrive $0xFFFF  }
0x1b1: {  	_ =	shalt  }

</sc_bundles>
